<compile_context>
chip_gen: v7x
topology: tpu7x:2x2x1
jax: 0.10.2.dev20260603
libtpu: 0.0.44.dev20260713+nightly
codegen_flags: <defaults>
</compile_context>

<pallas_src>
import jax
import jax.numpy as jnp
from jax import lax
from jax.experimental import pallas as pl
from jax.experimental.pallas import tpu as pltpu

B, C, H, W = 8, 64, 128, 128
HW = H * W
P0 = W
HWQ = HW + 2 * P0
CHW = 1024
NCH = HW // CHW


def _mk_shifts_wide(s):
    v = s[:, 128:256]
    q = lax.broadcasted_iota(jnp.int32, (HWQ, 128), 0)
    w_of_q = q & (W - 1)
    s[:, 0:128] = jnp.where((w_of_q != 0) & (q < P0 + HW),
                            pltpu.roll(v, 1, 0), jnp.bfloat16(0))
    s[:, 256:384] = jnp.where((w_of_q != W - 1) & (q >= P0),
                              pltpu.roll(v, HWQ - 1, 0), jnp.bfloat16(0))


def _conv_chunk_wide(s, r0, w_ref, b_ref, relu=True):
    acc = None
    for j, dh in enumerate((-1, 0, 1)):
        z = s[pl.ds(P0 + r0 + dh * W, CHW), :]
        d = lax.dot(z, w_ref[j], preferred_element_type=jnp.float32)
        acc = d if acc is None else acc + d
    acc = acc + b_ref[...]
    if relu:
        acc = jnp.maximum(acc, 0.0)
    return acc


def _mk_shifts(s0, sm, sp):
    v = s0[...]
    cin = v.shape[1]
    q = lax.broadcasted_iota(jnp.int32, (HWQ, cin), 0)
    w_of_q = q & (W - 1)
    sm[...] = jnp.where((w_of_q != 0) & (q < P0 + HW),
                        pltpu.roll(v, 1, 0), jnp.bfloat16(0))
    sp[...] = jnp.where((w_of_q != W - 1) & (q >= P0),
                        pltpu.roll(v, HWQ - 1, 0), jnp.bfloat16(0))


def _conv_chunk(srcs, r0, w_ref, b_ref, relu=True):
    taps = []
    for s in srcs:
        for dh in (-1, 0, 1):
            taps.append(s[pl.ds(P0 + r0 + dh * W, CHW), :])
    z = jnp.concatenate(taps, axis=1)
    acc = lax.dot(z, w_ref[...], preferred_element_type=jnp.float32)
    acc = acc + b_ref[...]
    if relu:
        acc = jnp.maximum(acc, 0.0)
    return acc


def _head_kernel(x_ref, w1_ref, b1_ref, cw2_ref, cb2_ref, cwo_ref, cbo_ref,
                 ww2_ref, wb2_ref, wwo_ref, wbo_ref,
                 cls_ref, wh_ref,
                 xs0, xsm, xsp, sh, gs0, dsem):
    gsm, gsp = xsm, xsp
    b = pl.program_id(0)
    cp = pltpu.make_async_copy(x_ref.at[b], xs0.at[pl.ds(P0, HW), :], dsem)
    cp.start()

    @pl.when(b == 0)
    def _zero_pads():
        for ref, cc in ((xs0, C), (sh, 384), (gs0, C)):
            ref[0:P0, :] = jnp.zeros((P0, cc), jnp.bfloat16)
            ref[P0 + HW:, :] = jnp.zeros((P0, cc), jnp.bfloat16)

    cp.wait()
    _mk_shifts(xs0, xsm, xsp)

    for ci in range(NCH):
        r0 = ci * CHW
        a = _conv_chunk((xsm, xs0, xsp), r0, w1_ref, b1_ref)
        ab = a.astype(jnp.bfloat16)
        sh[pl.ds(P0 + r0, CHW), 128:256] = ab[:, :128]
        gs0[pl.ds(P0 + r0, CHW), :] = ab[:, 128:]

    _mk_shifts_wide(sh)
    _mk_shifts(gs0, gsm, gsp)

    for ci in range(NCH):
        r0 = ci * CHW
        h2 = _conv_chunk_wide(sh, r0, cw2_ref, cb2_ref)
        cls = lax.dot(h2.astype(jnp.bfloat16), cwo_ref[...],
                      preferred_element_type=jnp.float32) + cbo_ref[...]
        cls_ref[0, :, pl.ds(r0, CHW)] = jnp.transpose(cls, (1, 0))

        g2 = _conv_chunk((gsm, gs0, gsp), r0, ww2_ref, wb2_ref)
        wh = lax.dot(g2.astype(jnp.bfloat16), wwo_ref[...],
                     preferred_element_type=jnp.float32) + wbo_ref[...]
        wh = jnp.maximum(wh, 0.0) * 16.0
        wh_ref[0, :, pl.ds(r0, CHW)] = jnp.transpose(wh, (1, 0))[:4, :]


def _prep_w3(w):
    wt = jnp.transpose(w, (3, 2, 1, 0))
    return wt.reshape(9 * w.shape[1], w.shape[0]).astype(jnp.bfloat16)


def kernel(x, cls_w0, cls_b0, cls_w1, cls_b1, cls_wout, cls_bout,
           wh_w0, wh_b0, wh_w1, wh_b1, wh_wout, wh_bout):
    xt = jnp.transpose(x, (0, 2, 3, 1)).reshape(B, HW, C).astype(jnp.bfloat16)

    w1 = jnp.concatenate([_prep_w3(cls_w0), _prep_w3(wh_w0)], axis=1)
    b1 = jnp.concatenate([cls_b0, wh_b0]).reshape(1, 192)
    cw2 = jnp.transpose(cls_w1, (2, 3, 1, 0)).reshape(3, 3 * 128, 128)
    cw2 = cw2.astype(jnp.bfloat16)
    ww2 = _prep_w3(wh_w1)
    cwo = jnp.transpose(cls_wout[:, :, 0, 0], (1, 0)).astype(jnp.bfloat16)
    wwo = jnp.transpose(wh_wout[:, :, 0, 0], (1, 0)).astype(jnp.bfloat16)
    wwo = jnp.pad(wwo, ((0, 0), (0, 4)))

    cb2 = cls_b1.reshape(1, 128)
    cbo = cls_bout.reshape(1, 80)
    wb2 = wh_b1.reshape(1, 64)
    wbo = jnp.pad(wh_bout, (0, 4)).reshape(1, 8)

    fixed = lambda *shape: pl.BlockSpec(shape, lambda b: (0,) * len(shape))
    cls_t, wh_t = pl.pallas_call(
        _head_kernel,
        grid=(B,),
        in_specs=[
            pl.BlockSpec(memory_space=pltpu.MemorySpace.HBM),
            fixed(9 * C, 192), fixed(1, 192),
            fixed(3, 3 * 128, 128), fixed(1, 128),
            fixed(128, 80), fixed(1, 80),
            fixed(9 * C, 64), fixed(1, 64),
            fixed(C, 8), fixed(1, 8),
        ],
        out_specs=[
            pl.BlockSpec((1, 80, HW), lambda b: (b, 0, 0)),
            pl.BlockSpec((1, 4, HW), lambda b: (b, 0, 0)),
        ],
        out_shape=[
            jax.ShapeDtypeStruct((B, 80, HW), jnp.float32),
            jax.ShapeDtypeStruct((B, 4, HW), jnp.float32),
        ],
        scratch_shapes=[
            pltpu.VMEM((HWQ, C), jnp.bfloat16),
            pltpu.VMEM((HWQ, C), jnp.bfloat16),
            pltpu.VMEM((HWQ, C), jnp.bfloat16),
            pltpu.VMEM((HWQ, 384), jnp.bfloat16),
            pltpu.VMEM((HWQ, C), jnp.bfloat16),
            pltpu.SemaphoreType.DMA,
        ],
        compiler_params=pltpu.CompilerParams(
            dimension_semantics=("arbitrary",),
            vmem_limit_bytes=64 * 1024 * 1024,
        ),
    )(xt, w1, b1, cw2, cb2, cwo, cbo, ww2, wb2, wwo, wbo)

    cls = cls_t.reshape(B, 80, H, W)
    wh = wh_t.reshape(B, 4, H, W)
    return (cls, wh)

# --- scband reference (transcript-rebuilt; emitter-appended) ---
"""Pipeline reference for scband-centernet-head-50319836840424 (READ-ONLY COPY).

The authoritative reference and input builder live on the scoring server;
editing this copy changes nothing except your own understanding.
"""

import jax, jax.numpy as jnp
import numpy as np
from jax import lax

DN = ('NCHW', 'OIHW', 'NCHW')

def conv2d(x, w, b, pad):
    y = lax.conv_general_dilated(x, w, (1, 1), [(pad, pad), (pad, pad)], dimension_numbers=DN)
    return y + b[None, :, None, None]

def setup_inputs(seed: int = 0) -> dict:
    key = jax.random.key(seed)
    ks = jax.random.split(key, 8)
    B, C, H, W = 8, 64, 128, 128
    num_cls = 80
    def w_(k, shape):
        return jax.random.normal(k, shape, jnp.float32) * 0.01
    return {
        'x': jax.random.normal(ks[0], (B, C, H, W), jnp.float32),
        'cls_w0': w_(ks[1], (128, 64, 3, 3)), 'cls_b0': jnp.zeros((128,), jnp.float32),
        'cls_w1': w_(ks[2], (128, 128, 3, 3)), 'cls_b1': jnp.zeros((128,), jnp.float32),
        'cls_wout': w_(ks[3], (num_cls, 128, 1, 1)), 'cls_bout': jnp.full((num_cls,), -2.19, jnp.float32),
        'wh_w0': w_(ks[4], (64, 64, 3, 3)), 'wh_b0': jnp.zeros((64,), jnp.float32),
        'wh_w1': w_(ks[5], (64, 64, 3, 3)), 'wh_b1': jnp.zeros((64,), jnp.float32),
        'wh_wout': w_(ks[6], (4, 64, 1, 1)), 'wh_bout': jnp.zeros((4,), jnp.float32),
    }

def reference(x, cls_w0, cls_b0, cls_w1, cls_b1, cls_wout, cls_bout, wh_w0, wh_b0, wh_w1, wh_b1, wh_wout, wh_bout):
    # cls_head: two 3x3 conv+ReLU blocks then 1x1 conv (bias filled with bias_value)
    h = jax.nn.relu(conv2d(x, cls_w0, cls_b0, 1))
    h = jax.nn.relu(conv2d(h, cls_w1, cls_b1, 1))
    cls = conv2d(h, cls_wout, cls_bout, 0)
    # wh_head: two 3x3 conv+ReLU blocks then 1x1 conv; forward applies ReLU * wh_offset_base
    g = jax.nn.relu(conv2d(x, wh_w0, wh_b0, 1))
    g = jax.nn.relu(conv2d(g, wh_w1, wh_b1, 1))
    wh = jax.nn.relu(conv2d(g, wh_wout, wh_bout, 0)) * 16.0
    return (cls, wh)

if __name__ == "__main__":
    import jax
    _d = setup_inputs()
    print(jax.jit(kernel)(*tuple(_d.values())))

</pallas_src>

<mosaic_0001>
module attributes {stable_mosaic.version = 14 : i64} {
  func.func @_head_kernel(%arg0: i32, %arg1: memref<8x16384x64xbf16, #tpu.memory_space<hbm>>, %arg2: memref<576x192xbf16, #tpu.memory_space<vmem>>, %arg3: memref<1x192xf32, #tpu.memory_space<vmem>>, %arg4: memref<3x384x128xbf16, #tpu.memory_space<vmem>>, %arg5: memref<1x128xf32, #tpu.memory_space<vmem>>, %arg6: memref<128x80xbf16, #tpu.memory_space<vmem>>, %arg7: memref<1x80xf32, #tpu.memory_space<vmem>>, %arg8: memref<576x64xbf16, #tpu.memory_space<vmem>>, %arg9: memref<1x64xf32, #tpu.memory_space<vmem>>, %arg10: memref<64x8xbf16, #tpu.memory_space<vmem>>, %arg11: memref<1x8xf32, #tpu.memory_space<vmem>>, %arg12: memref<1x80x16384xf32, #tpu.memory_space<vmem>>, %arg13: memref<1x4x16384xf32, #tpu.memory_space<vmem>>, %arg14: memref<16640x64xbf16, #tpu.memory_space<vmem>>, %arg15: memref<16640x64xbf16, #tpu.memory_space<vmem>>, %arg16: memref<16640x64xbf16, #tpu.memory_space<vmem>>, %arg17: memref<16640x384xbf16, #tpu.memory_space<vmem>>, %arg18: memref<16640x64xbf16, #tpu.memory_space<vmem>>, %arg19: memref<!tpu.dma_semaphore, #tpu.memory_space<semaphore_mem>>) attributes {dimension_semantics = [#tpu.dimension_semantics<arbitrary>], iteration_bounds = array<i64: 8>, scalar_prefetch = 0 : i64, scratch_operands = 6 : i64, tpu.core_type = #tpu.core_type<tc>, window_params = [{}, {pipeline_mode = #tpu.pipeline_mode<synchronous>, transform_indices = @transform_1, window_bounds = array<i64: 576, 192>}, {pipeline_mode = #tpu.pipeline_mode<synchronous>, transform_indices = @transform_2, window_bounds = array<i64: 1, 192>}, {pipeline_mode = #tpu.pipeline_mode<synchronous>, transform_indices = @transform_3, window_bounds = array<i64: 3, 384, 128>}, {pipeline_mode = #tpu.pipeline_mode<synchronous>, transform_indices = @transform_4, window_bounds = array<i64: 1, 128>}, {pipeline_mode = #tpu.pipeline_mode<synchronous>, transform_indices = @transform_5, window_bounds = array<i64: 128, 80>}, {pipeline_mode = #tpu.pipeline_mode<synchronous>, transform_indices = @transform_6, window_bounds = array<i64: 1, 80>}, {pipeline_mode = #tpu.pipeline_mode<synchronous>, transform_indices = @transform_7, window_bounds = array<i64: 576, 64>}, {pipeline_mode = #tpu.pipeline_mode<synchronous>, transform_indices = @transform_8, window_bounds = array<i64: 1, 64>}, {pipeline_mode = #tpu.pipeline_mode<synchronous>, transform_indices = @transform_9, window_bounds = array<i64: 64, 8>}, {pipeline_mode = #tpu.pipeline_mode<synchronous>, transform_indices = @transform_10, window_bounds = array<i64: 1, 8>}, {transform_indices = @transform_11, window_bounds = array<i64: 1, 80, 16384>}, {transform_indices = @transform_12, window_bounds = array<i64: 1, 4, 16384>}]} {
    %dma_start3A = arith.constant 128 : i32
    %dma_start3A_0 = arith.constant 0 : i32
    %dma_start3A_1 = tpu.memref_slice %arg14[%dma_start3A, %dma_start3A_0] : memref<16640x64xbf16, #tpu.memory_space<vmem>> -> memref<16384x64xbf16, #tpu.memory_space<vmem>>
    %dma_start3A_2 = arith.constant 0 : i32
    %dma_start3A_3 = arith.constant 0 : i32
    %dma_start3A_4 = tpu.memref_slice %arg1[%arg0, %dma_start3A_2, %dma_start3A_3] : memref<8x16384x64xbf16, #tpu.memory_space<hbm>> -> memref<1x16384x64xbf16, #tpu.memory_space<hbm>>
    %dma_start3A_5 = tpu.memref_squeeze %dma_start3A_4 : memref<1x16384x64xbf16, #tpu.memory_space<hbm>> -> memref<16384x64xbf16, #tpu.memory_space<hbm>>
    tpu.enqueue_dma source(%dma_start3A_5 : memref<16384x64xbf16, #tpu.memory_space<hbm>>) target(%dma_start3A_1 : memref<16384x64xbf16, #tpu.memory_space<vmem>>) target_semaphore(%arg19 : memref<!tpu.dma_semaphore, #tpu.memory_space<semaphore_mem>>)
    %eq3A = arith.constant 0 : i32
    %eq3A_6 = arith.cmpi eq, %arg0, %eq3A : i32
    %convert_element_type3A = arith.extui %eq3A_6 : i1 to i32
    %cond3A = arith.constant 0 : i32
    %cond3A_7 = arith.cmpi ne, %convert_element_type3A, %cond3A : i32
    scf.if %cond3A_7 {
      %broadcast_in_dim3A_2891 = arith.constant 0.000000e+00 : bf16
      %broadcast_in_dim3A_2892 = vector.broadcast %broadcast_in_dim3A_2891 : bf16 to vector<128x64xbf16>
      %swap3A_2893 = arith.constant 0 : index
      %swap3A_2894 = arith.constant 0 : index
      %swap3A_2895 = vector.load %arg14[%swap3A_2893, %swap3A_2894] : memref<16640x64xbf16, #tpu.memory_space<vmem>>, vector<128x64xbf16>
      tpu.vector_store %arg14[%swap3A_2893, %swap3A_2894], %broadcast_in_dim3A_2892 {strides = array<i32>} : memref<16640x64xbf16, #tpu.memory_space<vmem>>, vector<128x64xbf16>,
      %broadcast_in_dim3A_2896 = arith.constant 0.000000e+00 : bf16
      %broadcast_in_dim3A_2897 = vector.broadcast %broadcast_in_dim3A_2896 : bf16 to vector<128x64xbf16>
      %swap3A_2898 = arith.constant 16512 : index
      %swap3A_2899 = arith.constant 0 : index
      %swap3A_2900 = vector.load %arg14[%swap3A_2898, %swap3A_2899] : memref<16640x64xbf16, #tpu.memory_space<vmem>>, vector<128x64xbf16>
      tpu.vector_store %arg14[%swap3A_2898, %swap3A_2899], %broadcast_in_dim3A_2897 {strides = array<i32>} : memref<16640x64xbf16, #tpu.memory_space<vmem>>, vector<128x64xbf16>,
      %broadcast_in_dim3A_2901 = arith.constant 0.000000e+00 : bf16
      %broadcast_in_dim3A_2902 = vector.broadcast %broadcast_in_dim3A_2901 : bf16 to vector<128x384xbf16>
      %swap3A_2903 = arith.constant 0 : index
      %swap3A_2904 = arith.constant 0 : index
      %swap3A_2905 = vector.load %arg17[%swap3A_2903, %swap3A_2904] : memref<16640x384xbf16, #tpu.memory_space<vmem>>, vector<128x384xbf16>
      tpu.vector_store %arg17[%swap3A_2903, %swap3A_2904], %broadcast_in_dim3A_2902 {strides = array<i32>} : memref<16640x384xbf16, #tpu.memory_space<vmem>>, vector<128x384xbf16>,
      %broadcast_in_dim3A_2906 = arith.constant 0.000000e+00 : bf16
      %broadcast_in_dim3A_2907 = vector.broadcast %broadcast_in_dim3A_2906 : bf16 to vector<128x384xbf16>
      %swap3A_2908 = arith.constant 16512 : index
      %swap3A_2909 = arith.constant 0 : index
      %swap3A_2910 = vector.load %arg17[%swap3A_2908, %swap3A_2909] : memref<16640x384xbf16, #tpu.memory_space<vmem>>, vector<128x384xbf16>
      tpu.vector_store %arg17[%swap3A_2908, %swap3A_2909], %broadcast_in_dim3A_2907 {strides = array<i32>} : memref<16640x384xbf16, #tpu.memory_space<vmem>>, vector<128x384xbf16>,
      %broadcast_in_dim3A_2911 = arith.constant 0.000000e+00 : bf16
      %broadcast_in_dim3A_2912 = vector.broadcast %broadcast_in_dim3A_2911 : bf16 to vector<128x64xbf16>
      %swap3A_2913 = arith.constant 0 : index
      %swap3A_2914 = arith.constant 0 : index
      %swap3A_2915 = vector.load %arg18[%swap3A_2913, %swap3A_2914] : memref<16640x64xbf16, #tpu.memory_space<vmem>>, vector<128x64xbf16>
      tpu.vector_store %arg18[%swap3A_2913, %swap3A_2914], %broadcast_in_dim3A_2912 {strides = array<i32>} : memref<16640x64xbf16, #tpu.memory_space<vmem>>, vector<128x64xbf16>,
      %broadcast_in_dim3A_2916 = arith.constant 0.000000e+00 : bf16
      %broadcast_in_dim3A_2917 = vector.broadcast %broadcast_in_dim3A_2916 : bf16 to vector<128x64xbf16>
      %swap3A_2918 = arith.constant 16512 : index
      %swap3A_2919 = arith.constant 0 : index
      %swap3A_2920 = vector.load %arg18[%swap3A_2918, %swap3A_2919] : memref<16640x64xbf16, #tpu.memory_space<vmem>>, vector<128x64xbf16>
      tpu.vector_store %arg18[%swap3A_2918, %swap3A_2919], %broadcast_in_dim3A_2917 {strides = array<i32>} : memref<16640x64xbf16, #tpu.memory_space<vmem>>, vector<128x64xbf16>,
    } else {
    }
    %dma_wait3A = arith.constant 128 : i32
    %dma_wait3A_8 = arith.constant 0 : i32
    %dma_wait3A_9 = tpu.memref_slice %arg14[%dma_wait3A, %dma_wait3A_8] : memref<16640x64xbf16, #tpu.memory_space<vmem>> -> memref<16384x64xbf16, #tpu.memory_space<vmem>>
    %dma_wait3A_10 = arith.constant 0 : i32
    %dma_wait3A_11 = arith.constant 0 : i32
    %dma_wait3A_12 = tpu.memref_slice %arg1[%arg0, %dma_wait3A_10, %dma_wait3A_11] : memref<8x16384x64xbf16, #tpu.memory_space<hbm>> -> memref<1x16384x64xbf16, #tpu.memory_space<hbm>>
    %dma_wait3A_13 = tpu.memref_squeeze %dma_wait3A_12 : memref<1x16384x64xbf16, #tpu.memory_space<hbm>> -> memref<16384x64xbf16, #tpu.memory_space<hbm>>
    tpu.wait_dma2 semaphore(%arg19 : memref<!tpu.dma_semaphore, #tpu.memory_space<semaphore_mem>>) src(%dma_wait3A_13 : memref<16384x64xbf16, #tpu.memory_space<hbm>>) dst(%dma_wait3A_9 : memref<16384x64xbf16, #tpu.memory_space<vmem>>)
    %get3A = arith.constant 0 : index
    %get3A_14 = arith.constant 0 : index
    %get3A_15 = vector.load %arg14[%get3A, %get3A_14] : memref<16640x64xbf16, #tpu.memory_space<vmem>>, vector<16640x64xbf16>
    %iota3A = tpu.iota {dimensions = array<i32: 0>} : vector<16640x64xi32>
    %and3A = arith.constant 127 : i32
    %and3A_16 = vector.broadcast %and3A : i32 to vector<16640x64xi32>
    %and3A_17 = arith.andi %iota3A, %and3A_16 : vector<16640x64xi32>
    %ne3A = arith.constant 0 : i32
    %ne3A_18 = vector.broadcast %ne3A : i32 to vector<16640x64xi32>
    %ne3A_19 = arith.cmpi ne, %and3A_17, %ne3A_18 : vector<16640x64xi32>
    %lt3A = arith.constant 16512 : i32
    %lt3A_20 = vector.broadcast %lt3A : i32 to vector<16640x64xi32>
    %lt3A_21 = arith.cmpi slt, %iota3A, %lt3A_20 : vector<16640x64xi32>
    %and3A_22 = arith.andi %ne3A_19, %lt3A_21 : vector<16640x64xi1>
    %roll3A = arith.constant 1 : i32
    %roll3A_23 = tpu.dynamic_rotate %get3A_15 by %roll3A dim 0 : vector<16640x64xbf16>, i32 -> vector<16640x64xbf16>
    %jit3A = arith.constant 0.000000e+00 : bf16
    %broadcast_in_dim3A = vector.broadcast %jit3A : bf16 to vector<16640x64xbf16>
    %select_n3A = arith.select %and3A_22, %roll3A_23, %broadcast_in_dim3A : vector<16640x64xi1>, vector<16640x64xbf16>
    %swap3A = arith.constant 0 : index
    %swap3A_24 = arith.constant 0 : index
    %swap3A_25 = vector.load %arg15[%swap3A, %swap3A_24] : memref<16640x64xbf16, #tpu.memory_space<vmem>>, vector<16640x64xbf16>
    tpu.vector_store %arg15[%swap3A, %swap3A_24], %select_n3A {strides = array<i32>} : memref<16640x64xbf16, #tpu.memory_space<vmem>>, vector<16640x64xbf16>,
    %ne3A_26 = arith.constant 127 : i32
    %ne3A_27 = vector.broadcast %ne3A_26 : i32 to vector<16640x64xi32>
    %ne3A_28 = arith.cmpi ne, %and3A_17, %ne3A_27 : vector<16640x64xi32>
    %ge3A = arith.constant 128 : i32
    %ge3A_29 = vector.broadcast %ge3A : i32 to vector<16640x64xi32>
    %ge3A_30 = arith.cmpi sge, %iota3A, %ge3A_29 : vector<16640x64xi32>
    %and3A_31 = arith.andi %ne3A_28, %ge3A_30 : vector<16640x64xi1>
    %roll3A_32 = arith.constant 16639 : i32
    %roll3A_33 = tpu.dynamic_rotate %get3A_15 by %roll3A_32 dim 0 : vector<16640x64xbf16>, i32 -> vector<16640x64xbf16>
    %jit3A_34 = arith.constant 0.000000e+00 : bf16
    %broadcast_in_dim3A_35 = vector.broadcast %jit3A_34 : bf16 to vector<16640x64xbf16>
    %select_n3A_36 = arith.select %and3A_31, %roll3A_33, %broadcast_in_dim3A_35 : vector<16640x64xi1>, vector<16640x64xbf16>
    %swap3A_37 = arith.constant 0 : index
    %swap3A_38 = arith.constant 0 : index
    %swap3A_39 = vector.load %arg16[%swap3A_37, %swap3A_38] : memref<16640x64xbf16, #tpu.memory_space<vmem>>, vector<16640x64xbf16>
    tpu.vector_store %arg16[%swap3A_37, %swap3A_38], %select_n3A_36 {strides = array<i32>} : memref<16640x64xbf16, #tpu.memory_space<vmem>>, vector<16640x64xbf16>,
    %get3A_40 = arith.constant 0 : index
    %get3A_41 = arith.constant 0 : index
    %get3A_42 = vector.load %arg15[%get3A_40, %get3A_41] : memref<16640x64xbf16, #tpu.memory_space<vmem>>, vector<1024x64xbf16>
    %get3A_43 = arith.constant 128 : index
    %get3A_44 = arith.constant 0 : index
    %get3A_45 = vector.load %arg15[%get3A_43, %get3A_44] : memref<16640x64xbf16, #tpu.memory_space<vmem>>, vector<1024x64xbf16>
    %get3A_46 = arith.constant 256 : index
    %get3A_47 = arith.constant 0 : index
    %get3A_48 = vector.load %arg15[%get3A_46, %get3A_47] : memref<16640x64xbf16, #tpu.memory_space<vmem>>, vector<1024x64xbf16>
    %get3A_49 = arith.constant 0 : index
    %get3A_50 = arith.constant 0 : index
    %get3A_51 = vector.load %arg14[%get3A_49, %get3A_50] : memref<16640x64xbf16, #tpu.memory_space<vmem>>, vector<1024x64xbf16>
    %get3A_52 = arith.constant 128 : index
    %get3A_53 = arith.constant 0 : index
    %get3A_54 = vector.load %arg14[%get3A_52, %get3A_53] : memref<16640x64xbf16, #tpu.memory_space<vmem>>, vector<1024x64xbf16>
    %get3A_55 = arith.constant 256 : index
    %get3A_56 = arith.constant 0 : index
    %get3A_57 = vector.load %arg14[%get3A_55, %get3A_56] : memref<16640x64xbf16, #tpu.memory_space<vmem>>, vector<1024x64xbf16>
    %get3A_58 = arith.constant 0 : index
    %get3A_59 = arith.constant 0 : index
    %get3A_60 = vector.load %arg16[%get3A_58, %get3A_59] : memref<16640x64xbf16, #tpu.memory_space<vmem>>, vector<1024x64xbf16>
    %get3A_61 = arith.constant 128 : index
    %get3A_62 = arith.constant 0 : index
    %get3A_63 = vector.load %arg16[%get3A_61, %get3A_62] : memref<16640x64xbf16, #tpu.memory_space<vmem>>, vector<1024x64xbf16>
    %get3A_64 = arith.constant 256 : index
    %get3A_65 = arith.constant 0 : index
    %get3A_66 = vector.load %arg16[%get3A_64, %get3A_65] : memref<16640x64xbf16, #tpu.memory_space<vmem>>, vector<1024x64xbf16>
    %concatenate3A = tpu.concatenate %get3A_42, %get3A_45, %get3A_48, %get3A_51, %get3A_54, %get3A_57, %get3A_60, %get3A_63, %get3A_66 in 1 : vector<1024x64xbf16>, vector<1024x64xbf16>, vector<1024x64xbf16>, vector<1024x64xbf16>, vector<1024x64xbf16>, vector<1024x64xbf16>, vector<1024x64xbf16>, vector<1024x64xbf16>, vector<1024x64xbf16> -> vector<1024x576xbf16>
    %get3A_67 = arith.constant 0 : index
    %get3A_68 = arith.constant 0 : index
    %get3A_69 = vector.load %arg2[%get3A_67, %get3A_68] : memref<576x192xbf16, #tpu.memory_space<vmem>>, vector<576x192xbf16>
    %dot_general3A = arith.constant dense<0.000000e+00> : vector<1024x192xf32>
    %dot_general3A_70 = tpu.matmul %concatenate3A, %get3A_69, %dot_general3A {dimension_numbers = #tpu.dot_dimension_numbers<[1], [0], [0], [1], [0, 0, 1, 1], [], []>, transpose_lhs_hint = false} : vector<1024x576xbf16>, vector<576x192xbf16>, vector<1024x192xf32> -> vector<1024x192xf32>
    %get3A_71 = arith.constant 0 : index
    %get3A_72 = arith.constant 0 : index
    %get3A_73 = vector.load %arg3[%get3A_71, %get3A_72] : memref<1x192xf32, #tpu.memory_space<vmem>>, vector<1x192xf32>
    %add3A = vector.broadcast %get3A_73 : vector<1x192xf32> to vector<1024x192xf32>
    %add3A_74 = arith.addf %dot_general3A_70, %add3A : vector<1024x192xf32>
    %max3A = arith.constant 0.000000e+00 : f32
    %max3A_75 = vector.broadcast %max3A : f32 to vector<1024x192xf32>
    %max3A_76 = arith.maximumf %add3A_74, %max3A_75 : vector<1024x192xf32>
    %convert_element_type3A_77 = arith.truncf %max3A_76 : vector<1024x192xf32> to vector<1024x192xbf16>
    %slice3A = vector.extract_strided_slice %convert_element_type3A_77 {offsets = [0, 0], sizes = [1024, 128], strides = [1, 1]} : vector<1024x192xbf16> to vector<1024x128xbf16>
    %swap3A_78 = arith.constant 128 : index
    %swap3A_79 = arith.constant 128 : index
    %swap3A_80 = vector.load %arg17[%swap3A_78, %swap3A_79] : memref<16640x384xbf16, #tpu.memory_space<vmem>>, vector<1024x128xbf16>
    tpu.vector_store %arg17[%swap3A_78, %swap3A_79], %slice3A {strides = array<i32>} : memref<16640x384xbf16, #tpu.memory_space<vmem>>, vector<1024x128xbf16>,
    %slice3A_81 = vector.extract_strided_slice %convert_element_type3A_77 {offsets = [0, 128], sizes = [1024, 64], strides = [1, 1]} : vector<1024x192xbf16> to vector<1024x64xbf16>
    %swap3A_82 = arith.constant 128 : index
    %swap3A_83 = arith.constant 0 : index
    %swap3A_84 = vector.load %arg18[%swap3A_82, %swap3A_83] : memref<16640x64xbf16, #tpu.memory_space<vmem>>, vector<1024x64xbf16>
    tpu.vector_store %arg18[%swap3A_82, %swap3A_83], %slice3A_81 {strides = array<i32>} : memref<16640x64xbf16, #tpu.memory_space<vmem>>, vector<1024x64xbf16>,
    %get3A_85 = arith.constant 1024 : index
    %get3A_86 = arith.constant 0 : index
    %get3A_87 = vector.load %arg15[%get3A_85, %get3A_86] : memref<16640x64xbf16, #tpu.memory_space<vmem>>, vector<1024x64xbf16>
    %get3A_88 = arith.constant 1152 : index
    %get3A_89 = arith.constant 0 : index
    %get3A_90 = vector.load %arg15[%get3A_88, %get3A_89] : memref<16640x64xbf16, #tpu.memory_space<vmem>>, vector<1024x64xbf16>
    %get3A_91 = arith.constant 1280 : index
    %get3A_92 = arith.constant 0 : index
    %get3A_93 = vector.load %arg15[%get3A_91, %get3A_92] : memref<16640x64xbf16, #tpu.memory_space<vmem>>, vector<1024x64xbf16>
    %get3A_94 = arith.constant 1024 : index
    %get3A_95 = arith.constant 0 : index
    %get3A_96 = vector.load %arg14[%get3A_94, %get3A_95] : memref<16640x64xbf16, #tpu.memory_space<vmem>>, vector<1024x64xbf16>
    %get3A_97 = arith.constant 1152 : index
    %get3A_98 = arith.constant 0 : index
    %get3A_99 = vector.load %arg14[%get3A_97, %get3A_98] : memref<16640x64xbf16, #tpu.memory_space<vmem>>, vector<1024x64xbf16>
    %get3A_100 = arith.constant 1280 : index
    %get3A_101 = arith.constant 0 : index
    %get3A_102 = vector.load %arg14[%get3A_100, %get3A_101] : memref<16640x64xbf16, #tpu.memory_space<vmem>>, vector<1024x64xbf16>
    %get3A_103 = arith.constant 1024 : index
    %get3A_104 = arith.constant 0 : index
    %get3A_105 = vector.load %arg16[%get3A_103, %get3A_104] : memref<16640x64xbf16, #tpu.memory_space<vmem>>, vector<1024x64xbf16>
    %get3A_106 = arith.constant 1152 : index
    %get3A_107 = arith.constant 0 : index
    %get3A_108 = vector.load %arg16[%get3A_106, %get3A_107] : memref<16640x64xbf16, #tpu.memory_space<vmem>>, vector<1024x64xbf16>
    %get3A_109 = arith.constant 1280 : index
    %get3A_110 = arith.constant 0 : index
    %get3A_111 = vector.load %arg16[%get3A_109, %get3A_110] : memref<16640x64xbf16, #tpu.memory_space<vmem>>, vector<1024x64xbf16>
    %concatenate3A_112 = tpu.concatenate %get3A_87, %get3A_90, %get3A_93, %get3A_96, %get3A_99, %get3A_102, %get3A_105, %get3A_108, %get3A_111 in 1 : vector<1024x64xbf16>, vector<1024x64xbf16>, vector<1024x64xbf16>, vector<1024x64xbf16>, vector<1024x64xbf16>, vector<1024x64xbf16>, vector<1024x64xbf16>, vector<1024x64xbf16>, vector<1024x64xbf16> -> vector<1024x576xbf16>
    %get3A_113 = arith.constant 0 : index
    %get3A_114 = arith.constant 0 : index
    %get3A_115 = vector.load %arg2[%get3A_113, %get3A_114] : memref<576x192xbf16, #tpu.memory_space<vmem>>, vector<576x192xbf16>
    %dot_general3A_116 = arith.constant dense<0.000000e+00> : vector<1024x192xf32>
    %dot_general3A_117 = tpu.matmul %concatenate3A_112, %get3A_115, %dot_general3A_116 {dimension_numbers = #tpu.dot_dimension_numbers<[1], [0], [0], [1], [0, 0, 1, 1], [], []>, transpose_lhs_hint = false} : vector<1024x576xbf16>, vector<576x192xbf16>, vector<1024x192xf32> -> vector<1024x192xf32>
    %get3A_118 = arith.constant 0 : index
    %get3A_119 = arith.constant 0 : index
    %get3A_120 = vector.load %arg3[%get3A_118, %get3A_119] : memref<1x192xf32, #tpu.memory_space<vmem>>, vector<1x192xf32>
    %add3A_121 = vector.broadcast %get3A_120 : vector<1x192xf32> to vector<1024x192xf32>
    %add3A_122 = arith.addf %dot_general3A_117, %add3A_121 : vector<1024x192xf32>
    %max3A_123 = arith.constant 0.000000e+00 : f32
    %max3A_124 = vector.broadcast %max3A_123 : f32 to vector<1024x192xf32>
    %max3A_125 = arith.maximumf %add3A_122, %max3A_124 : vector<1024x192xf32>
    %convert_element_type3A_126 = arith.truncf %max3A_125 : vector<1024x192xf32> to vector<1024x192xbf16>
    %slice3A_127 = vector.extract_strided_slice %convert_element_type3A_126 {offsets = [0, 0], sizes = [1024, 128], strides = [1, 1]} : vector<1024x192xbf16> to vector<1024x128xbf16>
    %swap3A_128 = arith.constant 1152 : index
    %swap3A_129 = arith.constant 128 : index
    %swap3A_130 = vector.load %arg17[%swap3A_128, %swap3A_129] : memref<16640x384xbf16, #tpu.memory_space<vmem>>, vector<1024x128xbf16>
    tpu.vector_store %arg17[%swap3A_128, %swap3A_129], %slice3A_127 {strides = array<i32>} : memref<16640x384xbf16, #tpu.memory_space<vmem>>, vector<1024x128xbf16>,
    %slice3A_131 = vector.extract_strided_slice %convert_element_type3A_126 {offsets = [0, 128], sizes = [1024, 64], strides = [1, 1]} : vector<1024x192xbf16> to vector<1024x64xbf16>
    %swap3A_132 = arith.constant 1152 : index
    %swap3A_133 = arith.constant 0 : index
    %swap3A_134 = vector.load %arg18[%swap3A_132, %swap3A_133] : memref<16640x64xbf16, #tpu.memory_space<vmem>>, vector<1024x64xbf16>
    tpu.vector_store %arg18[%swap3A_132, %swap3A_133], %slice3A_131 {strides = array<i32>} : memref<16640x64xbf16, #tpu.memory_space<vmem>>, vector<1024x64xbf16>,
    %get3A_135 = arith.constant 2048 : index
    %get3A_136 = arith.constant 0 : index
    %get3A_137 = vector.load %arg15[%get3A_135, %get3A_136] : memref<16640x64xbf16, #tpu.memory_space<vmem>>, vector<1024x64xbf16>
    %get3A_138 = arith.constant 2176 : index
    %get3A_139 = arith.constant 0 : index
    %get3A_140 = vector.load %arg15[%get3A_138, %get3A_139] : memref<16640x64xbf16, #tpu.memory_space<vmem>>, vector<1024x64xbf16>
    %get3A_141 = arith.constant 2304 : index
    %get3A_142 = arith.constant 0 : index
    %get3A_143 = vector.load %arg15[%get3A_141, %get3A_142] : memref<16640x64xbf16, #tpu.memory_space<vmem>>, vector<1024x64xbf16>
    %get3A_144 = arith.constant 2048 : index
    %get3A_145 = arith.constant 0 : index
    %get3A_146 = vector.load %arg14[%get3A_144, %get3A_145] : memref<16640x64xbf16, #tpu.memory_space<vmem>>, vector<1024x64xbf16>
    %get3A_147 = arith.constant 2176 : index
    %get3A_148 = arith.constant 0 : index
    %get3A_149 = vector.load %arg14[%get3A_147, %get3A_148] : memref<16640x64xbf16, #tpu.memory_space<vmem>>, vector<1024x64xbf16>
    %get3A_150 = arith.constant 2304 : index
    %get3A_151 = arith.constant 0 : index
    %get3A_152 = vector.load %arg14[%get3A_150, %get3A_151] : memref<16640x64xbf16, #tpu.memory_space<vmem>>, vector<1024x64xbf16>
    %get3A_153 = arith.constant 2048 : index
    %get3A_154 = arith.constant 0 : index
    %get3A_155 = vector.load %arg16[%get3A_153, %get3A_154] : memref<16640x64xbf16, #tpu.memory_space<vmem>>, vector<1024x64xbf16>
    %get3A_156 = arith.constant 2176 : index
    %get3A_157 = arith.constant 0 : index
    %get3A_158 = vector.load %arg16[%get3A_156, %get3A_157] : memref<16640x64xbf16, #tpu.memory_space<vmem>>, vector<1024x64xbf16>
    %get3A_159 = arith.constant 2304 : index
    %get3A_160 = arith.constant 0 : index
    %get3A_161 = vector.load %arg16[%get3A_159, %get3A_160] : memref<16640x64xbf16, #tpu.memory_space<vmem>>, vector<1024x64xbf16>
    %concatenate3A_162 = tpu.concatenate %get3A_137, %get3A_140, %get3A_143, %get3A_146, %get3A_149, %get3A_152, %get3A_155, %get3A_158, %get3A_161 in 1 : vector<1024x64xbf16>, vector<1024x64xbf16>, vector<1024x64xbf16>, vector<1024x64xbf16>, vector<1024x64xbf16>, vector<1024x64xbf16>, vector<1024x64xbf16>, vector<1024x64xbf16>, vector<1024x64xbf16> -> vector<1024x576xbf16>
    %get3A_163 = arith.constant 0 : index
    %get3A_164 = arith.constant 0 : index
    %get3A_165 = vector.load %arg2[%get3A_163, %get3A_164] : memref<576x192xbf16, #tpu.memory_space<vmem>>, vector<576x192xbf16>
    %dot_general3A_166 = arith.constant dense<0.000000e+00> : vector<1024x192xf32>
    %dot_general3A_167 = tpu.matmul %concatenate3A_162, %get3A_165, %dot_general3A_166 {dimension_numbers = #tpu.dot_dimension_numbers<[1], [0], [0], [1], [0, 0, 1, 1], [], []>, transpose_lhs_hint = false} : vector<1024x576xbf16>, vector<576x192xbf16>, vector<1024x192xf32> -> vector<1024x192xf32>
    %get3A_168 = arith.constant 0 : index
    %get3A_169 = arith.constant 0 : index
    %get3A_170 = vector.load %arg3[%get3A_168, %get3A_169] : memref<1x192xf32, #tpu.memory_space<vmem>>, vector<1x192xf32>
    %add3A_171 = vector.broadcast %get3A_170 : vector<1x192xf32> to vector<1024x192xf32>
    %add3A_172 = arith.addf %dot_general3A_167, %add3A_171 : vector<1024x192xf32>
    %max3A_173 = arith.constant 0.000000e+00 : f32
    %max3A_174 = vector.broadcast %max3A_173 : f32 to vector<1024x192xf32>
    %max3A_175 = arith.maximumf %add3A_172, %max3A_174 : vector<1024x192xf32>
    %convert_element_type3A_176 = arith.truncf %max3A_175 : vector<1024x192xf32> to vector<1024x192xbf16>
    %slice3A_177 = vector.extract_strided_slice %convert_element_type3A_176 {offsets = [0, 0], sizes = [1024, 128], strides = [1, 1]} : vector<1024x192xbf16> to vector<1024x128xbf16>
    %swap3A_178 = arith.constant 2176 : index
    %swap3A_179 = arith.constant 128 : index
    %swap3A_180 = vector.load %arg17[%swap3A_178, %swap3A_179] : memref<16640x384xbf16, #tpu.memory_space<vmem>>, vector<1024x128xbf16>
    tpu.vector_store %arg17[%swap3A_178, %swap3A_179], %slice3A_177 {strides = array<i32>} : memref<16640x384xbf16, #tpu.memory_space<vmem>>, vector<1024x128xbf16>,
    %slice3A_181 = vector.extract_strided_slice %convert_element_type3A_176 {offsets = [0, 128], sizes = [1024, 64], strides = [1, 1]} : vector<1024x192xbf16> to vector<1024x64xbf16>
    %swap3A_182 = arith.constant 2176 : index
    %swap3A_183 = arith.constant 0 : index
    %swap3A_184 = vector.load %arg18[%swap3A_182, %swap3A_183] : memref<16640x64xbf16, #tpu.memory_space<vmem>>, vector<1024x64xbf16>
    tpu.vector_store %arg18[%swap3A_182, %swap3A_183], %slice3A_181 {strides = array<i32>} : memref<16640x64xbf16, #tpu.memory_space<vmem>>, vector<1024x64xbf16>,
    %get3A_185 = arith.constant 3072 : index
    %get3A_186 = arith.constant 0 : index
    %get3A_187 = vector.load %arg15[%get3A_185, %get3A_186] : memref<16640x64xbf16, #tpu.memory_space<vmem>>, vector<1024x64xbf16>
    %get3A_188 = arith.constant 3200 : index
    %get3A_189 = arith.constant 0 : index
    %get3A_190 = vector.load %arg15[%get3A_188, %get3A_189] : memref<16640x64xbf16, #tpu.memory_space<vmem>>, vector<1024x64xbf16>
    %get3A_191 = arith.constant 3328 : index
    %get3A_192 = arith.constant 0 : index
    %get3A_193 = vector.load %arg15[%get3A_191, %get3A_192] : memref<16640x64xbf16, #tpu.memory_space<vmem>>, vector<1024x64xbf16>
    %get3A_194 = arith.constant 3072 : index
    %get3A_195 = arith.constant 0 : index
    %get3A_196 = vector.load %arg14[%get3A_194, %get3A_195] : memref<16640x64xbf16, #tpu.memory_space<vmem>>, vector<1024x64xbf16>
    %get3A_197 = arith.constant 3200 : index
    %get3A_198 = arith.constant 0 : index
    %get3A_199 = vector.load %arg14[%get3A_197, %get3A_198] : memref<16640x64xbf16, #tpu.memory_space<vmem>>, vector<1024x64xbf16>
    %get3A_200 = arith.constant 3328 : index
    %get3A_201 = arith.constant 0 : index
    %get3A_202 = vector.load %arg14[%get3A_200, %get3A_201] : memref<16640x64xbf16, #tpu.memory_space<vmem>>, vector<1024x64xbf16>
    %get3A_203 = arith.constant 3072 : index
    %get3A_204 = arith.constant 0 : index
    %get3A_205 = vector.load %arg16[%get3A_203, %get3A_204] : memref<16640x64xbf16, #tpu.memory_space<vmem>>, vector<1024x64xbf16>
    %get3A_206 = arith.constant 3200 : index
    %get3A_207 = arith.constant 0 : index
    %get3A_208 = vector.load %arg16[%get3A_206, %get3A_207] : memref<16640x64xbf16, #tpu.memory_space<vmem>>, vector<1024x64xbf16>
    %get3A_209 = arith.constant 3328 : index
    %get3A_210 = arith.constant 0 : index
    %get3A_211 = vector.load %arg16[%get3A_209, %get3A_210] : memref<16640x64xbf16, #tpu.memory_space<vmem>>, vector<1024x64xbf16>
    %concatenate3A_212 = tpu.concatenate %get3A_187, %get3A_190, %get3A_193, %get3A_196, %get3A_199, %get3A_202, %get3A_205, %get3A_208, %get3A_211 in 1 : vector<1024x64xbf16>, vector<1024x64xbf16>, vector<1024x64xbf16>, vector<1024x64xbf16>, vector<1024x64xbf16>, vector<1024x64xbf16>, vector<1024x64xbf16>, vector<1024x64xbf16>, vector<1024x64xbf16> -> vector<1024x576xbf16>
    %get3A_213 = arith.constant 0 : index
    %get3A_214 = arith.constant 0 : index
    %get3A_215 = vector.load %arg2[%get3A_213, %get3A_214] : memref<576x192xbf16, #tpu.memory_space<vmem>>, vector<576x192xbf16>
    %dot_general3A_216 = arith.constant dense<0.000000e+00> : vector<1024x192xf32>
    %dot_general3A_217 = tpu.matmul %concatenate3A_212, %get3A_215, %dot_general3A_216 {dimension_numbers = #tpu.dot_dimension_numbers<[1], [0], [0], [1], [0, 0, 1, 1], [], []>, transpose_lhs_hint = false} : vector<1024x576xbf16>, vector<576x192xbf16>, vector<1024x192xf32> -> vector<1024x192xf32>
    %get3A_218 = arith.constant 0 : index
    %get3A_219 = arith.constant 0 : index
    %get3A_220 = vector.load %arg3[%get3A_218, %get3A_219] : memref<1x192xf32, #tpu.memory_space<vmem>>, vector<1x192xf32>
    %add3A_221 = vector.broadcast %get3A_220 : vector<1x192xf32> to vector<1024x192xf32>
    %add3A_222 = arith.addf %dot_general3A_217, %add3A_221 : vector<1024x192xf32>
    %max3A_223 = arith.constant 0.000000e+00 : f32
    %max3A_224 = vector.broadcast %max3A_223 : f32 to vector<1024x192xf32>
    %max3A_225 = arith.maximumf %add3A_222, %max3A_224 : vector<1024x192xf32>
    %convert_element_type3A_226 = arith.truncf %max3A_225 : vector<1024x192xf32> to vector<1024x192xbf16>
    %slice3A_227 = vector.extract_strided_slice %convert_element_type3A_226 {offsets = [0, 0], sizes = [1024, 128], strides = [1, 1]} : vector<1024x192xbf16> to vector<1024x128xbf16>
    %swap3A_228 = arith.constant 3200 : index
    %swap3A_229 = arith.constant 128 : index
    %swap3A_230 = vector.load %arg17[%swap3A_228, %swap3A_229] : memref<16640x384xbf16, #tpu.memory_space<vmem>>, vector<1024x128xbf16>
    tpu.vector_store %arg17[%swap3A_228, %swap3A_229], %slice3A_227 {strides = array<i32>} : memref<16640x384xbf16, #tpu.memory_space<vmem>>, vector<1024x128xbf16>,
    %slice3A_231 = vector.extract_strided_slice %convert_element_type3A_226 {offsets = [0, 128], sizes = [1024, 64], strides = [1, 1]} : vector<1024x192xbf16> to vector<1024x64xbf16>
    %swap3A_232 = arith.constant 3200 : index
    %swap3A_233 = arith.constant 0 : index
    %swap3A_234 = vector.load %arg18[%swap3A_232, %swap3A_233] : memref<16640x64xbf16, #tpu.memory_space<vmem>>, vector<1024x64xbf16>
    tpu.vector_store %arg18[%swap3A_232, %swap3A_233], %slice3A_231 {strides = array<i32>} : memref<16640x64xbf16, #tpu.memory_space<vmem>>, vector<1024x64xbf16>,
    %get3A_235 = arith.constant 4096 : index
    %get3A_236 = arith.constant 0 : index
    %get3A_237 = vector.load %arg15[%get3A_235, %get3A_236] : memref<16640x64xbf16, #tpu.memory_space<vmem>>, vector<1024x64xbf16>
    %get3A_238 = arith.constant 4224 : index
    %get3A_239 = arith.constant 0 : index
    %get3A_240 = vector.load %arg15[%get3A_238, %get3A_239] : memref<16640x64xbf16, #tpu.memory_space<vmem>>, vector<1024x64xbf16>
    %get3A_241 = arith.constant 4352 : index
    %get3A_242 = arith.constant 0 : index
    %get3A_243 = vector.load %arg15[%get3A_241, %get3A_242] : memref<16640x64xbf16, #tpu.memory_space<vmem>>, vector<1024x64xbf16>
    %get3A_244 = arith.constant 4096 : index
    %get3A_245 = arith.constant 0 : index
    %get3A_246 = vector.load %arg14[%get3A_244, %get3A_245] : memref<16640x64xbf16, #tpu.memory_space<vmem>>, vector<1024x64xbf16>
    %get3A_247 = arith.constant 4224 : index
    %get3A_248 = arith.constant 0 : index
    %get3A_249 = vector.load %arg14[%get3A_247, %get3A_248] : memref<16640x64xbf16, #tpu.memory_space<vmem>>, vector<1024x64xbf16>
    %get3A_250 = arith.constant 4352 : index
    %get3A_251 = arith.constant 0 : index
    %get3A_252 = vector.load %arg14[%get3A_250, %get3A_251] : memref<16640x64xbf16, #tpu.memory_space<vmem>>, vector<1024x64xbf16>
    %get3A_253 = arith.constant 4096 : index
    %get3A_254 = arith.constant 0 : index
    %get3A_255 = vector.load %arg16[%get3A_253, %get3A_254] : memref<16640x64xbf16, #tpu.memory_space<vmem>>, vector<1024x64xbf16>
    %get3A_256 = arith.constant 4224 : index
    %get3A_257 = arith.constant 0 : index
    %get3A_258 = vector.load %arg16[%get3A_256, %get3A_257] : memref<16640x64xbf16, #tpu.memory_space<vmem>>, vector<1024x64xbf16>
    %get3A_259 = arith.constant 4352 : index
    %get3A_260 = arith.constant 0 : index
    %get3A_261 = vector.load %arg16[%get3A_259, %get3A_260] : memref<16640x64xbf16, #tpu.memory_space<vmem>>, vector<1024x64xbf16>
    %concatenate3A_262 = tpu.concatenate %get3A_237, %get3A_240, %get3A_243, %get3A_246, %get3A_249, %get3A_252, %get3A_255, %get3A_258, %get3A_261 in 1 : vector<1024x64xbf16>, vector<1024x64xbf16>, vector<1024x64xbf16>, vector<1024x64xbf16>, vector<1024x64xbf16>, vector<1024x64xbf16>, vector<1024x64xbf16>, vector<1024x64xbf16>, vector<1024x64xbf16> -> vector<1024x576xbf16>
    %get3A_263 = arith.constant 0 : index
    %get3A_264 = arith.constant 0 : index
    %get3A_265 = vector.load %arg2[%get3A_263, %get3A_264] : memref<576x192xbf16, #tpu.memory_space<vmem>>, vector<576x192xbf16>
    %dot_general3A_266 = arith.constant dense<0.000000e+00> : vector<1024x192xf32>
    %dot_general3A_267 = tpu.matmul %concatenate3A_262, %get3A_265, %dot_general3A_266 {dimension_numbers = #tpu.dot_dimension_numbers<[1], [0], [0], [1], [0, 0, 1, 1], [], []>, transpose_lhs_hint = false} : vector<1024x576xbf16>, vector<576x192xbf16>, vector<1024x192xf32> -> vector<1024x192xf32>
    %get3A_268 = arith.constant 0 : index
    %get3A_269 = arith.constant 0 : index
    %get3A_270 = vector.load %arg3[%get3A_268, %get3A_269] : memref<1x192xf32, #tpu.memory_space<vmem>>, vector<1x192xf32>
    %add3A_271 = vector.broadcast %get3A_270 : vector<1x192xf32> to vector<1024x192xf32>
    %add3A_272 = arith.addf %dot_general3A_267, %add3A_271 : vector<1024x192xf32>
    %max3A_273 = arith.constant 0.000000e+00 : f32
    %max3A_274 = vector.broadcast %max3A_273 : f32 to vector<1024x192xf32>
    %max3A_275 = arith.maximumf %add3A_272, %max3A_274 : vector<1024x192xf32>
    %convert_element_type3A_276 = arith.truncf %max3A_275 : vector<1024x192xf32> to vector<1024x192xbf16>
    %slice3A_277 = vector.extract_strided_slice %convert_element_type3A_276 {offsets = [0, 0], sizes = [1024, 128], strides = [1, 1]} : vector<1024x192xbf16> to vector<1024x128xbf16>
    %swap3A_278 = arith.constant 4224 : index
    %swap3A_279 = arith.constant 128 : index
    %swap3A_280 = vector.load %arg17[%swap3A_278, %swap3A_279] : memref<16640x384xbf16, #tpu.memory_space<vmem>>, vector<1024x128xbf16>
    tpu.vector_store %arg17[%swap3A_278, %swap3A_279], %slice3A_277 {strides = array<i32>} : memref<16640x384xbf16, #tpu.memory_space<vmem>>, vector<1024x128xbf16>,
    %slice3A_281 = vector.extract_strided_slice %convert_element_type3A_276 {offsets = [0, 128], sizes = [1024, 64], strides = [1, 1]} : vector<1024x192xbf16> to vector<1024x64xbf16>
    %swap3A_282 = arith.constant 4224 : index
    %swap3A_283 = arith.constant 0 : index
    %swap3A_284 = vector.load %arg18[%swap3A_282, %swap3A_283] : memref<16640x64xbf16, #tpu.memory_space<vmem>>, vector<1024x64xbf16>
    tpu.vector_store %arg18[%swap3A_282, %swap3A_283], %slice3A_281 {strides = array<i32>} : memref<16640x64xbf16, #tpu.memory_space<vmem>>, vector<1024x64xbf16>,
    %get3A_285 = arith.constant 5120 : index
    %get3A_286 = arith.constant 0 : index
    %get3A_287 = vector.load %arg15[%get3A_285, %get3A_286] : memref<16640x64xbf16, #tpu.memory_space<vmem>>, vector<1024x64xbf16>
    %get3A_288 = arith.constant 5248 : index
    %get3A_289 = arith.constant 0 : index
    %get3A_290 = vector.load %arg15[%get3A_288, %get3A_289] : memref<16640x64xbf16, #tpu.memory_space<vmem>>, vector<1024x64xbf16>
    %get3A_291 = arith.constant 5376 : index
    %get3A_292 = arith.constant 0 : index
    %get3A_293 = vector.load %arg15[%get3A_291, %get3A_292] : memref<16640x64xbf16, #tpu.memory_space<vmem>>, vector<1024x64xbf16>
    %get3A_294 = arith.constant 5120 : index
    %get3A_295 = arith.constant 0 : index
    %get3A_296 = vector.load %arg14[%get3A_294, %get3A_295] : memref<16640x64xbf16, #tpu.memory_space<vmem>>, vector<1024x64xbf16>
    %get3A_297 = arith.constant 5248 : index
    %get3A_298 = arith.constant 0 : index
    %get3A_299 = vector.load %arg14[%get3A_297, %get3A_298] : memref<16640x64xbf16, #tpu.memory_space<vmem>>, vector<1024x64xbf16>
    %get3A_300 = arith.constant 5376 : index
    %get3A_301 = arith.constant 0 : index
    %get3A_302 = vector.load %arg14[%get3A_300, %get3A_301] : memref<16640x64xbf16, #tpu.memory_space<vmem>>, vector<1024x64xbf16>
    %get3A_303 = arith.constant 5120 : index
    %get3A_304 = arith.constant 0 : index
    %get3A_305 = vector.load %arg16[%get3A_303, %get3A_304] : memref<16640x64xbf16, #tpu.memory_space<vmem>>, vector<1024x64xbf16>
    %get3A_306 = arith.constant 5248 : index
    %get3A_307 = arith.constant 0 : index
    %get3A_308 = vector.load %arg16[%get3A_306, %get3A_307] : memref<16640x64xbf16, #tpu.memory_space<vmem>>, vector<1024x64xbf16>
    %get3A_309 = arith.constant 5376 : index
    %get3A_310 = arith.constant 0 : index
    %get3A_311 = vector.load %arg16[%get3A_309, %get3A_310] : memref<16640x64xbf16, #tpu.memory_space<vmem>>, vector<1024x64xbf16>
    %concatenate3A_312 = tpu.concatenate %get3A_287, %get3A_290, %get3A_293, %get3A_296, %get3A_299, %get3A_302, %get3A_305, %get3A_308, %get3A_311 in 1 : vector<1024x64xbf16>, vector<1024x64xbf16>, vector<1024x64xbf16>, vector<1024x64xbf16>, vector<1024x64xbf16>, vector<1024x64xbf16>, vector<1024x64xbf16>, vector<1024x64xbf16>, vector<1024x64xbf16> -> vector<1024x576xbf16>
    %get3A_313 = arith.constant 0 : index
    %get3A_314 = arith.constant 0 : index
    %get3A_315 = vector.load %arg2[%get3A_313, %get3A_314] : memref<576x192xbf16, #tpu.memory_space<vmem>>, vector<576x192xbf16>
    %dot_general3A_316 = arith.constant dense<0.000000e+00> : vector<1024x192xf32>
    %dot_general3A_317 = tpu.matmul %concatenate3A_312, %get3A_315, %dot_general3A_316 {dimension_numbers = #tpu.dot_dimension_numbers<[1], [0], [0], [1], [0, 0, 1, 1], [], []>, transpose_lhs_hint = false} : vector<1024x576xbf16>, vector<576x192xbf16>, vector<1024x192xf32> -> vector<1024x192xf32>
    %get3A_318 = arith.constant 0 : index
    %get3A_319 = arith.constant 0 : index
    %get3A_320 = vector.load %arg3[%get3A_318, %get3A_319] : memref<1x192xf32, #tpu.memory_space<vmem>>, vector<1x192xf32>
    %add3A_321 = vector.broadcast %get3A_320 : vector<1x192xf32> to vector<1024x192xf32>
    %add3A_322 = arith.addf %dot_general3A_317, %add3A_321 : vector<1024x192xf32>
    %max3A_323 = arith.constant 0.000000e+00 : f32
    %max3A_324 = vector.broadcast %max3A_323 : f32 to vector<1024x192xf32>
    %max3A_325 = arith.maximumf %add3A_322, %max3A_324 : vector<1024x192xf32>
    %convert_element_type3A_326 = arith.truncf %max3A_325 : vector<1024x192xf32> to vector<1024x192xbf16>
    %slice3A_327 = vector.extract_strided_slice %convert_element_type3A_326 {offsets = [0, 0], sizes = [1024, 128], strides = [1, 1]} : vector<1024x192xbf16> to vector<1024x128xbf16>
    %swap3A_328 = arith.constant 5248 : index
    %swap3A_329 = arith.constant 128 : index
    %swap3A_330 = vector.load %arg17[%swap3A_328, %swap3A_329] : memref<16640x384xbf16, #tpu.memory_space<vmem>>, vector<1024x128xbf16>
    tpu.vector_store %arg17[%swap3A_328, %swap3A_329], %slice3A_327 {strides = array<i32>} : memref<16640x384xbf16, #tpu.memory_space<vmem>>, vector<1024x128xbf16>,
    %slice3A_331 = vector.extract_strided_slice %convert_element_type3A_326 {offsets = [0, 128], sizes = [1024, 64], strides = [1, 1]} : vector<1024x192xbf16> to vector<1024x64xbf16>
    %swap3A_332 = arith.constant 5248 : index
    %swap3A_333 = arith.constant 0 : index
    %swap3A_334 = vector.load %arg18[%swap3A_332, %swap3A_333] : memref<16640x64xbf16, #tpu.memory_space<vmem>>, vector<1024x64xbf16>
    tpu.vector_store %arg18[%swap3A_332, %swap3A_333], %slice3A_331 {strides = array<i32>} : memref<16640x64xbf16, #tpu.memory_space<vmem>>, vector<1024x64xbf16>,
    %get3A_335 = arith.constant 6144 : index
    %get3A_336 = arith.constant 0 : index
    %get3A_337 = vector.load %arg15[%get3A_335, %get3A_336] : memref<16640x64xbf16, #tpu.memory_space<vmem>>, vector<1024x64xbf16>
    %get3A_338 = arith.constant 6272 : index
    %get3A_339 = arith.constant 0 : index
    %get3A_340 = vector.load %arg15[%get3A_338, %get3A_339] : memref<16640x64xbf16, #tpu.memory_space<vmem>>, vector<1024x64xbf16>
    %get3A_341 = arith.constant 6400 : index
    %get3A_342 = arith.constant 0 : index
    %get3A_343 = vector.load %arg15[%get3A_341, %get3A_342] : memref<16640x64xbf16, #tpu.memory_space<vmem>>, vector<1024x64xbf16>
    %get3A_344 = arith.constant 6144 : index
    %get3A_345 = arith.constant 0 : index
    %get3A_346 = vector.load %arg14[%get3A_344, %get3A_345] : memref<16640x64xbf16, #tpu.memory_space<vmem>>, vector<1024x64xbf16>
    %get3A_347 = arith.constant 6272 : index
    %get3A_348 = arith.constant 0 : index
    %get3A_349 = vector.load %arg14[%get3A_347, %get3A_348] : memref<16640x64xbf16, #tpu.memory_space<vmem>>, vector<1024x64xbf16>
    %get3A_350 = arith.constant 6400 : index
    %get3A_351 = arith.constant 0 : index
    %get3A_352 = vector.load %arg14[%get3A_350, %get3A_351] : memref<16640x64xbf16, #tpu.memory_space<vmem>>, vector<1024x64xbf16>
    %get3A_353 = arith.constant 6144 : index
    %get3A_354 = arith.constant 0 : index
    %get3A_355 = vector.load %arg16[%get3A_353, %get3A_354] : memref<16640x64xbf16, #tpu.memory_space<vmem>>, vector<1024x64xbf16>
    %get3A_356 = arith.constant 6272 : index
    %get3A_357 = arith.constant 0 : index
    %get3A_358 = vector.load %arg16[%get3A_356, %get3A_357] : memref<16640x64xbf16, #tpu.memory_space<vmem>>, vector<1024x64xbf16>
    %get3A_359 = arith.constant 6400 : index
    %get3A_360 = arith.constant 0 : index
    %get3A_361 = vector.load %arg16[%get3A_359, %get3A_360] : memref<16640x64xbf16, #tpu.memory_space<vmem>>, vector<1024x64xbf16>
    %concatenate3A_362 = tpu.concatenate %get3A_337, %get3A_340, %get3A_343, %get3A_346, %get3A_349, %get3A_352, %get3A_355, %get3A_358, %get3A_361 in 1 : vector<1024x64xbf16>, vector<1024x64xbf16>, vector<1024x64xbf16>, vector<1024x64xbf16>, vector<1024x64xbf16>, vector<1024x64xbf16>, vector<1024x64xbf16>, vector<1024x64xbf16>, vector<1024x64xbf16> -> vector<1024x576xbf16>
    %get3A_363 = arith.constant 0 : index
    %get3A_364 = arith.constant 0 : index
    %get3A_365 = vector.load %arg2[%get3A_363, %get3A_364] : memref<576x192xbf16, #tpu.memory_space<vmem>>, vector<576x192xbf16>
    %dot_general3A_366 = arith.constant dense<0.000000e+00> : vector<1024x192xf32>
    %dot_general3A_367 = tpu.matmul %concatenate3A_362, %get3A_365, %dot_general3A_366 {dimension_numbers = #tpu.dot_dimension_numbers<[1], [0], [0], [1], [0, 0, 1, 1], [], []>, transpose_lhs_hint = false} : vector<1024x576xbf16>, vector<576x192xbf16>, vector<1024x192xf32> -> vector<1024x192xf32>
    %get3A_368 = arith.constant 0 : index
    %get3A_369 = arith.constant 0 : index
    %get3A_370 = vector.load %arg3[%get3A_368, %get3A_369] : memref<1x192xf32, #tpu.memory_space<vmem>>, vector<1x192xf32>
    %add3A_371 = vector.broadcast %get3A_370 : vector<1x192xf32> to vector<1024x192xf32>
    %add3A_372 = arith.addf %dot_general3A_367, %add3A_371 : vector<1024x192xf32>
    %max3A_373 = arith.constant 0.000000e+00 : f32
    %max3A_374 = vector.broadcast %max3A_373 : f32 to vector<1024x192xf32>
    %max3A_375 = arith.maximumf %add3A_372, %max3A_374 : vector<1024x192xf32>
    %convert_element_type3A_376 = arith.truncf %max3A_375 : vector<1024x192xf32> to vector<1024x192xbf16>
    %slice3A_377 = vector.extract_strided_slice %convert_element_type3A_376 {offsets = [0, 0], sizes = [1024, 128], strides = [1, 1]} : vector<1024x192xbf16> to vector<1024x128xbf16>
    %swap3A_378 = arith.constant 6272 : index
    %swap3A_379 = arith.constant 128 : index
    %swap3A_380 = vector.load %arg17[%swap3A_378, %swap3A_379] : memref<16640x384xbf16, #tpu.memory_space<vmem>>, vector<1024x128xbf16>
    tpu.vector_store %arg17[%swap3A_378, %swap3A_379], %slice3A_377 {strides = array<i32>} : memref<16640x384xbf16, #tpu.memory_space<vmem>>, vector<1024x128xbf16>,
    %slice3A_381 = vector.extract_strided_slice %convert_element_type3A_376 {offsets = [0, 128], sizes = [1024, 64], strides = [1, 1]} : vector<1024x192xbf16> to vector<1024x64xbf16>
    %swap3A_382 = arith.constant 6272 : index
    %swap3A_383 = arith.constant 0 : index
    %swap3A_384 = vector.load %arg18[%swap3A_382, %swap3A_383] : memref<16640x64xbf16, #tpu.memory_space<vmem>>, vector<1024x64xbf16>
    tpu.vector_store %arg18[%swap3A_382, %swap3A_383], %slice3A_381 {strides = array<i32>} : memref<16640x64xbf16, #tpu.memory_space<vmem>>, vector<1024x64xbf16>,
    %get3A_385 = arith.constant 7168 : index
    %get3A_386 = arith.constant 0 : index
    %get3A_387 = vector.load %arg15[%get3A_385, %get3A_386] : memref<16640x64xbf16, #tpu.memory_space<vmem>>, vector<1024x64xbf16>
    %get3A_388 = arith.constant 7296 : index
    %get3A_389 = arith.constant 0 : index
    %get3A_390 = vector.load %arg15[%get3A_388, %get3A_389] : memref<16640x64xbf16, #tpu.memory_space<vmem>>, vector<1024x64xbf16>
    %get3A_391 = arith.constant 7424 : index
    %get3A_392 = arith.constant 0 : index
    %get3A_393 = vector.load %arg15[%get3A_391, %get3A_392] : memref<16640x64xbf16, #tpu.memory_space<vmem>>, vector<1024x64xbf16>
    %get3A_394 = arith.constant 7168 : index
    %get3A_395 = arith.constant 0 : index
    %get3A_396 = vector.load %arg14[%get3A_394, %get3A_395] : memref<16640x64xbf16, #tpu.memory_space<vmem>>, vector<1024x64xbf16>
    %get3A_397 = arith.constant 7296 : index
    %get3A_398 = arith.constant 0 : index
    %get3A_399 = vector.load %arg14[%get3A_397, %get3A_398] : memref<16640x64xbf16, #tpu.memory_space<vmem>>, vector<1024x64xbf16>
    %get3A_400 = arith.constant 7424 : index
    %get3A_401 = arith.constant 0 : index
    %get3A_402 = vector.load %arg14[%get3A_400, %get3A_401] : memref<16640x64xbf16, #tpu.memory_space<vmem>>, vector<1024x64xbf16>
    %get3A_403 = arith.constant 7168 : index
    %get3A_404 = arith.constant 0 : index
    %get3A_405 = vector.load %arg16[%get3A_403, %get3A_404] : memref<16640x64xbf16, #tpu.memory_space<vmem>>, vector<1024x64xbf16>
    %get3A_406 = arith.constant 7296 : index
    %get3A_407 = arith.constant 0 : index
    %get3A_408 = vector.load %arg16[%get3A_406, %get3A_407] : memref<16640x64xbf16, #tpu.memory_space<vmem>>, vector<1024x64xbf16>
    %get3A_409 = arith.constant 7424 : index
    %get3A_410 = arith.constant 0 : index
    %get3A_411 = vector.load %arg16[%get3A_409, %get3A_410] : memref<16640x64xbf16, #tpu.memory_space<vmem>>, vector<1024x64xbf16>
    %concatenate3A_412 = tpu.concatenate %get3A_387, %get3A_390, %get3A_393, %get3A_396, %get3A_399, %get3A_402, %get3A_405, %get3A_408, %get3A_411 in 1 : vector<1024x64xbf16>, vector<1024x64xbf16>, vector<1024x64xbf16>, vector<1024x64xbf16>, vector<1024x64xbf16>, vector<1024x64xbf16>, vector<1024x64xbf16>, vector<1024x64xbf16>, vector<1024x64xbf16> -> vector<1024x576xbf16>
    %get3A_413 = arith.constant 0 : index
    %get3A_414 = arith.constant 0 : index
    %get3A_415 = vector.load %arg2[%get3A_413, %get3A_414] : memref<576x192xbf16, #tpu.memory_space<vmem>>, vector<576x192xbf16>
    %dot_general3A_416 = arith.constant dense<0.000000e+00> : vector<1024x192xf32>
    %dot_general3A_417 = tpu.matmul %concatenate3A_412, %get3A_415, %dot_general3A_416 {dimension_numbers = #tpu.dot_dimension_numbers<[1], [0], [0], [1], [0, 0, 1, 1], [], []>, transpose_lhs_hint = false} : vector<1024x576xbf16>, vector<576x192xbf16>, vector<1024x192xf32> -> vector<1024x192xf32>
    %get3A_418 = arith.constant 0 : index
    %get3A_419 = arith.constant 0 : index
    %get3A_420 = vector.load %arg3[%get3A_418, %get3A_419] : memref<1x192xf32, #tpu.memory_space<vmem>>, vector<1x192xf32>
    %add3A_421 = vector.broadcast %get3A_420 : vector<1x192xf32> to vector<1024x192xf32>
    %add3A_422 = arith.addf %dot_general3A_417, %add3A_421 : vector<1024x192xf32>
    %max3A_423 = arith.constant 0.000000e+00 : f32
    %max3A_424 = vector.broadcast %max3A_423 : f32 to vector<1024x192xf32>
    %max3A_425 = arith.maximumf %add3A_422, %max3A_424 : vector<1024x192xf32>
    %convert_element_type3A_426 = arith.truncf %max3A_425 : vector<1024x192xf32> to vector<1024x192xbf16>
    %slice3A_427 = vector.extract_strided_slice %convert_element_type3A_426 {offsets = [0, 0], sizes = [1024, 128], strides = [1, 1]} : vector<1024x192xbf16> to vector<1024x128xbf16>
    %swap3A_428 = arith.constant 7296 : index
    %swap3A_429 = arith.constant 128 : index
    %swap3A_430 = vector.load %arg17[%swap3A_428, %swap3A_429] : memref<16640x384xbf16, #tpu.memory_space<vmem>>, vector<1024x128xbf16>
    tpu.vector_store %arg17[%swap3A_428, %swap3A_429], %slice3A_427 {strides = array<i32>} : memref<16640x384xbf16, #tpu.memory_space<vmem>>, vector<1024x128xbf16>,
    %slice3A_431 = vector.extract_strided_slice %convert_element_type3A_426 {offsets = [0, 128], sizes = [1024, 64], strides = [1, 1]} : vector<1024x192xbf16> to vector<1024x64xbf16>
    %swap3A_432 = arith.constant 7296 : index
    %swap3A_433 = arith.constant 0 : index
    %swap3A_434 = vector.load %arg18[%swap3A_432, %swap3A_433] : memref<16640x64xbf16, #tpu.memory_space<vmem>>, vector<1024x64xbf16>
    tpu.vector_store %arg18[%swap3A_432, %swap3A_433], %slice3A_431 {strides = array<i32>} : memref<16640x64xbf16, #tpu.memory_space<vmem>>, vector<1024x64xbf16>,
    %get3A_435 = arith.constant 8192 : index
    %get3A_436 = arith.constant 0 : index
    %get3A_437 = vector.load %arg15[%get3A_435, %get3A_436] : memref<16640x64xbf16, #tpu.memory_space<vmem>>, vector<1024x64xbf16>
    %get3A_438 = arith.constant 8320 : index
    %get3A_439 = arith.constant 0 : index
    %get3A_440 = vector.load %arg15[%get3A_438, %get3A_439] : memref<16640x64xbf16, #tpu.memory_space<vmem>>, vector<1024x64xbf16>
    %get3A_441 = arith.constant 8448 : index
    %get3A_442 = arith.constant 0 : index
    %get3A_443 = vector.load %arg15[%get3A_441, %get3A_442] : memref<16640x64xbf16, #tpu.memory_space<vmem>>, vector<1024x64xbf16>
    %get3A_444 = arith.constant 8192 : index
    %get3A_445 = arith.constant 0 : index
    %get3A_446 = vector.load %arg14[%get3A_444, %get3A_445] : memref<16640x64xbf16, #tpu.memory_space<vmem>>, vector<1024x64xbf16>
    %get3A_447 = arith.constant 8320 : index
    %get3A_448 = arith.constant 0 : index
    %get3A_449 = vector.load %arg14[%get3A_447, %get3A_448] : memref<16640x64xbf16, #tpu.memory_space<vmem>>, vector<1024x64xbf16>
    %get3A_450 = arith.constant 8448 : index
    %get3A_451 = arith.constant 0 : index
    %get3A_452 = vector.load %arg14[%get3A_450, %get3A_451] : memref<16640x64xbf16, #tpu.memory_space<vmem>>, vector<1024x64xbf16>
    %get3A_453 = arith.constant 8192 : index
    %get3A_454 = arith.constant 0 : index
    %get3A_455 = vector.load %arg16[%get3A_453, %get3A_454] : memref<16640x64xbf16, #tpu.memory_space<vmem>>, vector<1024x64xbf16>
    %get3A_456 = arith.constant 8320 : index
    %get3A_457 = arith.constant 0 : index
    %get3A_458 = vector.load %arg16[%get3A_456, %get3A_457] : memref<16640x64xbf16, #tpu.memory_space<vmem>>, vector<1024x64xbf16>
    %get3A_459 = arith.constant 8448 : index
    %get3A_460 = arith.constant 0 : index
    %get3A_461 = vector.load %arg16[%get3A_459, %get3A_460] : memref<16640x64xbf16, #tpu.memory_space<vmem>>, vector<1024x64xbf16>
    %concatenate3A_462 = tpu.concatenate %get3A_437, %get3A_440, %get3A_443, %get3A_446, %get3A_449, %get3A_452, %get3A_455, %get3A_458, %get3A_461 in 1 : vector<1024x64xbf16>, vector<1024x64xbf16>, vector<1024x64xbf16>, vector<1024x64xbf16>, vector<1024x64xbf16>, vector<1024x64xbf16>, vector<1024x64xbf16>, vector<1024x64xbf16>, vector<1024x64xbf16> -> vector<1024x576xbf16>
    %get3A_463 = arith.constant 0 : index
    %get3A_464 = arith.constant 0 : index
    %get3A_465 = vector.load %arg2[%get3A_463, %get3A_464] : memref<576x192xbf16, #tpu.memory_space<vmem>>, vector<576x192xbf16>
    %dot_general3A_466 = arith.constant dense<0.000000e+00> : vector<1024x192xf32>
    %dot_general3A_467 = tpu.matmul %concatenate3A_462, %get3A_465, %dot_general3A_466 {dimension_numbers = #tpu.dot_dimension_numbers<[1], [0], [0], [1], [0, 0, 1, 1], [], []>, transpose_lhs_hint = false} : vector<1024x576xbf16>, vector<576x192xbf16>, vector<1024x192xf32> -> vector<1024x192xf32>
    %get3A_468 = arith.constant 0 : index
    %get3A_469 = arith.constant 0 : index
    %get3A_470 = vector.load %arg3[%get3A_468, %get3A_469] : memref<1x192xf32, #tpu.memory_space<vmem>>, vector<1x192xf32>
    %add3A_471 = vector.broadcast %get3A_470 : vector<1x192xf32> to vector<1024x192xf32>
    %add3A_472 = arith.addf %dot_general3A_467, %add3A_471 : vector<1024x192xf32>
    %max3A_473 = arith.constant 0.000000e+00 : f32
    %max3A_474 = vector.broadcast %max3A_473 : f32 to vector<1024x192xf32>
    %max3A_475 = arith.maximumf %add3A_472, %max3A_474 : vector<1024x192xf32>
    %convert_element_type3A_476 = arith.truncf %max3A_475 : vector<1024x192xf32> to vector<1024x192xbf16>
    %slice3A_477 = vector.extract_strided_slice %convert_element_type3A_476 {offsets = [0, 0], sizes = [1024, 128], strides = [1, 1]} : vector<1024x192xbf16> to vector<1024x128xbf16>
    %swap3A_478 = arith.constant 8320 : index
    %swap3A_479 = arith.constant 128 : index
    %swap3A_480 = vector.load %arg17[%swap3A_478, %swap3A_479] : memref<16640x384xbf16, #tpu.memory_space<vmem>>, vector<1024x128xbf16>
    tpu.vector_store %arg17[%swap3A_478, %swap3A_479], %slice3A_477 {strides = array<i32>} : memref<16640x384xbf16, #tpu.memory_space<vmem>>, vector<1024x128xbf16>,
    %slice3A_481 = vector.extract_strided_slice %convert_element_type3A_476 {offsets = [0, 128], sizes = [1024, 64], strides = [1, 1]} : vector<1024x192xbf16> to vector<1024x64xbf16>
    %swap3A_482 = arith.constant 8320 : index
    %swap3A_483 = arith.constant 0 : index
    %swap3A_484 = vector.load %arg18[%swap3A_482, %swap3A_483] : memref<16640x64xbf16, #tpu.memory_space<vmem>>, vector<1024x64xbf16>
    tpu.vector_store %arg18[%swap3A_482, %swap3A_483], %slice3A_481 {strides = array<i32>} : memref<16640x64xbf16, #tpu.memory_space<vmem>>, vector<1024x64xbf16>,
    %get3A_485 = arith.constant 9216 : index
    %get3A_486 = arith.constant 0 : index
    %get3A_487 = vector.load %arg15[%get3A_485, %get3A_486] : memref<16640x64xbf16, #tpu.memory_space<vmem>>, vector<1024x64xbf16>
    %get3A_488 = arith.constant 9344 : index
    %get3A_489 = arith.constant 0 : index
    %get3A_490 = vector.load %arg15[%get3A_488, %get3A_489] : memref<16640x64xbf16, #tpu.memory_space<vmem>>, vector<1024x64xbf16>
    %get3A_491 = arith.constant 9472 : index
    %get3A_492 = arith.constant 0 : index
    %get3A_493 = vector.load %arg15[%get3A_491, %get3A_492] : memref<16640x64xbf16, #tpu.memory_space<vmem>>, vector<1024x64xbf16>
    %get3A_494 = arith.constant 9216 : index
    %get3A_495 = arith.constant 0 : index
    %get3A_496 = vector.load %arg14[%get3A_494, %get3A_495] : memref<16640x64xbf16, #tpu.memory_space<vmem>>, vector<1024x64xbf16>
    %get3A_497 = arith.constant 9344 : index
    %get3A_498 = arith.constant 0 : index
    %get3A_499 = vector.load %arg14[%get3A_497, %get3A_498] : memref<16640x64xbf16, #tpu.memory_space<vmem>>, vector<1024x64xbf16>
    %get3A_500 = arith.constant 9472 : index
    %get3A_501 = arith.constant 0 : index
    %get3A_502 = vector.load %arg14[%get3A_500, %get3A_501] : memref<16640x64xbf16, #tpu.memory_space<vmem>>, vector<1024x64xbf16>
    %get3A_503 = arith.constant 9216 : index
    %get3A_504 = arith.constant 0 : index
    %get3A_505 = vector.load %arg16[%get3A_503, %get3A_504] : memref<16640x64xbf16, #tpu.memory_space<vmem>>, vector<1024x64xbf16>
    %get3A_506 = arith.constant 9344 : index
    %get3A_507 = arith.constant 0 : index
    %get3A_508 = vector.load %arg16[%get3A_506, %get3A_507] : memref<16640x64xbf16, #tpu.memory_space<vmem>>, vector<1024x64xbf16>
    %get3A_509 = arith.constant 9472 : index
    %get3A_510 = arith.constant 0 : index
    %get3A_511 = vector.load %arg16[%get3A_509, %get3A_510] : memref<16640x64xbf16, #tpu.memory_space<vmem>>, vector<1024x64xbf16>
    %concatenate3A_512 = tpu.concatenate %get3A_487, %get3A_490, %get3A_493, %get3A_496, %get3A_499, %get3A_502, %get3A_505, %get3A_508, %get3A_511 in 1 : vector<1024x64xbf16>, vector<1024x64xbf16>, vector<1024x64xbf16>, vector<1024x64xbf16>, vector<1024x64xbf16>, vector<1024x64xbf16>, vector<1024x64xbf16>, vector<1024x64xbf16>, vector<1024x64xbf16> -> vector<1024x576xbf16>
    %get3A_513 = arith.constant 0 : index
    %get3A_514 = arith.constant 0 : index
    %get3A_515 = vector.load %arg2[%get3A_513, %get3A_514] : memref<576x192xbf16, #tpu.memory_space<vmem>>, vector<576x192xbf16>
    %dot_general3A_516 = arith.constant dense<0.000000e+00> : vector<1024x192xf32>
    %dot_general3A_517 = tpu.matmul %concatenate3A_512, %get3A_515, %dot_general3A_516 {dimension_numbers = #tpu.dot_dimension_numbers<[1], [0], [0], [1], [0, 0, 1, 1], [], []>, transpose_lhs_hint = false} : vector<1024x576xbf16>, vector<576x192xbf16>, vector<1024x192xf32> -> vector<1024x192xf32>
    %get3A_518 = arith.constant 0 : index
    %get3A_519 = arith.constant 0 : index
    %get3A_520 = vector.load %arg3[%get3A_518, %get3A_519] : memref<1x192xf32, #tpu.memory_space<vmem>>, vector<1x192xf32>
    %add3A_521 = vector.broadcast %get3A_520 : vector<1x192xf32> to vector<1024x192xf32>
    %add3A_522 = arith.addf %dot_general3A_517, %add3A_521 : vector<1024x192xf32>
    %max3A_523 = arith.constant 0.000000e+00 : f32
    %max3A_524 = vector.broadcast %max3A_523 : f32 to vector<1024x192xf32>
    %max3A_525 = arith.maximumf %add3A_522, %max3A_524 : vector<1024x192xf32>
    %convert_element_type3A_526 = arith.truncf %max3A_525 : vector<1024x192xf32> to vector<1024x192xbf16>
    %slice3A_527 = vector.extract_strided_slice %convert_element_type3A_526 {offsets = [0, 0], sizes = [1024, 128], strides = [1, 1]} : vector<1024x192xbf16> to vector<1024x128xbf16>
    %swap3A_528 = arith.constant 9344 : index
    %swap3A_529 = arith.constant 128 : index
    %swap3A_530 = vector.load %arg17[%swap3A_528, %swap3A_529] : memref<16640x384xbf16, #tpu.memory_space<vmem>>, vector<1024x128xbf16>
    tpu.vector_store %arg17[%swap3A_528, %swap3A_529], %slice3A_527 {strides = array<i32>} : memref<16640x384xbf16, #tpu.memory_space<vmem>>, vector<1024x128xbf16>,
    %slice3A_531 = vector.extract_strided_slice %convert_element_type3A_526 {offsets = [0, 128], sizes = [1024, 64], strides = [1, 1]} : vector<1024x192xbf16> to vector<1024x64xbf16>
    %swap3A_532 = arith.constant 9344 : index
    %swap3A_533 = arith.constant 0 : index
    %swap3A_534 = vector.load %arg18[%swap3A_532, %swap3A_533] : memref<16640x64xbf16, #tpu.memory_space<vmem>>, vector<1024x64xbf16>
    tpu.vector_store %arg18[%swap3A_532, %swap3A_533], %slice3A_531 {strides = array<i32>} : memref<16640x64xbf16, #tpu.memory_space<vmem>>, vector<1024x64xbf16>,
    %get3A_535 = arith.constant 10240 : index
    %get3A_536 = arith.constant 0 : index
    %get3A_537 = vector.load %arg15[%get3A_535, %get3A_536] : memref<16640x64xbf16, #tpu.memory_space<vmem>>, vector<1024x64xbf16>
    %get3A_538 = arith.constant 10368 : index
    %get3A_539 = arith.constant 0 : index
    %get3A_540 = vector.load %arg15[%get3A_538, %get3A_539] : memref<16640x64xbf16, #tpu.memory_space<vmem>>, vector<1024x64xbf16>
    %get3A_541 = arith.constant 10496 : index
    %get3A_542 = arith.constant 0 : index
    %get3A_543 = vector.load %arg15[%get3A_541, %get3A_542] : memref<16640x64xbf16, #tpu.memory_space<vmem>>, vector<1024x64xbf16>
    %get3A_544 = arith.constant 10240 : index
    %get3A_545 = arith.constant 0 : index
    %get3A_546 = vector.load %arg14[%get3A_544, %get3A_545] : memref<16640x64xbf16, #tpu.memory_space<vmem>>, vector<1024x64xbf16>
    %get3A_547 = arith.constant 10368 : index
    %get3A_548 = arith.constant 0 : index
    %get3A_549 = vector.load %arg14[%get3A_547, %get3A_548] : memref<16640x64xbf16, #tpu.memory_space<vmem>>, vector<1024x64xbf16>
    %get3A_550 = arith.constant 10496 : index
    %get3A_551 = arith.constant 0 : index
    %get3A_552 = vector.load %arg14[%get3A_550, %get3A_551] : memref<16640x64xbf16, #tpu.memory_space<vmem>>, vector<1024x64xbf16>
    %get3A_553 = arith.constant 10240 : index
    %get3A_554 = arith.constant 0 : index
    %get3A_555 = vector.load %arg16[%get3A_553, %get3A_554] : memref<16640x64xbf16, #tpu.memory_space<vmem>>, vector<1024x64xbf16>
    %get3A_556 = arith.constant 10368 : index
    %get3A_557 = arith.constant 0 : index
    %get3A_558 = vector.load %arg16[%get3A_556, %get3A_557] : memref<16640x64xbf16, #tpu.memory_space<vmem>>, vector<1024x64xbf16>
    %get3A_559 = arith.constant 10496 : index
    %get3A_560 = arith.constant 0 : index
    %get3A_561 = vector.load %arg16[%get3A_559, %get3A_560] : memref<16640x64xbf16, #tpu.memory_space<vmem>>, vector<1024x64xbf16>
    %concatenate3A_562 = tpu.concatenate %get3A_537, %get3A_540, %get3A_543, %get3A_546, %get3A_549, %get3A_552, %get3A_555, %get3A_558, %get3A_561 in 1 : vector<1024x64xbf16>, vector<1024x64xbf16>, vector<1024x64xbf16>, vector<1024x64xbf16>, vector<1024x64xbf16>, vector<1024x64xbf16>, vector<1024x64xbf16>, vector<1024x64xbf16>, vector<1024x64xbf16> -> vector<1024x576xbf16>
    %get3A_563 = arith.constant 0 : index
    %get3A_564 = arith.constant 0 : index
    %get3A_565 = vector.load %arg2[%get3A_563, %get3A_564] : memref<576x192xbf16, #tpu.memory_space<vmem>>, vector<576x192xbf16>
    %dot_general3A_566 = arith.constant dense<0.000000e+00> : vector<1024x192xf32>
    %dot_general3A_567 = tpu.matmul %concatenate3A_562, %get3A_565, %dot_general3A_566 {dimension_numbers = #tpu.dot_dimension_numbers<[1], [0], [0], [1], [0, 0, 1, 1], [], []>, transpose_lhs_hint = false} : vector<1024x576xbf16>, vector<576x192xbf16>, vector<1024x192xf32> -> vector<1024x192xf32>
    %get3A_568 = arith.constant 0 : index
    %get3A_569 = arith.constant 0 : index
    %get3A_570 = vector.load %arg3[%get3A_568, %get3A_569] : memref<1x192xf32, #tpu.memory_space<vmem>>, vector<1x192xf32>
    %add3A_571 = vector.broadcast %get3A_570 : vector<1x192xf32> to vector<1024x192xf32>
    %add3A_572 = arith.addf %dot_general3A_567, %add3A_571 : vector<1024x192xf32>
    %max3A_573 = arith.constant 0.000000e+00 : f32
    %max3A_574 = vector.broadcast %max3A_573 : f32 to vector<1024x192xf32>
    %max3A_575 = arith.maximumf %add3A_572, %max3A_574 : vector<1024x192xf32>
    %convert_element_type3A_576 = arith.truncf %max3A_575 : vector<1024x192xf32> to vector<1024x192xbf16>
    %slice3A_577 = vector.extract_strided_slice %convert_element_type3A_576 {offsets = [0, 0], sizes = [1024, 128], strides = [1, 1]} : vector<1024x192xbf16> to vector<1024x128xbf16>
    %swap3A_578 = arith.constant 10368 : index
    %swap3A_579 = arith.constant 128 : index
    %swap3A_580 = vector.load %arg17[%swap3A_578, %swap3A_579] : memref<16640x384xbf16, #tpu.memory_space<vmem>>, vector<1024x128xbf16>
    tpu.vector_store %arg17[%swap3A_578, %swap3A_579], %slice3A_577 {strides = array<i32>} : memref<16640x384xbf16, #tpu.memory_space<vmem>>, vector<1024x128xbf16>,
    %slice3A_581 = vector.extract_strided_slice %convert_element_type3A_576 {offsets = [0, 128], sizes = [1024, 64], strides = [1, 1]} : vector<1024x192xbf16> to vector<1024x64xbf16>
    %swap3A_582 = arith.constant 10368 : index
    %swap3A_583 = arith.constant 0 : index
    %swap3A_584 = vector.load %arg18[%swap3A_582, %swap3A_583] : memref<16640x64xbf16, #tpu.memory_space<vmem>>, vector<1024x64xbf16>
    tpu.vector_store %arg18[%swap3A_582, %swap3A_583], %slice3A_581 {strides = array<i32>} : memref<16640x64xbf16, #tpu.memory_space<vmem>>, vector<1024x64xbf16>,
    %get3A_585 = arith.constant 11264 : index
    %get3A_586 = arith.constant 0 : index
    %get3A_587 = vector.load %arg15[%get3A_585, %get3A_586] : memref<16640x64xbf16, #tpu.memory_space<vmem>>, vector<1024x64xbf16>
    %get3A_588 = arith.constant 11392 : index
    %get3A_589 = arith.constant 0 : index
    %get3A_590 = vector.load %arg15[%get3A_588, %get3A_589] : memref<16640x64xbf16, #tpu.memory_space<vmem>>, vector<1024x64xbf16>
    %get3A_591 = arith.constant 11520 : index
    %get3A_592 = arith.constant 0 : index
    %get3A_593 = vector.load %arg15[%get3A_591, %get3A_592] : memref<16640x64xbf16, #tpu.memory_space<vmem>>, vector<1024x64xbf16>
    %get3A_594 = arith.constant 11264 : index
    %get3A_595 = arith.constant 0 : index
    %get3A_596 = vector.load %arg14[%get3A_594, %get3A_595] : memref<16640x64xbf16, #tpu.memory_space<vmem>>, vector<1024x64xbf16>
    %get3A_597 = arith.constant 11392 : index
    %get3A_598 = arith.constant 0 : index
    %get3A_599 = vector.load %arg14[%get3A_597, %get3A_598] : memref<16640x64xbf16, #tpu.memory_space<vmem>>, vector<1024x64xbf16>
    %get3A_600 = arith.constant 11520 : index
    %get3A_601 = arith.constant 0 : index
    %get3A_602 = vector.load %arg14[%get3A_600, %get3A_601] : memref<16640x64xbf16, #tpu.memory_space<vmem>>, vector<1024x64xbf16>
    %get3A_603 = arith.constant 11264 : index
    %get3A_604 = arith.constant 0 : index
    %get3A_605 = vector.load %arg16[%get3A_603, %get3A_604] : memref<16640x64xbf16, #tpu.memory_space<vmem>>, vector<1024x64xbf16>
    %get3A_606 = arith.constant 11392 : index
    %get3A_607 = arith.constant 0 : index
    %get3A_608 = vector.load %arg16[%get3A_606, %get3A_607] : memref<16640x64xbf16, #tpu.memory_space<vmem>>, vector<1024x64xbf16>
    %get3A_609 = arith.constant 11520 : index
    %get3A_610 = arith.constant 0 : index
    %get3A_611 = vector.load %arg16[%get3A_609, %get3A_610] : memref<16640x64xbf16, #tpu.memory_space<vmem>>, vector<1024x64xbf16>
    %concatenate3A_612 = tpu.concatenate %get3A_587, %get3A_590, %get3A_593, %get3A_596, %get3A_599, %get3A_602, %get3A_605, %get3A_608, %get3A_611 in 1 : vector<1024x64xbf16>, vector<1024x64xbf16>, vector<1024x64xbf16>, vector<1024x64xbf16>, vector<1024x64xbf16>, vector<1024x64xbf16>, vector<1024x64xbf16>, vector<1024x64xbf16>, vector<1024x64xbf16> -> vector<1024x576xbf16>
    %get3A_613 = arith.constant 0 : index
    %get3A_614 = arith.constant 0 : index
    %get3A_615 = vector.load %arg2[%get3A_613, %get3A_614] : memref<576x192xbf16, #tpu.memory_space<vmem>>, vector<576x192xbf16>
    %dot_general3A_616 = arith.constant dense<0.000000e+00> : vector<1024x192xf32>
    %dot_general3A_617 = tpu.matmul %concatenate3A_612, %get3A_615, %dot_general3A_616 {dimension_numbers = #tpu.dot_dimension_numbers<[1], [0], [0], [1], [0, 0, 1, 1], [], []>, transpose_lhs_hint = false} : vector<1024x576xbf16>, vector<576x192xbf16>, vector<1024x192xf32> -> vector<1024x192xf32>
    %get3A_618 = arith.constant 0 : index
    %get3A_619 = arith.constant 0 : index
    %get3A_620 = vector.load %arg3[%get3A_618, %get3A_619] : memref<1x192xf32, #tpu.memory_space<vmem>>, vector<1x192xf32>
    %add3A_621 = vector.broadcast %get3A_620 : vector<1x192xf32> to vector<1024x192xf32>
    %add3A_622 = arith.addf %dot_general3A_617, %add3A_621 : vector<1024x192xf32>
    %max3A_623 = arith.constant 0.000000e+00 : f32
    %max3A_624 = vector.broadcast %max3A_623 : f32 to vector<1024x192xf32>
    %max3A_625 = arith.maximumf %add3A_622, %max3A_624 : vector<1024x192xf32>
    %convert_element_type3A_626 = arith.truncf %max3A_625 : vector<1024x192xf32> to vector<1024x192xbf16>
    %slice3A_627 = vector.extract_strided_slice %convert_element_type3A_626 {offsets = [0, 0], sizes = [1024, 128], strides = [1, 1]} : vector<1024x192xbf16> to vector<1024x128xbf16>
    %swap3A_628 = arith.constant 11392 : index
    %swap3A_629 = arith.constant 128 : index
    %swap3A_630 = vector.load %arg17[%swap3A_628, %swap3A_629] : memref<16640x384xbf16, #tpu.memory_space<vmem>>, vector<1024x128xbf16>
    tpu.vector_store %arg17[%swap3A_628, %swap3A_629], %slice3A_627 {strides = array<i32>} : memref<16640x384xbf16, #tpu.memory_space<vmem>>, vector<1024x128xbf16>,
    %slice3A_631 = vector.extract_strided_slice %convert_element_type3A_626 {offsets = [0, 128], sizes = [1024, 64], strides = [1, 1]} : vector<1024x192xbf16> to vector<1024x64xbf16>
    %swap3A_632 = arith.constant 11392 : index
    %swap3A_633 = arith.constant 0 : index
    %swap3A_634 = vector.load %arg18[%swap3A_632, %swap3A_633] : memref<16640x64xbf16, #tpu.memory_space<vmem>>, vector<1024x64xbf16>
    tpu.vector_store %arg18[%swap3A_632, %swap3A_633], %slice3A_631 {strides = array<i32>} : memref<16640x64xbf16, #tpu.memory_space<vmem>>, vector<1024x64xbf16>,
    %get3A_635 = arith.constant 12288 : index
    %get3A_636 = arith.constant 0 : index
    %get3A_637 = vector.load %arg15[%get3A_635, %get3A_636] : memref<16640x64xbf16, #tpu.memory_space<vmem>>, vector<1024x64xbf16>
    %get3A_638 = arith.constant 12416 : index
    %get3A_639 = arith.constant 0 : index
    %get3A_640 = vector.load %arg15[%get3A_638, %get3A_639] : memref<16640x64xbf16, #tpu.memory_space<vmem>>, vector<1024x64xbf16>
    %get3A_641 = arith.constant 12544 : index
    %get3A_642 = arith.constant 0 : index
    %get3A_643 = vector.load %arg15[%get3A_641, %get3A_642] : memref<16640x64xbf16, #tpu.memory_space<vmem>>, vector<1024x64xbf16>
    %get3A_644 = arith.constant 12288 : index
    %get3A_645 = arith.constant 0 : index
    %get3A_646 = vector.load %arg14[%get3A_644, %get3A_645] : memref<16640x64xbf16, #tpu.memory_space<vmem>>, vector<1024x64xbf16>
    %get3A_647 = arith.constant 12416 : index
    %get3A_648 = arith.constant 0 : index
    %get3A_649 = vector.load %arg14[%get3A_647, %get3A_648] : memref<16640x64xbf16, #tpu.memory_space<vmem>>, vector<1024x64xbf16>
    %get3A_650 = arith.constant 12544 : index
    %get3A_651 = arith.constant 0 : index
    %get3A_652 = vector.load %arg14[%get3A_650, %get3A_651] : memref<16640x64xbf16, #tpu.memory_space<vmem>>, vector<1024x64xbf16>
    %get3A_653 = arith.constant 12288 : index
    %get3A_654 = arith.constant 0 : index
    %get3A_655 = vector.load %arg16[%get3A_653, %get3A_654] : memref<16640x64xbf16, #tpu.memory_space<vmem>>, vector<1024x64xbf16>
    %get3A_656 = arith.constant 12416 : index
    %get3A_657 = arith.constant 0 : index
    %get3A_658 = vector.load %arg16[%get3A_656, %get3A_657] : memref<16640x64xbf16, #tpu.memory_space<vmem>>, vector<1024x64xbf16>
    %get3A_659 = arith.constant 12544 : index
    %get3A_660 = arith.constant 0 : index
    %get3A_661 = vector.load %arg16[%get3A_659, %get3A_660] : memref<16640x64xbf16, #tpu.memory_space<vmem>>, vector<1024x64xbf16>
    %concatenate3A_662 = tpu.concatenate %get3A_637, %get3A_640, %get3A_643, %get3A_646, %get3A_649, %get3A_652, %get3A_655, %get3A_658, %get3A_661 in 1 : vector<1024x64xbf16>, vector<1024x64xbf16>, vector<1024x64xbf16>, vector<1024x64xbf16>, vector<1024x64xbf16>, vector<1024x64xbf16>, vector<1024x64xbf16>, vector<1024x64xbf16>, vector<1024x64xbf16> -> vector<1024x576xbf16>
    %get3A_663 = arith.constant 0 : index
    %get3A_664 = arith.constant 0 : index
    %get3A_665 = vector.load %arg2[%get3A_663, %get3A_664] : memref<576x192xbf16, #tpu.memory_space<vmem>>, vector<576x192xbf16>
    %dot_general3A_666 = arith.constant dense<0.000000e+00> : vector<1024x192xf32>
    %dot_general3A_667 = tpu.matmul %concatenate3A_662, %get3A_665, %dot_general3A_666 {dimension_numbers = #tpu.dot_dimension_numbers<[1], [0], [0], [1], [0, 0, 1, 1], [], []>, transpose_lhs_hint = false} : vector<1024x576xbf16>, vector<576x192xbf16>, vector<1024x192xf32> -> vector<1024x192xf32>
    %get3A_668 = arith.constant 0 : index
    %get3A_669 = arith.constant 0 : index
    %get3A_670 = vector.load %arg3[%get3A_668, %get3A_669] : memref<1x192xf32, #tpu.memory_space<vmem>>, vector<1x192xf32>
    %add3A_671 = vector.broadcast %get3A_670 : vector<1x192xf32> to vector<1024x192xf32>
    %add3A_672 = arith.addf %dot_general3A_667, %add3A_671 : vector<1024x192xf32>
    %max3A_673 = arith.constant 0.000000e+00 : f32
    %max3A_674 = vector.broadcast %max3A_673 : f32 to vector<1024x192xf32>
    %max3A_675 = arith.maximumf %add3A_672, %max3A_674 : vector<1024x192xf32>
    %convert_element_type3A_676 = arith.truncf %max3A_675 : vector<1024x192xf32> to vector<1024x192xbf16>
    %slice3A_677 = vector.extract_strided_slice %convert_element_type3A_676 {offsets = [0, 0], sizes = [1024, 128], strides = [1, 1]} : vector<1024x192xbf16> to vector<1024x128xbf16>
    %swap3A_678 = arith.constant 12416 : index
    %swap3A_679 = arith.constant 128 : index
    %swap3A_680 = vector.load %arg17[%swap3A_678, %swap3A_679] : memref<16640x384xbf16, #tpu.memory_space<vmem>>, vector<1024x128xbf16>
    tpu.vector_store %arg17[%swap3A_678, %swap3A_679], %slice3A_677 {strides = array<i32>} : memref<16640x384xbf16, #tpu.memory_space<vmem>>, vector<1024x128xbf16>,
    %slice3A_681 = vector.extract_strided_slice %convert_element_type3A_676 {offsets = [0, 128], sizes = [1024, 64], strides = [1, 1]} : vector<1024x192xbf16> to vector<1024x64xbf16>
    %swap3A_682 = arith.constant 12416 : index
    %swap3A_683 = arith.constant 0 : index
    %swap3A_684 = vector.load %arg18[%swap3A_682, %swap3A_683] : memref<16640x64xbf16, #tpu.memory_space<vmem>>, vector<1024x64xbf16>
    tpu.vector_store %arg18[%swap3A_682, %swap3A_683], %slice3A_681 {strides = array<i32>} : memref<16640x64xbf16, #tpu.memory_space<vmem>>, vector<1024x64xbf16>,
    %get3A_685 = arith.constant 13312 : index
    %get3A_686 = arith.constant 0 : index
    %get3A_687 = vector.load %arg15[%get3A_685, %get3A_686] : memref<16640x64xbf16, #tpu.memory_space<vmem>>, vector<1024x64xbf16>
    %get3A_688 = arith.constant 13440 : index
    %get3A_689 = arith.constant 0 : index
    %get3A_690 = vector.load %arg15[%get3A_688, %get3A_689] : memref<16640x64xbf16, #tpu.memory_space<vmem>>, vector<1024x64xbf16>
    %get3A_691 = arith.constant 13568 : index
    %get3A_692 = arith.constant 0 : index
    %get3A_693 = vector.load %arg15[%get3A_691, %get3A_692] : memref<16640x64xbf16, #tpu.memory_space<vmem>>, vector<1024x64xbf16>
    %get3A_694 = arith.constant 13312 : index
    %get3A_695 = arith.constant 0 : index
    %get3A_696 = vector.load %arg14[%get3A_694, %get3A_695] : memref<16640x64xbf16, #tpu.memory_space<vmem>>, vector<1024x64xbf16>
    %get3A_697 = arith.constant 13440 : index
    %get3A_698 = arith.constant 0 : index
    %get3A_699 = vector.load %arg14[%get3A_697, %get3A_698] : memref<16640x64xbf16, #tpu.memory_space<vmem>>, vector<1024x64xbf16>
    %get3A_700 = arith.constant 13568 : index
    %get3A_701 = arith.constant 0 : index
    %get3A_702 = vector.load %arg14[%get3A_700, %get3A_701] : memref<16640x64xbf16, #tpu.memory_space<vmem>>, vector<1024x64xbf16>
    %get3A_703 = arith.constant 13312 : index
    %get3A_704 = arith.constant 0 : index
    %get3A_705 = vector.load %arg16[%get3A_703, %get3A_704] : memref<16640x64xbf16, #tpu.memory_space<vmem>>, vector<1024x64xbf16>
    %get3A_706 = arith.constant 13440 : index
    %get3A_707 = arith.constant 0 : index
    %get3A_708 = vector.load %arg16[%get3A_706, %get3A_707] : memref<16640x64xbf16, #tpu.memory_space<vmem>>, vector<1024x64xbf16>
    %get3A_709 = arith.constant 13568 : index
    %get3A_710 = arith.constant 0 : index
    %get3A_711 = vector.load %arg16[%get3A_709, %get3A_710] : memref<16640x64xbf16, #tpu.memory_space<vmem>>, vector<1024x64xbf16>
    %concatenate3A_712 = tpu.concatenate %get3A_687, %get3A_690, %get3A_693, %get3A_696, %get3A_699, %get3A_702, %get3A_705, %get3A_708, %get3A_711 in 1 : vector<1024x64xbf16>, vector<1024x64xbf16>, vector<1024x64xbf16>, vector<1024x64xbf16>, vector<1024x64xbf16>, vector<1024x64xbf16>, vector<1024x64xbf16>, vector<1024x64xbf16>, vector<1024x64xbf16> -> vector<1024x576xbf16>
    %get3A_713 = arith.constant 0 : index
    %get3A_714 = arith.constant 0 : index
    %get3A_715 = vector.load %arg2[%get3A_713, %get3A_714] : memref<576x192xbf16, #tpu.memory_space<vmem>>, vector<576x192xbf16>
    %dot_general3A_716 = arith.constant dense<0.000000e+00> : vector<1024x192xf32>
    %dot_general3A_717 = tpu.matmul %concatenate3A_712, %get3A_715, %dot_general3A_716 {dimension_numbers = #tpu.dot_dimension_numbers<[1], [0], [0], [1], [0, 0, 1, 1], [], []>, transpose_lhs_hint = false} : vector<1024x576xbf16>, vector<576x192xbf16>, vector<1024x192xf32> -> vector<1024x192xf32>
    %get3A_718 = arith.constant 0 : index
    %get3A_719 = arith.constant 0 : index
    %get3A_720 = vector.load %arg3[%get3A_718, %get3A_719] : memref<1x192xf32, #tpu.memory_space<vmem>>, vector<1x192xf32>
    %add3A_721 = vector.broadcast %get3A_720 : vector<1x192xf32> to vector<1024x192xf32>
    %add3A_722 = arith.addf %dot_general3A_717, %add3A_721 : vector<1024x192xf32>
    %max3A_723 = arith.constant 0.000000e+00 : f32
    %max3A_724 = vector.broadcast %max3A_723 : f32 to vector<1024x192xf32>
    %max3A_725 = arith.maximumf %add3A_722, %max3A_724 : vector<1024x192xf32>
    %convert_element_type3A_726 = arith.truncf %max3A_725 : vector<1024x192xf32> to vector<1024x192xbf16>
    %slice3A_727 = vector.extract_strided_slice %convert_element_type3A_726 {offsets = [0, 0], sizes = [1024, 128], strides = [1, 1]} : vector<1024x192xbf16> to vector<1024x128xbf16>
    %swap3A_728 = arith.constant 13440 : index
    %swap3A_729 = arith.constant 128 : index
    %swap3A_730 = vector.load %arg17[%swap3A_728, %swap3A_729] : memref<16640x384xbf16, #tpu.memory_space<vmem>>, vector<1024x128xbf16>
    tpu.vector_store %arg17[%swap3A_728, %swap3A_729], %slice3A_727 {strides = array<i32>} : memref<16640x384xbf16, #tpu.memory_space<vmem>>, vector<1024x128xbf16>,
    %slice3A_731 = vector.extract_strided_slice %convert_element_type3A_726 {offsets = [0, 128], sizes = [1024, 64], strides = [1, 1]} : vector<1024x192xbf16> to vector<1024x64xbf16>
    %swap3A_732 = arith.constant 13440 : index
    %swap3A_733 = arith.constant 0 : index
    %swap3A_734 = vector.load %arg18[%swap3A_732, %swap3A_733] : memref<16640x64xbf16, #tpu.memory_space<vmem>>, vector<1024x64xbf16>
    tpu.vector_store %arg18[%swap3A_732, %swap3A_733], %slice3A_731 {strides = array<i32>} : memref<16640x64xbf16, #tpu.memory_space<vmem>>, vector<1024x64xbf16>,
    %get3A_735 = arith.constant 14336 : index
    %get3A_736 = arith.constant 0 : index
    %get3A_737 = vector.load %arg15[%get3A_735, %get3A_736] : memref<16640x64xbf16, #tpu.memory_space<vmem>>, vector<1024x64xbf16>
    %get3A_738 = arith.constant 14464 : index
    %get3A_739 = arith.constant 0 : index
    %get3A_740 = vector.load %arg15[%get3A_738, %get3A_739] : memref<16640x64xbf16, #tpu.memory_space<vmem>>, vector<1024x64xbf16>
    %get3A_741 = arith.constant 14592 : index
    %get3A_742 = arith.constant 0 : index
    %get3A_743 = vector.load %arg15[%get3A_741, %get3A_742] : memref<16640x64xbf16, #tpu.memory_space<vmem>>, vector<1024x64xbf16>
    %get3A_744 = arith.constant 14336 : index
    %get3A_745 = arith.constant 0 : index
    %get3A_746 = vector.load %arg14[%get3A_744, %get3A_745] : memref<16640x64xbf16, #tpu.memory_space<vmem>>, vector<1024x64xbf16>
    %get3A_747 = arith.constant 14464 : index
    %get3A_748 = arith.constant 0 : index
    %get3A_749 = vector.load %arg14[%get3A_747, %get3A_748] : memref<16640x64xbf16, #tpu.memory_space<vmem>>, vector<1024x64xbf16>
    %get3A_750 = arith.constant 14592 : index
    %get3A_751 = arith.constant 0 : index
    %get3A_752 = vector.load %arg14[%get3A_750, %get3A_751] : memref<16640x64xbf16, #tpu.memory_space<vmem>>, vector<1024x64xbf16>
    %get3A_753 = arith.constant 14336 : index
    %get3A_754 = arith.constant 0 : index
    %get3A_755 = vector.load %arg16[%get3A_753, %get3A_754] : memref<16640x64xbf16, #tpu.memory_space<vmem>>, vector<1024x64xbf16>
    %get3A_756 = arith.constant 14464 : index
    %get3A_757 = arith.constant 0 : index
    %get3A_758 = vector.load %arg16[%get3A_756, %get3A_757] : memref<16640x64xbf16, #tpu.memory_space<vmem>>, vector<1024x64xbf16>
    %get3A_759 = arith.constant 14592 : index
    %get3A_760 = arith.constant 0 : index
    %get3A_761 = vector.load %arg16[%get3A_759, %get3A_760] : memref<16640x64xbf16, #tpu.memory_space<vmem>>, vector<1024x64xbf16>
    %concatenate3A_762 = tpu.concatenate %get3A_737, %get3A_740, %get3A_743, %get3A_746, %get3A_749, %get3A_752, %get3A_755, %get3A_758, %get3A_761 in 1 : vector<1024x64xbf16>, vector<1024x64xbf16>, vector<1024x64xbf16>, vector<1024x64xbf16>, vector<1024x64xbf16>, vector<1024x64xbf16>, vector<1024x64xbf16>, vector<1024x64xbf16>, vector<1024x64xbf16> -> vector<1024x576xbf16>
    %get3A_763 = arith.constant 0 : index
    %get3A_764 = arith.constant 0 : index
    %get3A_765 = vector.load %arg2[%get3A_763, %get3A_764] : memref<576x192xbf16, #tpu.memory_space<vmem>>, vector<576x192xbf16>
    %dot_general3A_766 = arith.constant dense<0.000000e+00> : vector<1024x192xf32>
    %dot_general3A_767 = tpu.matmul %concatenate3A_762, %get3A_765, %dot_general3A_766 {dimension_numbers = #tpu.dot_dimension_numbers<[1], [0], [0], [1], [0, 0, 1, 1], [], []>, transpose_lhs_hint = false} : vector<1024x576xbf16>, vector<576x192xbf16>, vector<1024x192xf32> -> vector<1024x192xf32>
    %get3A_768 = arith.constant 0 : index
    %get3A_769 = arith.constant 0 : index
    %get3A_770 = vector.load %arg3[%get3A_768, %get3A_769] : memref<1x192xf32, #tpu.memory_space<vmem>>, vector<1x192xf32>
    %add3A_771 = vector.broadcast %get3A_770 : vector<1x192xf32> to vector<1024x192xf32>
    %add3A_772 = arith.addf %dot_general3A_767, %add3A_771 : vector<1024x192xf32>
    %max3A_773 = arith.constant 0.000000e+00 : f32
    %max3A_774 = vector.broadcast %max3A_773 : f32 to vector<1024x192xf32>
    %max3A_775 = arith.maximumf %add3A_772, %max3A_774 : vector<1024x192xf32>
    %convert_element_type3A_776 = arith.truncf %max3A_775 : vector<1024x192xf32> to vector<1024x192xbf16>
    %slice3A_777 = vector.extract_strided_slice %convert_element_type3A_776 {offsets = [0, 0], sizes = [1024, 128], strides = [1, 1]} : vector<1024x192xbf16> to vector<1024x128xbf16>
    %swap3A_778 = arith.constant 14464 : index
    %swap3A_779 = arith.constant 128 : index
    %swap3A_780 = vector.load %arg17[%swap3A_778, %swap3A_779] : memref<16640x384xbf16, #tpu.memory_space<vmem>>, vector<1024x128xbf16>
    tpu.vector_store %arg17[%swap3A_778, %swap3A_779], %slice3A_777 {strides = array<i32>} : memref<16640x384xbf16, #tpu.memory_space<vmem>>, vector<1024x128xbf16>,
    %slice3A_781 = vector.extract_strided_slice %convert_element_type3A_776 {offsets = [0, 128], sizes = [1024, 64], strides = [1, 1]} : vector<1024x192xbf16> to vector<1024x64xbf16>
    %swap3A_782 = arith.constant 14464 : index
    %swap3A_783 = arith.constant 0 : index
    %swap3A_784 = vector.load %arg18[%swap3A_782, %swap3A_783] : memref<16640x64xbf16, #tpu.memory_space<vmem>>, vector<1024x64xbf16>
    tpu.vector_store %arg18[%swap3A_782, %swap3A_783], %slice3A_781 {strides = array<i32>} : memref<16640x64xbf16, #tpu.memory_space<vmem>>, vector<1024x64xbf16>,
    %get3A_785 = arith.constant 15360 : index
    %get3A_786 = arith.constant 0 : index
    %get3A_787 = vector.load %arg15[%get3A_785, %get3A_786] : memref<16640x64xbf16, #tpu.memory_space<vmem>>, vector<1024x64xbf16>
    %get3A_788 = arith.constant 15488 : index
    %get3A_789 = arith.constant 0 : index
    %get3A_790 = vector.load %arg15[%get3A_788, %get3A_789] : memref<16640x64xbf16, #tpu.memory_space<vmem>>, vector<1024x64xbf16>
    %get3A_791 = arith.constant 15616 : index
    %get3A_792 = arith.constant 0 : index
    %get3A_793 = vector.load %arg15[%get3A_791, %get3A_792] : memref<16640x64xbf16, #tpu.memory_space<vmem>>, vector<1024x64xbf16>
    %get3A_794 = arith.constant 15360 : index
    %get3A_795 = arith.constant 0 : index
    %get3A_796 = vector.load %arg14[%get3A_794, %get3A_795] : memref<16640x64xbf16, #tpu.memory_space<vmem>>, vector<1024x64xbf16>
    %get3A_797 = arith.constant 15488 : index
    %get3A_798 = arith.constant 0 : index
    %get3A_799 = vector.load %arg14[%get3A_797, %get3A_798] : memref<16640x64xbf16, #tpu.memory_space<vmem>>, vector<1024x64xbf16>
    %get3A_800 = arith.constant 15616 : index
    %get3A_801 = arith.constant 0 : index
    %get3A_802 = vector.load %arg14[%get3A_800, %get3A_801] : memref<16640x64xbf16, #tpu.memory_space<vmem>>, vector<1024x64xbf16>
    %get3A_803 = arith.constant 15360 : index
    %get3A_804 = arith.constant 0 : index
    %get3A_805 = vector.load %arg16[%get3A_803, %get3A_804] : memref<16640x64xbf16, #tpu.memory_space<vmem>>, vector<1024x64xbf16>
    %get3A_806 = arith.constant 15488 : index
    %get3A_807 = arith.constant 0 : index
    %get3A_808 = vector.load %arg16[%get3A_806, %get3A_807] : memref<16640x64xbf16, #tpu.memory_space<vmem>>, vector<1024x64xbf16>
    %get3A_809 = arith.constant 15616 : index
    %get3A_810 = arith.constant 0 : index
    %get3A_811 = vector.load %arg16[%get3A_809, %get3A_810] : memref<16640x64xbf16, #tpu.memory_space<vmem>>, vector<1024x64xbf16>
    %concatenate3A_812 = tpu.concatenate %get3A_787, %get3A_790, %get3A_793, %get3A_796, %get3A_799, %get3A_802, %get3A_805, %get3A_808, %get3A_811 in 1 : vector<1024x64xbf16>, vector<1024x64xbf16>, vector<1024x64xbf16>, vector<1024x64xbf16>, vector<1024x64xbf16>, vector<1024x64xbf16>, vector<1024x64xbf16>, vector<1024x64xbf16>, vector<1024x64xbf16> -> vector<1024x576xbf16>
    %get3A_813 = arith.constant 0 : index
    %get3A_814 = arith.constant 0 : index
    %get3A_815 = vector.load %arg2[%get3A_813, %get3A_814] : memref<576x192xbf16, #tpu.memory_space<vmem>>, vector<576x192xbf16>
    %dot_general3A_816 = arith.constant dense<0.000000e+00> : vector<1024x192xf32>
    %dot_general3A_817 = tpu.matmul %concatenate3A_812, %get3A_815, %dot_general3A_816 {dimension_numbers = #tpu.dot_dimension_numbers<[1], [0], [0], [1], [0, 0, 1, 1], [], []>, transpose_lhs_hint = false} : vector<1024x576xbf16>, vector<576x192xbf16>, vector<1024x192xf32> -> vector<1024x192xf32>
    %get3A_818 = arith.constant 0 : index
    %get3A_819 = arith.constant 0 : index
    %get3A_820 = vector.load %arg3[%get3A_818, %get3A_819] : memref<1x192xf32, #tpu.memory_space<vmem>>, vector<1x192xf32>
    %add3A_821 = vector.broadcast %get3A_820 : vector<1x192xf32> to vector<1024x192xf32>
    %add3A_822 = arith.addf %dot_general3A_817, %add3A_821 : vector<1024x192xf32>
    %max3A_823 = arith.constant 0.000000e+00 : f32
    %max3A_824 = vector.broadcast %max3A_823 : f32 to vector<1024x192xf32>
    %max3A_825 = arith.maximumf %add3A_822, %max3A_824 : vector<1024x192xf32>
    %convert_element_type3A_826 = arith.truncf %max3A_825 : vector<1024x192xf32> to vector<1024x192xbf16>
    %slice3A_827 = vector.extract_strided_slice %convert_element_type3A_826 {offsets = [0, 0], sizes = [1024, 128], strides = [1, 1]} : vector<1024x192xbf16> to vector<1024x128xbf16>
    %swap3A_828 = arith.constant 15488 : index
    %swap3A_829 = arith.constant 128 : index
    %swap3A_830 = vector.load %arg17[%swap3A_828, %swap3A_829] : memref<16640x384xbf16, #tpu.memory_space<vmem>>, vector<1024x128xbf16>
    tpu.vector_store %arg17[%swap3A_828, %swap3A_829], %slice3A_827 {strides = array<i32>} : memref<16640x384xbf16, #tpu.memory_space<vmem>>, vector<1024x128xbf16>,
    %slice3A_831 = vector.extract_strided_slice %convert_element_type3A_826 {offsets = [0, 128], sizes = [1024, 64], strides = [1, 1]} : vector<1024x192xbf16> to vector<1024x64xbf16>
    %swap3A_832 = arith.constant 15488 : index
    %swap3A_833 = arith.constant 0 : index
    %swap3A_834 = vector.load %arg18[%swap3A_832, %swap3A_833] : memref<16640x64xbf16, #tpu.memory_space<vmem>>, vector<1024x64xbf16>
    tpu.vector_store %arg18[%swap3A_832, %swap3A_833], %slice3A_831 {strides = array<i32>} : memref<16640x64xbf16, #tpu.memory_space<vmem>>, vector<1024x64xbf16>,
    %get3A_835 = arith.constant 0 : index
    %get3A_836 = arith.constant 128 : index
    %get3A_837 = vector.load %arg17[%get3A_835, %get3A_836] : memref<16640x384xbf16, #tpu.memory_space<vmem>>, vector<16640x128xbf16>
    %iota3A_838 = tpu.iota {dimensions = array<i32: 0>} : vector<16640x128xi32>
    %and3A_839 = arith.constant 127 : i32
    %and3A_840 = vector.broadcast %and3A_839 : i32 to vector<16640x128xi32>
    %and3A_841 = arith.andi %iota3A_838, %and3A_840 : vector<16640x128xi32>
    %ne3A_842 = arith.constant 0 : i32
    %ne3A_843 = vector.broadcast %ne3A_842 : i32 to vector<16640x128xi32>
    %ne3A_844 = arith.cmpi ne, %and3A_841, %ne3A_843 : vector<16640x128xi32>
    %lt3A_845 = arith.constant 16512 : i32
    %lt3A_846 = vector.broadcast %lt3A_845 : i32 to vector<16640x128xi32>
    %lt3A_847 = arith.cmpi slt, %iota3A_838, %lt3A_846 : vector<16640x128xi32>
    %and3A_848 = arith.andi %ne3A_844, %lt3A_847 : vector<16640x128xi1>
    %roll3A_849 = arith.constant 1 : i32
    %roll3A_850 = tpu.dynamic_rotate %get3A_837 by %roll3A_849 dim 0 : vector<16640x128xbf16>, i32 -> vector<16640x128xbf16>
    %jit3A_851 = arith.constant 0.000000e+00 : bf16
    %broadcast_in_dim3A_852 = vector.broadcast %jit3A_851 : bf16 to vector<16640x128xbf16>
    %select_n3A_853 = arith.select %and3A_848, %roll3A_850, %broadcast_in_dim3A_852 : vector<16640x128xi1>, vector<16640x128xbf16>
    %swap3A_854 = arith.constant 0 : index
    %swap3A_855 = arith.constant 0 : index
    %swap3A_856 = vector.load %arg17[%swap3A_854, %swap3A_855] : memref<16640x384xbf16, #tpu.memory_space<vmem>>, vector<16640x128xbf16>
    tpu.vector_store %arg17[%swap3A_854, %swap3A_855], %select_n3A_853 {strides = array<i32>} : memref<16640x384xbf16, #tpu.memory_space<vmem>>, vector<16640x128xbf16>,
    %ne3A_857 = arith.constant 127 : i32
    %ne3A_858 = vector.broadcast %ne3A_857 : i32 to vector<16640x128xi32>
    %ne3A_859 = arith.cmpi ne, %and3A_841, %ne3A_858 : vector<16640x128xi32>
    %ge3A_860 = arith.constant 128 : i32
    %ge3A_861 = vector.broadcast %ge3A_860 : i32 to vector<16640x128xi32>
    %ge3A_862 = arith.cmpi sge, %iota3A_838, %ge3A_861 : vector<16640x128xi32>
    %and3A_863 = arith.andi %ne3A_859, %ge3A_862 : vector<16640x128xi1>
    %roll3A_864 = arith.constant 16639 : i32
    %roll3A_865 = tpu.dynamic_rotate %get3A_837 by %roll3A_864 dim 0 : vector<16640x128xbf16>, i32 -> vector<16640x128xbf16>
    %jit3A_866 = arith.constant 0.000000e+00 : bf16
    %broadcast_in_dim3A_867 = vector.broadcast %jit3A_866 : bf16 to vector<16640x128xbf16>
    %select_n3A_868 = arith.select %and3A_863, %roll3A_865, %broadcast_in_dim3A_867 : vector<16640x128xi1>, vector<16640x128xbf16>
    %swap3A_869 = arith.constant 0 : index
    %swap3A_870 = arith.constant 256 : index
    %swap3A_871 = vector.load %arg17[%swap3A_869, %swap3A_870] : memref<16640x384xbf16, #tpu.memory_space<vmem>>, vector<16640x128xbf16>
    tpu.vector_store %arg17[%swap3A_869, %swap3A_870], %select_n3A_868 {strides = array<i32>} : memref<16640x384xbf16, #tpu.memory_space<vmem>>, vector<16640x128xbf16>,
    %get3A_872 = arith.constant 0 : index
    %get3A_873 = arith.constant 0 : index
    %get3A_874 = vector.load %arg18[%get3A_872, %get3A_873] : memref<16640x64xbf16, #tpu.memory_space<vmem>>, vector<16640x64xbf16>
    %iota3A_875 = tpu.iota {dimensions = array<i32: 0>} : vector<16640x64xi32>
    %and3A_876 = arith.constant 127 : i32
    %and3A_877 = vector.broadcast %and3A_876 : i32 to vector<16640x64xi32>
    %and3A_878 = arith.andi %iota3A_875, %and3A_877 : vector<16640x64xi32>
    %ne3A_879 = arith.constant 0 : i32
    %ne3A_880 = vector.broadcast %ne3A_879 : i32 to vector<16640x64xi32>
    %ne3A_881 = arith.cmpi ne, %and3A_878, %ne3A_880 : vector<16640x64xi32>
    %lt3A_882 = arith.constant 16512 : i32
    %lt3A_883 = vector.broadcast %lt3A_882 : i32 to vector<16640x64xi32>
    %lt3A_884 = arith.cmpi slt, %iota3A_875, %lt3A_883 : vector<16640x64xi32>
    %and3A_885 = arith.andi %ne3A_881, %lt3A_884 : vector<16640x64xi1>
    %roll3A_886 = arith.constant 1 : i32
    %roll3A_887 = tpu.dynamic_rotate %get3A_874 by %roll3A_886 dim 0 : vector<16640x64xbf16>, i32 -> vector<16640x64xbf16>
    %jit3A_888 = arith.constant 0.000000e+00 : bf16
    %broadcast_in_dim3A_889 = vector.broadcast %jit3A_888 : bf16 to vector<16640x64xbf16>
    %select_n3A_890 = arith.select %and3A_885, %roll3A_887, %broadcast_in_dim3A_889 : vector<16640x64xi1>, vector<16640x64xbf16>
    %swap3A_891 = arith.constant 0 : index
    %swap3A_892 = arith.constant 0 : index
    %swap3A_893 = vector.load %arg15[%swap3A_891, %swap3A_892] : memref<16640x64xbf16, #tpu.memory_space<vmem>>, vector<16640x64xbf16>
    tpu.vector_store %arg15[%swap3A_891, %swap3A_892], %select_n3A_890 {strides = array<i32>} : memref<16640x64xbf16, #tpu.memory_space<vmem>>, vector<16640x64xbf16>,
    %ne3A_894 = arith.constant 127 : i32
    %ne3A_895 = vector.broadcast %ne3A_894 : i32 to vector<16640x64xi32>
    %ne3A_896 = arith.cmpi ne, %and3A_878, %ne3A_895 : vector<16640x64xi32>
    %ge3A_897 = arith.constant 128 : i32
    %ge3A_898 = vector.broadcast %ge3A_897 : i32 to vector<16640x64xi32>
    %ge3A_899 = arith.cmpi sge, %iota3A_875, %ge3A_898 : vector<16640x64xi32>
    %and3A_900 = arith.andi %ne3A_896, %ge3A_899 : vector<16640x64xi1>
    %roll3A_901 = arith.constant 16639 : i32
    %roll3A_902 = tpu.dynamic_rotate %get3A_874 by %roll3A_901 dim 0 : vector<16640x64xbf16>, i32 -> vector<16640x64xbf16>
    %jit3A_903 = arith.constant 0.000000e+00 : bf16
    %broadcast_in_dim3A_904 = vector.broadcast %jit3A_903 : bf16 to vector<16640x64xbf16>
    %select_n3A_905 = arith.select %and3A_900, %roll3A_902, %broadcast_in_dim3A_904 : vector<16640x64xi1>, vector<16640x64xbf16>
    %swap3A_906 = arith.constant 0 : index
    %swap3A_907 = arith.constant 0 : index
    %swap3A_908 = vector.load %arg16[%swap3A_906, %swap3A_907] : memref<16640x64xbf16, #tpu.memory_space<vmem>>, vector<16640x64xbf16>
    tpu.vector_store %arg16[%swap3A_906, %swap3A_907], %select_n3A_905 {strides = array<i32>} : memref<16640x64xbf16, #tpu.memory_space<vmem>>, vector<16640x64xbf16>,
    %get3A_909 = arith.constant 0 : index
    %get3A_910 = arith.constant 0 : index
    %get3A_911 = vector.load %arg17[%get3A_909, %get3A_910] : memref<16640x384xbf16, #tpu.memory_space<vmem>>, vector<1024x384xbf16>
    %get3A_912 = arith.constant 0 : index
    %get3A_913 = arith.constant 0 : index
    %get3A_914 = arith.constant 0 : index
    %get3A_915 = vector.load %arg4[%get3A_912, %get3A_913, %get3A_914] : memref<3x384x128xbf16, #tpu.memory_space<vmem>>, vector<1x384x128xbf16>
    %get3A_916 = vector.shape_cast %get3A_915 : vector<1x384x128xbf16> to vector<384x128xbf16>
    %dot_general3A_917 = arith.constant dense<0.000000e+00> : vector<1024x128xf32>
    %dot_general3A_918 = tpu.matmul %get3A_911, %get3A_916, %dot_general3A_917 {dimension_numbers = #tpu.dot_dimension_numbers<[1], [0], [0], [1], [0, 0, 1, 1], [], []>, transpose_lhs_hint = false} : vector<1024x384xbf16>, vector<384x128xbf16>, vector<1024x128xf32> -> vector<1024x128xf32>
    %get3A_919 = arith.constant 128 : index
    %get3A_920 = arith.constant 0 : index
    %get3A_921 = vector.load %arg17[%get3A_919, %get3A_920] : memref<16640x384xbf16, #tpu.memory_space<vmem>>, vector<1024x384xbf16>
    %get3A_922 = arith.constant 1 : index
    %get3A_923 = arith.constant 0 : index
    %get3A_924 = arith.constant 0 : index
    %get3A_925 = vector.load %arg4[%get3A_922, %get3A_923, %get3A_924] : memref<3x384x128xbf16, #tpu.memory_space<vmem>>, vector<1x384x128xbf16>
    %get3A_926 = vector.shape_cast %get3A_925 : vector<1x384x128xbf16> to vector<384x128xbf16>
    %dot_general3A_927 = arith.constant dense<0.000000e+00> : vector<1024x128xf32>
    %dot_general3A_928 = tpu.matmul %get3A_921, %get3A_926, %dot_general3A_927 {dimension_numbers = #tpu.dot_dimension_numbers<[1], [0], [0], [1], [0, 0, 1, 1], [], []>, transpose_lhs_hint = false} : vector<1024x384xbf16>, vector<384x128xbf16>, vector<1024x128xf32> -> vector<1024x128xf32>
    %add3A_929 = arith.addf %dot_general3A_918, %dot_general3A_928 : vector<1024x128xf32>
    %get3A_930 = arith.constant 256 : index
    %get3A_931 = arith.constant 0 : index
    %get3A_932 = vector.load %arg17[%get3A_930, %get3A_931] : memref<16640x384xbf16, #tpu.memory_space<vmem>>, vector<1024x384xbf16>
    %get3A_933 = arith.constant 2 : index
    %get3A_934 = arith.constant 0 : index
    %get3A_935 = arith.constant 0 : index
    %get3A_936 = vector.load %arg4[%get3A_933, %get3A_934, %get3A_935] : memref<3x384x128xbf16, #tpu.memory_space<vmem>>, vector<1x384x128xbf16>
    %get3A_937 = vector.shape_cast %get3A_936 : vector<1x384x128xbf16> to vector<384x128xbf16>
    %dot_general3A_938 = arith.constant dense<0.000000e+00> : vector<1024x128xf32>
    %dot_general3A_939 = tpu.matmul %get3A_932, %get3A_937, %dot_general3A_938 {dimension_numbers = #tpu.dot_dimension_numbers<[1], [0], [0], [1], [0, 0, 1, 1], [], []>, transpose_lhs_hint = false} : vector<1024x384xbf16>, vector<384x128xbf16>, vector<1024x128xf32> -> vector<1024x128xf32>
    %add3A_940 = arith.addf %add3A_929, %dot_general3A_939 : vector<1024x128xf32>
    %get3A_941 = arith.constant 0 : index
    %get3A_942 = arith.constant 0 : index
    %get3A_943 = vector.load %arg5[%get3A_941, %get3A_942] : memref<1x128xf32, #tpu.memory_space<vmem>>, vector<1x128xf32>
    %add3A_944 = vector.broadcast %get3A_943 : vector<1x128xf32> to vector<1024x128xf32>
    %add3A_945 = arith.addf %add3A_940, %add3A_944 : vector<1024x128xf32>
    %max3A_946 = arith.constant 0.000000e+00 : f32
    %max3A_947 = vector.broadcast %max3A_946 : f32 to vector<1024x128xf32>
    %max3A_948 = arith.maximumf %add3A_945, %max3A_947 : vector<1024x128xf32>
    %convert_element_type3A_949 = arith.truncf %max3A_948 : vector<1024x128xf32> to vector<1024x128xbf16>
    %get3A_950 = arith.constant 0 : index
    %get3A_951 = arith.constant 0 : index
    %get3A_952 = vector.load %arg6[%get3A_950, %get3A_951] : memref<128x80xbf16, #tpu.memory_space<vmem>>, vector<128x80xbf16>
    %dot_general3A_953 = arith.constant dense<0.000000e+00> : vector<1024x80xf32>
    %dot_general3A_954 = tpu.matmul %convert_element_type3A_949, %get3A_952, %dot_general3A_953 {dimension_numbers = #tpu.dot_dimension_numbers<[1], [0], [0], [1], [0, 0, 1, 1], [], []>, transpose_lhs_hint = false} : vector<1024x128xbf16>, vector<128x80xbf16>, vector<1024x80xf32> -> vector<1024x80xf32>
    %get3A_955 = arith.constant 0 : index
    %get3A_956 = arith.constant 0 : index
    %get3A_957 = vector.load %arg7[%get3A_955, %get3A_956] : memref<1x80xf32, #tpu.memory_space<vmem>>, vector<1x80xf32>
    %add3A_958 = vector.broadcast %get3A_957 : vector<1x80xf32> to vector<1024x80xf32>
    %add3A_959 = arith.addf %dot_general3A_954, %add3A_958 : vector<1024x80xf32>
    %transpose3A = tpu.transpose %add3A_959, [1, 0] : vector<1024x80xf32> -> vector<80x1024xf32>
    %swap3A_960 = arith.constant 0 : index
    %swap3A_961 = arith.constant 0 : index
    %swap3A_962 = arith.constant 0 : index
    %swap3A_963 = vector.load %arg12[%swap3A_960, %swap3A_961, %swap3A_962] : memref<1x80x16384xf32, #tpu.memory_space<vmem>>, vector<1x80x1024xf32>
    %swap3A_964 = vector.shape_cast %swap3A_963 : vector<1x80x1024xf32> to vector<80x1024xf32>
    %swap3A_965 = vector.shape_cast %transpose3A : vector<80x1024xf32> to vector<1x80x1024xf32>
    tpu.vector_store %arg12[%swap3A_960, %swap3A_961, %swap3A_962], %swap3A_965 {strides = array<i32>} : memref<1x80x16384xf32, #tpu.memory_space<vmem>>, vector<1x80x1024xf32>,
    %get3A_966 = arith.constant 0 : index
    %get3A_967 = arith.constant 0 : index
    %get3A_968 = vector.load %arg15[%get3A_966, %get3A_967] : memref<16640x64xbf16, #tpu.memory_space<vmem>>, vector<1024x64xbf16>
    %get3A_969 = arith.constant 128 : index
    %get3A_970 = arith.constant 0 : index
    %get3A_971 = vector.load %arg15[%get3A_969, %get3A_970] : memref<16640x64xbf16, #tpu.memory_space<vmem>>, vector<1024x64xbf16>
    %get3A_972 = arith.constant 256 : index
    %get3A_973 = arith.constant 0 : index
    %get3A_974 = vector.load %arg15[%get3A_972, %get3A_973] : memref<16640x64xbf16, #tpu.memory_space<vmem>>, vector<1024x64xbf16>
    %get3A_975 = arith.constant 0 : index
    %get3A_976 = arith.constant 0 : index
    %get3A_977 = vector.load %arg18[%get3A_975, %get3A_976] : memref<16640x64xbf16, #tpu.memory_space<vmem>>, vector<1024x64xbf16>
    %get3A_978 = arith.constant 128 : index
    %get3A_979 = arith.constant 0 : index
    %get3A_980 = vector.load %arg18[%get3A_978, %get3A_979] : memref<16640x64xbf16, #tpu.memory_space<vmem>>, vector<1024x64xbf16>
    %get3A_981 = arith.constant 256 : index
    %get3A_982 = arith.constant 0 : index
    %get3A_983 = vector.load %arg18[%get3A_981, %get3A_982] : memref<16640x64xbf16, #tpu.memory_space<vmem>>, vector<1024x64xbf16>
    %get3A_984 = arith.constant 0 : index
    %get3A_985 = arith.constant 0 : index
    %get3A_986 = vector.load %arg16[%get3A_984, %get3A_985] : memref<16640x64xbf16, #tpu.memory_space<vmem>>, vector<1024x64xbf16>
    %get3A_987 = arith.constant 128 : index
    %get3A_988 = arith.constant 0 : index
    %get3A_989 = vector.load %arg16[%get3A_987, %get3A_988] : memref<16640x64xbf16, #tpu.memory_space<vmem>>, vector<1024x64xbf16>
    %get3A_990 = arith.constant 256 : index
    %get3A_991 = arith.constant 0 : index
    %get3A_992 = vector.load %arg16[%get3A_990, %get3A_991] : memref<16640x64xbf16, #tpu.memory_space<vmem>>, vector<1024x64xbf16>
    %concatenate3A_993 = tpu.concatenate %get3A_968, %get3A_971, %get3A_974, %get3A_977, %get3A_980, %get3A_983, %get3A_986, %get3A_989, %get3A_992 in 1 : vector<1024x64xbf16>, vector<1024x64xbf16>, vector<1024x64xbf16>, vector<1024x64xbf16>, vector<1024x64xbf16>, vector<1024x64xbf16>, vector<1024x64xbf16>, vector<1024x64xbf16>, vector<1024x64xbf16> -> vector<1024x576xbf16>
    %get3A_994 = arith.constant 0 : index
    %get3A_995 = arith.constant 0 : index
    %get3A_996 = vector.load %arg8[%get3A_994, %get3A_995] : memref<576x64xbf16, #tpu.memory_space<vmem>>, vector<576x64xbf16>
    %dot_general3A_997 = arith.constant dense<0.000000e+00> : vector<1024x64xf32>
    %dot_general3A_998 = tpu.matmul %concatenate3A_993, %get3A_996, %dot_general3A_997 {dimension_numbers = #tpu.dot_dimension_numbers<[1], [0], [0], [1], [0, 0, 1, 1], [], []>, transpose_lhs_hint = false} : vector<1024x576xbf16>, vector<576x64xbf16>, vector<1024x64xf32> -> vector<1024x64xf32>
    %get3A_999 = arith.constant 0 : index
    %get3A_1000 = arith.constant 0 : index
    %get3A_1001 = vector.load %arg9[%get3A_999, %get3A_1000] : memref<1x64xf32, #tpu.memory_space<vmem>>, vector<1x64xf32>
    %add3A_1002 = vector.broadcast %get3A_1001 : vector<1x64xf32> to vector<1024x64xf32>
    %add3A_1003 = arith.addf %dot_general3A_998, %add3A_1002 : vector<1024x64xf32>
    %max3A_1004 = arith.constant 0.000000e+00 : f32
    %max3A_1005 = vector.broadcast %max3A_1004 : f32 to vector<1024x64xf32>
    %max3A_1006 = arith.maximumf %add3A_1003, %max3A_1005 : vector<1024x64xf32>
    %convert_element_type3A_1007 = arith.truncf %max3A_1006 : vector<1024x64xf32> to vector<1024x64xbf16>
    %get3A_1008 = arith.constant 0 : index
    %get3A_1009 = arith.constant 0 : index
    %get3A_1010 = vector.load %arg10[%get3A_1008, %get3A_1009] : memref<64x8xbf16, #tpu.memory_space<vmem>>, vector<64x8xbf16>
    %dot_general3A_1011 = arith.constant dense<0.000000e+00> : vector<1024x8xf32>
    %dot_general3A_1012 = tpu.matmul %convert_element_type3A_1007, %get3A_1010, %dot_general3A_1011 {dimension_numbers = #tpu.dot_dimension_numbers<[1], [0], [0], [1], [0, 0, 1, 1], [], []>, transpose_lhs_hint = false} : vector<1024x64xbf16>, vector<64x8xbf16>, vector<1024x8xf32> -> vector<1024x8xf32>
    %get3A_1013 = arith.constant 0 : index
    %get3A_1014 = arith.constant 0 : index
    %get3A_1015 = vector.load %arg11[%get3A_1013, %get3A_1014] : memref<1x8xf32, #tpu.memory_space<vmem>>, vector<1x8xf32>
    %add3A_1016 = vector.broadcast %get3A_1015 : vector<1x8xf32> to vector<1024x8xf32>
    %add3A_1017 = arith.addf %dot_general3A_1012, %add3A_1016 : vector<1024x8xf32>
    %max3A_1018 = arith.constant 0.000000e+00 : f32
    %max3A_1019 = vector.broadcast %max3A_1018 : f32 to vector<1024x8xf32>
    %max3A_1020 = arith.maximumf %add3A_1017, %max3A_1019 : vector<1024x8xf32>
    %mul3A = arith.constant 1.600000e+01 : f32
    %mul3A_1021 = vector.broadcast %mul3A : f32 to vector<1024x8xf32>
    %mul3A_1022 = arith.mulf %max3A_1020, %mul3A_1021 : vector<1024x8xf32>
    %transpose3A_1023 = tpu.transpose %mul3A_1022, [1, 0] : vector<1024x8xf32> -> vector<8x1024xf32>
    %slice3A_1024 = vector.extract_strided_slice %transpose3A_1023 {offsets = [0, 0], sizes = [4, 1024], strides = [1, 1]} : vector<8x1024xf32> to vector<4x1024xf32>
    %swap3A_1025 = arith.constant 0 : index
    %swap3A_1026 = arith.constant 0 : index
    %swap3A_1027 = arith.constant 0 : index
    %swap3A_1028 = vector.load %arg13[%swap3A_1025, %swap3A_1026, %swap3A_1027] : memref<1x4x16384xf32, #tpu.memory_space<vmem>>, vector<1x4x1024xf32>
    %swap3A_1029 = vector.shape_cast %swap3A_1028 : vector<1x4x1024xf32> to vector<4x1024xf32>
    %swap3A_1030 = vector.shape_cast %slice3A_1024 : vector<4x1024xf32> to vector<1x4x1024xf32>
    tpu.vector_store %arg13[%swap3A_1025, %swap3A_1026, %swap3A_1027], %swap3A_1030 {strides = array<i32>} : memref<1x4x16384xf32, #tpu.memory_space<vmem>>, vector<1x4x1024xf32>,
    %get3A_1031 = arith.constant 1024 : index
    %get3A_1032 = arith.constant 0 : index
    %get3A_1033 = vector.load %arg17[%get3A_1031, %get3A_1032] : memref<16640x384xbf16, #tpu.memory_space<vmem>>, vector<1024x384xbf16>
    %get3A_1034 = arith.constant 0 : index
    %get3A_1035 = arith.constant 0 : index
    %get3A_1036 = arith.constant 0 : index
    %get3A_1037 = vector.load %arg4[%get3A_1034, %get3A_1035, %get3A_1036] : memref<3x384x128xbf16, #tpu.memory_space<vmem>>, vector<1x384x128xbf16>
    %get3A_1038 = vector.shape_cast %get3A_1037 : vector<1x384x128xbf16> to vector<384x128xbf16>
    %dot_general3A_1039 = arith.constant dense<0.000000e+00> : vector<1024x128xf32>
    %dot_general3A_1040 = tpu.matmul %get3A_1033, %get3A_1038, %dot_general3A_1039 {dimension_numbers = #tpu.dot_dimension_numbers<[1], [0], [0], [1], [0, 0, 1, 1], [], []>, transpose_lhs_hint = false} : vector<1024x384xbf16>, vector<384x128xbf16>, vector<1024x128xf32> -> vector<1024x128xf32>
    %get3A_1041 = arith.constant 1152 : index
    %get3A_1042 = arith.constant 0 : index
    %get3A_1043 = vector.load %arg17[%get3A_1041, %get3A_1042] : memref<16640x384xbf16, #tpu.memory_space<vmem>>, vector<1024x384xbf16>
    %get3A_1044 = arith.constant 1 : index
    %get3A_1045 = arith.constant 0 : index
    %get3A_1046 = arith.constant 0 : index
    %get3A_1047 = vector.load %arg4[%get3A_1044, %get3A_1045, %get3A_1046] : memref<3x384x128xbf16, #tpu.memory_space<vmem>>, vector<1x384x128xbf16>
    %get3A_1048 = vector.shape_cast %get3A_1047 : vector<1x384x128xbf16> to vector<384x128xbf16>
    %dot_general3A_1049 = arith.constant dense<0.000000e+00> : vector<1024x128xf32>
    %dot_general3A_1050 = tpu.matmul %get3A_1043, %get3A_1048, %dot_general3A_1049 {dimension_numbers = #tpu.dot_dimension_numbers<[1], [0], [0], [1], [0, 0, 1, 1], [], []>, transpose_lhs_hint = false} : vector<1024x384xbf16>, vector<384x128xbf16>, vector<1024x128xf32> -> vector<1024x128xf32>
    %add3A_1051 = arith.addf %dot_general3A_1040, %dot_general3A_1050 : vector<1024x128xf32>
    %get3A_1052 = arith.constant 1280 : index
    %get3A_1053 = arith.constant 0 : index
    %get3A_1054 = vector.load %arg17[%get3A_1052, %get3A_1053] : memref<16640x384xbf16, #tpu.memory_space<vmem>>, vector<1024x384xbf16>
    %get3A_1055 = arith.constant 2 : index
    %get3A_1056 = arith.constant 0 : index
    %get3A_1057 = arith.constant 0 : index
    %get3A_1058 = vector.load %arg4[%get3A_1055, %get3A_1056, %get3A_1057] : memref<3x384x128xbf16, #tpu.memory_space<vmem>>, vector<1x384x128xbf16>
    %get3A_1059 = vector.shape_cast %get3A_1058 : vector<1x384x128xbf16> to vector<384x128xbf16>
    %dot_general3A_1060 = arith.constant dense<0.000000e+00> : vector<1024x128xf32>
    %dot_general3A_1061 = tpu.matmul %get3A_1054, %get3A_1059, %dot_general3A_1060 {dimension_numbers = #tpu.dot_dimension_numbers<[1], [0], [0], [1], [0, 0, 1, 1], [], []>, transpose_lhs_hint = false} : vector<1024x384xbf16>, vector<384x128xbf16>, vector<1024x128xf32> -> vector<1024x128xf32>
    %add3A_1062 = arith.addf %add3A_1051, %dot_general3A_1061 : vector<1024x128xf32>
    %get3A_1063 = arith.constant 0 : index
    %get3A_1064 = arith.constant 0 : index
    %get3A_1065 = vector.load %arg5[%get3A_1063, %get3A_1064] : memref<1x128xf32, #tpu.memory_space<vmem>>, vector<1x128xf32>
    %add3A_1066 = vector.broadcast %get3A_1065 : vector<1x128xf32> to vector<1024x128xf32>
    %add3A_1067 = arith.addf %add3A_1062, %add3A_1066 : vector<1024x128xf32>
    %max3A_1068 = arith.constant 0.000000e+00 : f32
    %max3A_1069 = vector.broadcast %max3A_1068 : f32 to vector<1024x128xf32>
    %max3A_1070 = arith.maximumf %add3A_1067, %max3A_1069 : vector<1024x128xf32>
    %convert_element_type3A_1071 = arith.truncf %max3A_1070 : vector<1024x128xf32> to vector<1024x128xbf16>
    %get3A_1072 = arith.constant 0 : index
    %get3A_1073 = arith.constant 0 : index
    %get3A_1074 = vector.load %arg6[%get3A_1072, %get3A_1073] : memref<128x80xbf16, #tpu.memory_space<vmem>>, vector<128x80xbf16>
    %dot_general3A_1075 = arith.constant dense<0.000000e+00> : vector<1024x80xf32>
    %dot_general3A_1076 = tpu.matmul %convert_element_type3A_1071, %get3A_1074, %dot_general3A_1075 {dimension_numbers = #tpu.dot_dimension_numbers<[1], [0], [0], [1], [0, 0, 1, 1], [], []>, transpose_lhs_hint = false} : vector<1024x128xbf16>, vector<128x80xbf16>, vector<1024x80xf32> -> vector<1024x80xf32>
    %get3A_1077 = arith.constant 0 : index
    %get3A_1078 = arith.constant 0 : index
    %get3A_1079 = vector.load %arg7[%get3A_1077, %get3A_1078] : memref<1x80xf32, #tpu.memory_space<vmem>>, vector<1x80xf32>
    %add3A_1080 = vector.broadcast %get3A_1079 : vector<1x80xf32> to vector<1024x80xf32>
    %add3A_1081 = arith.addf %dot_general3A_1076, %add3A_1080 : vector<1024x80xf32>
    %transpose3A_1082 = tpu.transpose %add3A_1081, [1, 0] : vector<1024x80xf32> -> vector<80x1024xf32>
    %swap3A_1083 = arith.constant 0 : index
    %swap3A_1084 = arith.constant 0 : index
    %swap3A_1085 = arith.constant 1024 : index
    %swap3A_1086 = vector.load %arg12[%swap3A_1083, %swap3A_1084, %swap3A_1085] : memref<1x80x16384xf32, #tpu.memory_space<vmem>>, vector<1x80x1024xf32>
    %swap3A_1087 = vector.shape_cast %swap3A_1086 : vector<1x80x1024xf32> to vector<80x1024xf32>
    %swap3A_1088 = vector.shape_cast %transpose3A_1082 : vector<80x1024xf32> to vector<1x80x1024xf32>
    tpu.vector_store %arg12[%swap3A_1083, %swap3A_1084, %swap3A_1085], %swap3A_1088 {strides = array<i32>} : memref<1x80x16384xf32, #tpu.memory_space<vmem>>, vector<1x80x1024xf32>,
    %get3A_1089 = arith.constant 1024 : index
    %get3A_1090 = arith.constant 0 : index
    %get3A_1091 = vector.load %arg15[%get3A_1089, %get3A_1090] : memref<16640x64xbf16, #tpu.memory_space<vmem>>, vector<1024x64xbf16>
    %get3A_1092 = arith.constant 1152 : index
    %get3A_1093 = arith.constant 0 : index
    %get3A_1094 = vector.load %arg15[%get3A_1092, %get3A_1093] : memref<16640x64xbf16, #tpu.memory_space<vmem>>, vector<1024x64xbf16>
    %get3A_1095 = arith.constant 1280 : index
    %get3A_1096 = arith.constant 0 : index
    %get3A_1097 = vector.load %arg15[%get3A_1095, %get3A_1096] : memref<16640x64xbf16, #tpu.memory_space<vmem>>, vector<1024x64xbf16>
    %get3A_1098 = arith.constant 1024 : index
    %get3A_1099 = arith.constant 0 : index
    %get3A_1100 = vector.load %arg18[%get3A_1098, %get3A_1099] : memref<16640x64xbf16, #tpu.memory_space<vmem>>, vector<1024x64xbf16>
    %get3A_1101 = arith.constant 1152 : index
    %get3A_1102 = arith.constant 0 : index
    %get3A_1103 = vector.load %arg18[%get3A_1101, %get3A_1102] : memref<16640x64xbf16, #tpu.memory_space<vmem>>, vector<1024x64xbf16>
    %get3A_1104 = arith.constant 1280 : index
    %get3A_1105 = arith.constant 0 : index
    %get3A_1106 = vector.load %arg18[%get3A_1104, %get3A_1105] : memref<16640x64xbf16, #tpu.memory_space<vmem>>, vector<1024x64xbf16>
    %get3A_1107 = arith.constant 1024 : index
    %get3A_1108 = arith.constant 0 : index
    %get3A_1109 = vector.load %arg16[%get3A_1107, %get3A_1108] : memref<16640x64xbf16, #tpu.memory_space<vmem>>, vector<1024x64xbf16>
    %get3A_1110 = arith.constant 1152 : index
    %get3A_1111 = arith.constant 0 : index
    %get3A_1112 = vector.load %arg16[%get3A_1110, %get3A_1111] : memref<16640x64xbf16, #tpu.memory_space<vmem>>, vector<1024x64xbf16>
    %get3A_1113 = arith.constant 1280 : index
    %get3A_1114 = arith.constant 0 : index
    %get3A_1115 = vector.load %arg16[%get3A_1113, %get3A_1114] : memref<16640x64xbf16, #tpu.memory_space<vmem>>, vector<1024x64xbf16>
    %concatenate3A_1116 = tpu.concatenate %get3A_1091, %get3A_1094, %get3A_1097, %get3A_1100, %get3A_1103, %get3A_1106, %get3A_1109, %get3A_1112, %get3A_1115 in 1 : vector<1024x64xbf16>, vector<1024x64xbf16>, vector<1024x64xbf16>, vector<1024x64xbf16>, vector<1024x64xbf16>, vector<1024x64xbf16>, vector<1024x64xbf16>, vector<1024x64xbf16>, vector<1024x64xbf16> -> vector<1024x576xbf16>
    %get3A_1117 = arith.constant 0 : index
    %get3A_1118 = arith.constant 0 : index
    %get3A_1119 = vector.load %arg8[%get3A_1117, %get3A_1118] : memref<576x64xbf16, #tpu.memory_space<vmem>>, vector<576x64xbf16>
    %dot_general3A_1120 = arith.constant dense<0.000000e+00> : vector<1024x64xf32>
    %dot_general3A_1121 = tpu.matmul %concatenate3A_1116, %get3A_1119, %dot_general3A_1120 {dimension_numbers = #tpu.dot_dimension_numbers<[1], [0], [0], [1], [0, 0, 1, 1], [], []>, transpose_lhs_hint = false} : vector<1024x576xbf16>, vector<576x64xbf16>, vector<1024x64xf32> -> vector<1024x64xf32>
    %get3A_1122 = arith.constant 0 : index
    %get3A_1123 = arith.constant 0 : index
    %get3A_1124 = vector.load %arg9[%get3A_1122, %get3A_1123] : memref<1x64xf32, #tpu.memory_space<vmem>>, vector<1x64xf32>
    %add3A_1125 = vector.broadcast %get3A_1124 : vector<1x64xf32> to vector<1024x64xf32>
    %add3A_1126 = arith.addf %dot_general3A_1121, %add3A_1125 : vector<1024x64xf32>
    %max3A_1127 = arith.constant 0.000000e+00 : f32
    %max3A_1128 = vector.broadcast %max3A_1127 : f32 to vector<1024x64xf32>
    %max3A_1129 = arith.maximumf %add3A_1126, %max3A_1128 : vector<1024x64xf32>
    %convert_element_type3A_1130 = arith.truncf %max3A_1129 : vector<1024x64xf32> to vector<1024x64xbf16>
    %get3A_1131 = arith.constant 0 : index
    %get3A_1132 = arith.constant 0 : index
    %get3A_1133 = vector.load %arg10[%get3A_1131, %get3A_1132] : memref<64x8xbf16, #tpu.memory_space<vmem>>, vector<64x8xbf16>
    %dot_general3A_1134 = arith.constant dense<0.000000e+00> : vector<1024x8xf32>
    %dot_general3A_1135 = tpu.matmul %convert_element_type3A_1130, %get3A_1133, %dot_general3A_1134 {dimension_numbers = #tpu.dot_dimension_numbers<[1], [0], [0], [1], [0, 0, 1, 1], [], []>, transpose_lhs_hint = false} : vector<1024x64xbf16>, vector<64x8xbf16>, vector<1024x8xf32> -> vector<1024x8xf32>
    %get3A_1136 = arith.constant 0 : index
    %get3A_1137 = arith.constant 0 : index
    %get3A_1138 = vector.load %arg11[%get3A_1136, %get3A_1137] : memref<1x8xf32, #tpu.memory_space<vmem>>, vector<1x8xf32>
    %add3A_1139 = vector.broadcast %get3A_1138 : vector<1x8xf32> to vector<1024x8xf32>
    %add3A_1140 = arith.addf %dot_general3A_1135, %add3A_1139 : vector<1024x8xf32>
    %max3A_1141 = arith.constant 0.000000e+00 : f32
    %max3A_1142 = vector.broadcast %max3A_1141 : f32 to vector<1024x8xf32>
    %max3A_1143 = arith.maximumf %add3A_1140, %max3A_1142 : vector<1024x8xf32>
    %mul3A_1144 = arith.constant 1.600000e+01 : f32
    %mul3A_1145 = vector.broadcast %mul3A_1144 : f32 to vector<1024x8xf32>
    %mul3A_1146 = arith.mulf %max3A_1143, %mul3A_1145 : vector<1024x8xf32>
    %transpose3A_1147 = tpu.transpose %mul3A_1146, [1, 0] : vector<1024x8xf32> -> vector<8x1024xf32>
    %slice3A_1148 = vector.extract_strided_slice %transpose3A_1147 {offsets = [0, 0], sizes = [4, 1024], strides = [1, 1]} : vector<8x1024xf32> to vector<4x1024xf32>
    %swap3A_1149 = arith.constant 0 : index
    %swap3A_1150 = arith.constant 0 : index
    %swap3A_1151 = arith.constant 1024 : index
    %swap3A_1152 = vector.load %arg13[%swap3A_1149, %swap3A_1150, %swap3A_1151] : memref<1x4x16384xf32, #tpu.memory_space<vmem>>, vector<1x4x1024xf32>
    %swap3A_1153 = vector.shape_cast %swap3A_1152 : vector<1x4x1024xf32> to vector<4x1024xf32>
    %swap3A_1154 = vector.shape_cast %slice3A_1148 : vector<4x1024xf32> to vector<1x4x1024xf32>
    tpu.vector_store %arg13[%swap3A_1149, %swap3A_1150, %swap3A_1151], %swap3A_1154 {strides = array<i32>} : memref<1x4x16384xf32, #tpu.memory_space<vmem>>, vector<1x4x1024xf32>,
    %get3A_1155 = arith.constant 2048 : index
    %get3A_1156 = arith.constant 0 : index
    %get3A_1157 = vector.load %arg17[%get3A_1155, %get3A_1156] : memref<16640x384xbf16, #tpu.memory_space<vmem>>, vector<1024x384xbf16>
    %get3A_1158 = arith.constant 0 : index
    %get3A_1159 = arith.constant 0 : index
    %get3A_1160 = arith.constant 0 : index
    %get3A_1161 = vector.load %arg4[%get3A_1158, %get3A_1159, %get3A_1160] : memref<3x384x128xbf16, #tpu.memory_space<vmem>>, vector<1x384x128xbf16>
    %get3A_1162 = vector.shape_cast %get3A_1161 : vector<1x384x128xbf16> to vector<384x128xbf16>
    %dot_general3A_1163 = arith.constant dense<0.000000e+00> : vector<1024x128xf32>
    %dot_general3A_1164 = tpu.matmul %get3A_1157, %get3A_1162, %dot_general3A_1163 {dimension_numbers = #tpu.dot_dimension_numbers<[1], [0], [0], [1], [0, 0, 1, 1], [], []>, transpose_lhs_hint = false} : vector<1024x384xbf16>, vector<384x128xbf16>, vector<1024x128xf32> -> vector<1024x128xf32>
    %get3A_1165 = arith.constant 2176 : index
    %get3A_1166 = arith.constant 0 : index
    %get3A_1167 = vector.load %arg17[%get3A_1165, %get3A_1166] : memref<16640x384xbf16, #tpu.memory_space<vmem>>, vector<1024x384xbf16>
    %get3A_1168 = arith.constant 1 : index
    %get3A_1169 = arith.constant 0 : index
    %get3A_1170 = arith.constant 0 : index
    %get3A_1171 = vector.load %arg4[%get3A_1168, %get3A_1169, %get3A_1170] : memref<3x384x128xbf16, #tpu.memory_space<vmem>>, vector<1x384x128xbf16>
    %get3A_1172 = vector.shape_cast %get3A_1171 : vector<1x384x128xbf16> to vector<384x128xbf16>
    %dot_general3A_1173 = arith.constant dense<0.000000e+00> : vector<1024x128xf32>
    %dot_general3A_1174 = tpu.matmul %get3A_1167, %get3A_1172, %dot_general3A_1173 {dimension_numbers = #tpu.dot_dimension_numbers<[1], [0], [0], [1], [0, 0, 1, 1], [], []>, transpose_lhs_hint = false} : vector<1024x384xbf16>, vector<384x128xbf16>, vector<1024x128xf32> -> vector<1024x128xf32>
    %add3A_1175 = arith.addf %dot_general3A_1164, %dot_general3A_1174 : vector<1024x128xf32>
    %get3A_1176 = arith.constant 2304 : index
    %get3A_1177 = arith.constant 0 : index
    %get3A_1178 = vector.load %arg17[%get3A_1176, %get3A_1177] : memref<16640x384xbf16, #tpu.memory_space<vmem>>, vector<1024x384xbf16>
    %get3A_1179 = arith.constant 2 : index
    %get3A_1180 = arith.constant 0 : index
    %get3A_1181 = arith.constant 0 : index
    %get3A_1182 = vector.load %arg4[%get3A_1179, %get3A_1180, %get3A_1181] : memref<3x384x128xbf16, #tpu.memory_space<vmem>>, vector<1x384x128xbf16>
    %get3A_1183 = vector.shape_cast %get3A_1182 : vector<1x384x128xbf16> to vector<384x128xbf16>
    %dot_general3A_1184 = arith.constant dense<0.000000e+00> : vector<1024x128xf32>
    %dot_general3A_1185 = tpu.matmul %get3A_1178, %get3A_1183, %dot_general3A_1184 {dimension_numbers = #tpu.dot_dimension_numbers<[1], [0], [0], [1], [0, 0, 1, 1], [], []>, transpose_lhs_hint = false} : vector<1024x384xbf16>, vector<384x128xbf16>, vector<1024x128xf32> -> vector<1024x128xf32>
    %add3A_1186 = arith.addf %add3A_1175, %dot_general3A_1185 : vector<1024x128xf32>
    %get3A_1187 = arith.constant 0 : index
    %get3A_1188 = arith.constant 0 : index
    %get3A_1189 = vector.load %arg5[%get3A_1187, %get3A_1188] : memref<1x128xf32, #tpu.memory_space<vmem>>, vector<1x128xf32>
    %add3A_1190 = vector.broadcast %get3A_1189 : vector<1x128xf32> to vector<1024x128xf32>
    %add3A_1191 = arith.addf %add3A_1186, %add3A_1190 : vector<1024x128xf32>
    %max3A_1192 = arith.constant 0.000000e+00 : f32
    %max3A_1193 = vector.broadcast %max3A_1192 : f32 to vector<1024x128xf32>
    %max3A_1194 = arith.maximumf %add3A_1191, %max3A_1193 : vector<1024x128xf32>
    %convert_element_type3A_1195 = arith.truncf %max3A_1194 : vector<1024x128xf32> to vector<1024x128xbf16>
    %get3A_1196 = arith.constant 0 : index
    %get3A_1197 = arith.constant 0 : index
    %get3A_1198 = vector.load %arg6[%get3A_1196, %get3A_1197] : memref<128x80xbf16, #tpu.memory_space<vmem>>, vector<128x80xbf16>
    %dot_general3A_1199 = arith.constant dense<0.000000e+00> : vector<1024x80xf32>
    %dot_general3A_1200 = tpu.matmul %convert_element_type3A_1195, %get3A_1198, %dot_general3A_1199 {dimension_numbers = #tpu.dot_dimension_numbers<[1], [0], [0], [1], [0, 0, 1, 1], [], []>, transpose_lhs_hint = false} : vector<1024x128xbf16>, vector<128x80xbf16>, vector<1024x80xf32> -> vector<1024x80xf32>
    %get3A_1201 = arith.constant 0 : index
    %get3A_1202 = arith.constant 0 : index
    %get3A_1203 = vector.load %arg7[%get3A_1201, %get3A_1202] : memref<1x80xf32, #tpu.memory_space<vmem>>, vector<1x80xf32>
    %add3A_1204 = vector.broadcast %get3A_1203 : vector<1x80xf32> to vector<1024x80xf32>
    %add3A_1205 = arith.addf %dot_general3A_1200, %add3A_1204 : vector<1024x80xf32>
    %transpose3A_1206 = tpu.transpose %add3A_1205, [1, 0] : vector<1024x80xf32> -> vector<80x1024xf32>
    %swap3A_1207 = arith.constant 0 : index
    %swap3A_1208 = arith.constant 0 : index
    %swap3A_1209 = arith.constant 2048 : index
    %swap3A_1210 = vector.load %arg12[%swap3A_1207, %swap3A_1208, %swap3A_1209] : memref<1x80x16384xf32, #tpu.memory_space<vmem>>, vector<1x80x1024xf32>
    %swap3A_1211 = vector.shape_cast %swap3A_1210 : vector<1x80x1024xf32> to vector<80x1024xf32>
    %swap3A_1212 = vector.shape_cast %transpose3A_1206 : vector<80x1024xf32> to vector<1x80x1024xf32>
    tpu.vector_store %arg12[%swap3A_1207, %swap3A_1208, %swap3A_1209], %swap3A_1212 {strides = array<i32>} : memref<1x80x16384xf32, #tpu.memory_space<vmem>>, vector<1x80x1024xf32>,
    %get3A_1213 = arith.constant 2048 : index
    %get3A_1214 = arith.constant 0 : index
    %get3A_1215 = vector.load %arg15[%get3A_1213, %get3A_1214] : memref<16640x64xbf16, #tpu.memory_space<vmem>>, vector<1024x64xbf16>
    %get3A_1216 = arith.constant 2176 : index
    %get3A_1217 = arith.constant 0 : index
    %get3A_1218 = vector.load %arg15[%get3A_1216, %get3A_1217] : memref<16640x64xbf16, #tpu.memory_space<vmem>>, vector<1024x64xbf16>
    %get3A_1219 = arith.constant 2304 : index
    %get3A_1220 = arith.constant 0 : index
    %get3A_1221 = vector.load %arg15[%get3A_1219, %get3A_1220] : memref<16640x64xbf16, #tpu.memory_space<vmem>>, vector<1024x64xbf16>
    %get3A_1222 = arith.constant 2048 : index
    %get3A_1223 = arith.constant 0 : index
    %get3A_1224 = vector.load %arg18[%get3A_1222, %get3A_1223] : memref<16640x64xbf16, #tpu.memory_space<vmem>>, vector<1024x64xbf16>
    %get3A_1225 = arith.constant 2176 : index
    %get3A_1226 = arith.constant 0 : index
    %get3A_1227 = vector.load %arg18[%get3A_1225, %get3A_1226] : memref<16640x64xbf16, #tpu.memory_space<vmem>>, vector<1024x64xbf16>
    %get3A_1228 = arith.constant 2304 : index
    %get3A_1229 = arith.constant 0 : index
    %get3A_1230 = vector.load %arg18[%get3A_1228, %get3A_1229] : memref<16640x64xbf16, #tpu.memory_space<vmem>>, vector<1024x64xbf16>
    %get3A_1231 = arith.constant 2048 : index
    %get3A_1232 = arith.constant 0 : index
    %get3A_1233 = vector.load %arg16[%get3A_1231, %get3A_1232] : memref<16640x64xbf16, #tpu.memory_space<vmem>>, vector<1024x64xbf16>
    %get3A_1234 = arith.constant 2176 : index
    %get3A_1235 = arith.constant 0 : index
    %get3A_1236 = vector.load %arg16[%get3A_1234, %get3A_1235] : memref<16640x64xbf16, #tpu.memory_space<vmem>>, vector<1024x64xbf16>
    %get3A_1237 = arith.constant 2304 : index
    %get3A_1238 = arith.constant 0 : index
    %get3A_1239 = vector.load %arg16[%get3A_1237, %get3A_1238] : memref<16640x64xbf16, #tpu.memory_space<vmem>>, vector<1024x64xbf16>
    %concatenate3A_1240 = tpu.concatenate %get3A_1215, %get3A_1218, %get3A_1221, %get3A_1224, %get3A_1227, %get3A_1230, %get3A_1233, %get3A_1236, %get3A_1239 in 1 : vector<1024x64xbf16>, vector<1024x64xbf16>, vector<1024x64xbf16>, vector<1024x64xbf16>, vector<1024x64xbf16>, vector<1024x64xbf16>, vector<1024x64xbf16>, vector<1024x64xbf16>, vector<1024x64xbf16> -> vector<1024x576xbf16>
    %get3A_1241 = arith.constant 0 : index
    %get3A_1242 = arith.constant 0 : index
    %get3A_1243 = vector.load %arg8[%get3A_1241, %get3A_1242] : memref<576x64xbf16, #tpu.memory_space<vmem>>, vector<576x64xbf16>
    %dot_general3A_1244 = arith.constant dense<0.000000e+00> : vector<1024x64xf32>
    %dot_general3A_1245 = tpu.matmul %concatenate3A_1240, %get3A_1243, %dot_general3A_1244 {dimension_numbers = #tpu.dot_dimension_numbers<[1], [0], [0], [1], [0, 0, 1, 1], [], []>, transpose_lhs_hint = false} : vector<1024x576xbf16>, vector<576x64xbf16>, vector<1024x64xf32> -> vector<1024x64xf32>
    %get3A_1246 = arith.constant 0 : index
    %get3A_1247 = arith.constant 0 : index
    %get3A_1248 = vector.load %arg9[%get3A_1246, %get3A_1247] : memref<1x64xf32, #tpu.memory_space<vmem>>, vector<1x64xf32>
    %add3A_1249 = vector.broadcast %get3A_1248 : vector<1x64xf32> to vector<1024x64xf32>
    %add3A_1250 = arith.addf %dot_general3A_1245, %add3A_1249 : vector<1024x64xf32>
    %max3A_1251 = arith.constant 0.000000e+00 : f32
    %max3A_1252 = vector.broadcast %max3A_1251 : f32 to vector<1024x64xf32>
    %max3A_1253 = arith.maximumf %add3A_1250, %max3A_1252 : vector<1024x64xf32>
    %convert_element_type3A_1254 = arith.truncf %max3A_1253 : vector<1024x64xf32> to vector<1024x64xbf16>
    %get3A_1255 = arith.constant 0 : index
    %get3A_1256 = arith.constant 0 : index
    %get3A_1257 = vector.load %arg10[%get3A_1255, %get3A_1256] : memref<64x8xbf16, #tpu.memory_space<vmem>>, vector<64x8xbf16>
    %dot_general3A_1258 = arith.constant dense<0.000000e+00> : vector<1024x8xf32>
    %dot_general3A_1259 = tpu.matmul %convert_element_type3A_1254, %get3A_1257, %dot_general3A_1258 {dimension_numbers = #tpu.dot_dimension_numbers<[1], [0], [0], [1], [0, 0, 1, 1], [], []>, transpose_lhs_hint = false} : vector<1024x64xbf16>, vector<64x8xbf16>, vector<1024x8xf32> -> vector<1024x8xf32>
    %get3A_1260 = arith.constant 0 : index
    %get3A_1261 = arith.constant 0 : index
    %get3A_1262 = vector.load %arg11[%get3A_1260, %get3A_1261] : memref<1x8xf32, #tpu.memory_space<vmem>>, vector<1x8xf32>
    %add3A_1263 = vector.broadcast %get3A_1262 : vector<1x8xf32> to vector<1024x8xf32>
    %add3A_1264 = arith.addf %dot_general3A_1259, %add3A_1263 : vector<1024x8xf32>
    %max3A_1265 = arith.constant 0.000000e+00 : f32
    %max3A_1266 = vector.broadcast %max3A_1265 : f32 to vector<1024x8xf32>
    %max3A_1267 = arith.maximumf %add3A_1264, %max3A_1266 : vector<1024x8xf32>
    %mul3A_1268 = arith.constant 1.600000e+01 : f32
    %mul3A_1269 = vector.broadcast %mul3A_1268 : f32 to vector<1024x8xf32>
    %mul3A_1270 = arith.mulf %max3A_1267, %mul3A_1269 : vector<1024x8xf32>
    %transpose3A_1271 = tpu.transpose %mul3A_1270, [1, 0] : vector<1024x8xf32> -> vector<8x1024xf32>
    %slice3A_1272 = vector.extract_strided_slice %transpose3A_1271 {offsets = [0, 0], sizes = [4, 1024], strides = [1, 1]} : vector<8x1024xf32> to vector<4x1024xf32>
    %swap3A_1273 = arith.constant 0 : index
    %swap3A_1274 = arith.constant 0 : index
    %swap3A_1275 = arith.constant 2048 : index
    %swap3A_1276 = vector.load %arg13[%swap3A_1273, %swap3A_1274, %swap3A_1275] : memref<1x4x16384xf32, #tpu.memory_space<vmem>>, vector<1x4x1024xf32>
    %swap3A_1277 = vector.shape_cast %swap3A_1276 : vector<1x4x1024xf32> to vector<4x1024xf32>
    %swap3A_1278 = vector.shape_cast %slice3A_1272 : vector<4x1024xf32> to vector<1x4x1024xf32>
    tpu.vector_store %arg13[%swap3A_1273, %swap3A_1274, %swap3A_1275], %swap3A_1278 {strides = array<i32>} : memref<1x4x16384xf32, #tpu.memory_space<vmem>>, vector<1x4x1024xf32>,
    %get3A_1279 = arith.constant 3072 : index
    %get3A_1280 = arith.constant 0 : index
    %get3A_1281 = vector.load %arg17[%get3A_1279, %get3A_1280] : memref<16640x384xbf16, #tpu.memory_space<vmem>>, vector<1024x384xbf16>
    %get3A_1282 = arith.constant 0 : index
    %get3A_1283 = arith.constant 0 : index
    %get3A_1284 = arith.constant 0 : index
    %get3A_1285 = vector.load %arg4[%get3A_1282, %get3A_1283, %get3A_1284] : memref<3x384x128xbf16, #tpu.memory_space<vmem>>, vector<1x384x128xbf16>
    %get3A_1286 = vector.shape_cast %get3A_1285 : vector<1x384x128xbf16> to vector<384x128xbf16>
    %dot_general3A_1287 = arith.constant dense<0.000000e+00> : vector<1024x128xf32>
    %dot_general3A_1288 = tpu.matmul %get3A_1281, %get3A_1286, %dot_general3A_1287 {dimension_numbers = #tpu.dot_dimension_numbers<[1], [0], [0], [1], [0, 0, 1, 1], [], []>, transpose_lhs_hint = false} : vector<1024x384xbf16>, vector<384x128xbf16>, vector<1024x128xf32> -> vector<1024x128xf32>
    %get3A_1289 = arith.constant 3200 : index
    %get3A_1290 = arith.constant 0 : index
    %get3A_1291 = vector.load %arg17[%get3A_1289, %get3A_1290] : memref<16640x384xbf16, #tpu.memory_space<vmem>>, vector<1024x384xbf16>
    %get3A_1292 = arith.constant 1 : index
    %get3A_1293 = arith.constant 0 : index
    %get3A_1294 = arith.constant 0 : index
    %get3A_1295 = vector.load %arg4[%get3A_1292, %get3A_1293, %get3A_1294] : memref<3x384x128xbf16, #tpu.memory_space<vmem>>, vector<1x384x128xbf16>
    %get3A_1296 = vector.shape_cast %get3A_1295 : vector<1x384x128xbf16> to vector<384x128xbf16>
    %dot_general3A_1297 = arith.constant dense<0.000000e+00> : vector<1024x128xf32>
    %dot_general3A_1298 = tpu.matmul %get3A_1291, %get3A_1296, %dot_general3A_1297 {dimension_numbers = #tpu.dot_dimension_numbers<[1], [0], [0], [1], [0, 0, 1, 1], [], []>, transpose_lhs_hint = false} : vector<1024x384xbf16>, vector<384x128xbf16>, vector<1024x128xf32> -> vector<1024x128xf32>
    %add3A_1299 = arith.addf %dot_general3A_1288, %dot_general3A_1298 : vector<1024x128xf32>
    %get3A_1300 = arith.constant 3328 : index
    %get3A_1301 = arith.constant 0 : index
    %get3A_1302 = vector.load %arg17[%get3A_1300, %get3A_1301] : memref<16640x384xbf16, #tpu.memory_space<vmem>>, vector<1024x384xbf16>
    %get3A_1303 = arith.constant 2 : index
    %get3A_1304 = arith.constant 0 : index
    %get3A_1305 = arith.constant 0 : index
    %get3A_1306 = vector.load %arg4[%get3A_1303, %get3A_1304, %get3A_1305] : memref<3x384x128xbf16, #tpu.memory_space<vmem>>, vector<1x384x128xbf16>
    %get3A_1307 = vector.shape_cast %get3A_1306 : vector<1x384x128xbf16> to vector<384x128xbf16>
    %dot_general3A_1308 = arith.constant dense<0.000000e+00> : vector<1024x128xf32>
    %dot_general3A_1309 = tpu.matmul %get3A_1302, %get3A_1307, %dot_general3A_1308 {dimension_numbers = #tpu.dot_dimension_numbers<[1], [0], [0], [1], [0, 0, 1, 1], [], []>, transpose_lhs_hint = false} : vector<1024x384xbf16>, vector<384x128xbf16>, vector<1024x128xf32> -> vector<1024x128xf32>
    %add3A_1310 = arith.addf %add3A_1299, %dot_general3A_1309 : vector<1024x128xf32>
    %get3A_1311 = arith.constant 0 : index
    %get3A_1312 = arith.constant 0 : index
    %get3A_1313 = vector.load %arg5[%get3A_1311, %get3A_1312] : memref<1x128xf32, #tpu.memory_space<vmem>>, vector<1x128xf32>
    %add3A_1314 = vector.broadcast %get3A_1313 : vector<1x128xf32> to vector<1024x128xf32>
    %add3A_1315 = arith.addf %add3A_1310, %add3A_1314 : vector<1024x128xf32>
    %max3A_1316 = arith.constant 0.000000e+00 : f32
    %max3A_1317 = vector.broadcast %max3A_1316 : f32 to vector<1024x128xf32>
    %max3A_1318 = arith.maximumf %add3A_1315, %max3A_1317 : vector<1024x128xf32>
    %convert_element_type3A_1319 = arith.truncf %max3A_1318 : vector<1024x128xf32> to vector<1024x128xbf16>
    %get3A_1320 = arith.constant 0 : index
    %get3A_1321 = arith.constant 0 : index
    %get3A_1322 = vector.load %arg6[%get3A_1320, %get3A_1321] : memref<128x80xbf16, #tpu.memory_space<vmem>>, vector<128x80xbf16>
    %dot_general3A_1323 = arith.constant dense<0.000000e+00> : vector<1024x80xf32>
    %dot_general3A_1324 = tpu.matmul %convert_element_type3A_1319, %get3A_1322, %dot_general3A_1323 {dimension_numbers = #tpu.dot_dimension_numbers<[1], [0], [0], [1], [0, 0, 1, 1], [], []>, transpose_lhs_hint = false} : vector<1024x128xbf16>, vector<128x80xbf16>, vector<1024x80xf32> -> vector<1024x80xf32>
    %get3A_1325 = arith.constant 0 : index
    %get3A_1326 = arith.constant 0 : index
    %get3A_1327 = vector.load %arg7[%get3A_1325, %get3A_1326] : memref<1x80xf32, #tpu.memory_space<vmem>>, vector<1x80xf32>
    %add3A_1328 = vector.broadcast %get3A_1327 : vector<1x80xf32> to vector<1024x80xf32>
    %add3A_1329 = arith.addf %dot_general3A_1324, %add3A_1328 : vector<1024x80xf32>
    %transpose3A_1330 = tpu.transpose %add3A_1329, [1, 0] : vector<1024x80xf32> -> vector<80x1024xf32>
    %swap3A_1331 = arith.constant 0 : index
    %swap3A_1332 = arith.constant 0 : index
    %swap3A_1333 = arith.constant 3072 : index
    %swap3A_1334 = vector.load %arg12[%swap3A_1331, %swap3A_1332, %swap3A_1333] : memref<1x80x16384xf32, #tpu.memory_space<vmem>>, vector<1x80x1024xf32>
    %swap3A_1335 = vector.shape_cast %swap3A_1334 : vector<1x80x1024xf32> to vector<80x1024xf32>
    %swap3A_1336 = vector.shape_cast %transpose3A_1330 : vector<80x1024xf32> to vector<1x80x1024xf32>
    tpu.vector_store %arg12[%swap3A_1331, %swap3A_1332, %swap3A_1333], %swap3A_1336 {strides = array<i32>} : memref<1x80x16384xf32, #tpu.memory_space<vmem>>, vector<1x80x1024xf32>,
    %get3A_1337 = arith.constant 3072 : index
    %get3A_1338 = arith.constant 0 : index
    %get3A_1339 = vector.load %arg15[%get3A_1337, %get3A_1338] : memref<16640x64xbf16, #tpu.memory_space<vmem>>, vector<1024x64xbf16>
    %get3A_1340 = arith.constant 3200 : index
    %get3A_1341 = arith.constant 0 : index
    %get3A_1342 = vector.load %arg15[%get3A_1340, %get3A_1341] : memref<16640x64xbf16, #tpu.memory_space<vmem>>, vector<1024x64xbf16>
    %get3A_1343 = arith.constant 3328 : index
    %get3A_1344 = arith.constant 0 : index
    %get3A_1345 = vector.load %arg15[%get3A_1343, %get3A_1344] : memref<16640x64xbf16, #tpu.memory_space<vmem>>, vector<1024x64xbf16>
    %get3A_1346 = arith.constant 3072 : index
    %get3A_1347 = arith.constant 0 : index
    %get3A_1348 = vector.load %arg18[%get3A_1346, %get3A_1347] : memref<16640x64xbf16, #tpu.memory_space<vmem>>, vector<1024x64xbf16>
    %get3A_1349 = arith.constant 3200 : index
    %get3A_1350 = arith.constant 0 : index
    %get3A_1351 = vector.load %arg18[%get3A_1349, %get3A_1350] : memref<16640x64xbf16, #tpu.memory_space<vmem>>, vector<1024x64xbf16>
    %get3A_1352 = arith.constant 3328 : index
    %get3A_1353 = arith.constant 0 : index
    %get3A_1354 = vector.load %arg18[%get3A_1352, %get3A_1353] : memref<16640x64xbf16, #tpu.memory_space<vmem>>, vector<1024x64xbf16>
    %get3A_1355 = arith.constant 3072 : index
    %get3A_1356 = arith.constant 0 : index
    %get3A_1357 = vector.load %arg16[%get3A_1355, %get3A_1356] : memref<16640x64xbf16, #tpu.memory_space<vmem>>, vector<1024x64xbf16>
    %get3A_1358 = arith.constant 3200 : index
    %get3A_1359 = arith.constant 0 : index
    %get3A_1360 = vector.load %arg16[%get3A_1358, %get3A_1359] : memref<16640x64xbf16, #tpu.memory_space<vmem>>, vector<1024x64xbf16>
    %get3A_1361 = arith.constant 3328 : index
    %get3A_1362 = arith.constant 0 : index
    %get3A_1363 = vector.load %arg16[%get3A_1361, %get3A_1362] : memref<16640x64xbf16, #tpu.memory_space<vmem>>, vector<1024x64xbf16>
    %concatenate3A_1364 = tpu.concatenate %get3A_1339, %get3A_1342, %get3A_1345, %get3A_1348, %get3A_1351, %get3A_1354, %get3A_1357, %get3A_1360, %get3A_1363 in 1 : vector<1024x64xbf16>, vector<1024x64xbf16>, vector<1024x64xbf16>, vector<1024x64xbf16>, vector<1024x64xbf16>, vector<1024x64xbf16>, vector<1024x64xbf16>, vector<1024x64xbf16>, vector<1024x64xbf16> -> vector<1024x576xbf16>
    %get3A_1365 = arith.constant 0 : index
    %get3A_1366 = arith.constant 0 : index
    %get3A_1367 = vector.load %arg8[%get3A_1365, %get3A_1366] : memref<576x64xbf16, #tpu.memory_space<vmem>>, vector<576x64xbf16>
    %dot_general3A_1368 = arith.constant dense<0.000000e+00> : vector<1024x64xf32>
    %dot_general3A_1369 = tpu.matmul %concatenate3A_1364, %get3A_1367, %dot_general3A_1368 {dimension_numbers = #tpu.dot_dimension_numbers<[1], [0], [0], [1], [0, 0, 1, 1], [], []>, transpose_lhs_hint = false} : vector<1024x576xbf16>, vector<576x64xbf16>, vector<1024x64xf32> -> vector<1024x64xf32>
    %get3A_1370 = arith.constant 0 : index
    %get3A_1371 = arith.constant 0 : index
    %get3A_1372 = vector.load %arg9[%get3A_1370, %get3A_1371] : memref<1x64xf32, #tpu.memory_space<vmem>>, vector<1x64xf32>
    %add3A_1373 = vector.broadcast %get3A_1372 : vector<1x64xf32> to vector<1024x64xf32>
    %add3A_1374 = arith.addf %dot_general3A_1369, %add3A_1373 : vector<1024x64xf32>
    %max3A_1375 = arith.constant 0.000000e+00 : f32
    %max3A_1376 = vector.broadcast %max3A_1375 : f32 to vector<1024x64xf32>
    %max3A_1377 = arith.maximumf %add3A_1374, %max3A_1376 : vector<1024x64xf32>
    %convert_element_type3A_1378 = arith.truncf %max3A_1377 : vector<1024x64xf32> to vector<1024x64xbf16>
    %get3A_1379 = arith.constant 0 : index
    %get3A_1380 = arith.constant 0 : index
    %get3A_1381 = vector.load %arg10[%get3A_1379, %get3A_1380] : memref<64x8xbf16, #tpu.memory_space<vmem>>, vector<64x8xbf16>
    %dot_general3A_1382 = arith.constant dense<0.000000e+00> : vector<1024x8xf32>
    %dot_general3A_1383 = tpu.matmul %convert_element_type3A_1378, %get3A_1381, %dot_general3A_1382 {dimension_numbers = #tpu.dot_dimension_numbers<[1], [0], [0], [1], [0, 0, 1, 1], [], []>, transpose_lhs_hint = false} : vector<1024x64xbf16>, vector<64x8xbf16>, vector<1024x8xf32> -> vector<1024x8xf32>
    %get3A_1384 = arith.constant 0 : index
    %get3A_1385 = arith.constant 0 : index
    %get3A_1386 = vector.load %arg11[%get3A_1384, %get3A_1385] : memref<1x8xf32, #tpu.memory_space<vmem>>, vector<1x8xf32>
    %add3A_1387 = vector.broadcast %get3A_1386 : vector<1x8xf32> to vector<1024x8xf32>
    %add3A_1388 = arith.addf %dot_general3A_1383, %add3A_1387 : vector<1024x8xf32>
    %max3A_1389 = arith.constant 0.000000e+00 : f32
    %max3A_1390 = vector.broadcast %max3A_1389 : f32 to vector<1024x8xf32>
    %max3A_1391 = arith.maximumf %add3A_1388, %max3A_1390 : vector<1024x8xf32>
    %mul3A_1392 = arith.constant 1.600000e+01 : f32
    %mul3A_1393 = vector.broadcast %mul3A_1392 : f32 to vector<1024x8xf32>
    %mul3A_1394 = arith.mulf %max3A_1391, %mul3A_1393 : vector<1024x8xf32>
    %transpose3A_1395 = tpu.transpose %mul3A_1394, [1, 0] : vector<1024x8xf32> -> vector<8x1024xf32>
    %slice3A_1396 = vector.extract_strided_slice %transpose3A_1395 {offsets = [0, 0], sizes = [4, 1024], strides = [1, 1]} : vector<8x1024xf32> to vector<4x1024xf32>
    %swap3A_1397 = arith.constant 0 : index
    %swap3A_1398 = arith.constant 0 : index
    %swap3A_1399 = arith.constant 3072 : index
    %swap3A_1400 = vector.load %arg13[%swap3A_1397, %swap3A_1398, %swap3A_1399] : memref<1x4x16384xf32, #tpu.memory_space<vmem>>, vector<1x4x1024xf32>
    %swap3A_1401 = vector.shape_cast %swap3A_1400 : vector<1x4x1024xf32> to vector<4x1024xf32>
    %swap3A_1402 = vector.shape_cast %slice3A_1396 : vector<4x1024xf32> to vector<1x4x1024xf32>
    tpu.vector_store %arg13[%swap3A_1397, %swap3A_1398, %swap3A_1399], %swap3A_1402 {strides = array<i32>} : memref<1x4x16384xf32, #tpu.memory_space<vmem>>, vector<1x4x1024xf32>,
    %get3A_1403 = arith.constant 4096 : index
    %get3A_1404 = arith.constant 0 : index
    %get3A_1405 = vector.load %arg17[%get3A_1403, %get3A_1404] : memref<16640x384xbf16, #tpu.memory_space<vmem>>, vector<1024x384xbf16>
    %get3A_1406 = arith.constant 0 : index
    %get3A_1407 = arith.constant 0 : index
    %get3A_1408 = arith.constant 0 : index
    %get3A_1409 = vector.load %arg4[%get3A_1406, %get3A_1407, %get3A_1408] : memref<3x384x128xbf16, #tpu.memory_space<vmem>>, vector<1x384x128xbf16>
    %get3A_1410 = vector.shape_cast %get3A_1409 : vector<1x384x128xbf16> to vector<384x128xbf16>
    %dot_general3A_1411 = arith.constant dense<0.000000e+00> : vector<1024x128xf32>
    %dot_general3A_1412 = tpu.matmul %get3A_1405, %get3A_1410, %dot_general3A_1411 {dimension_numbers = #tpu.dot_dimension_numbers<[1], [0], [0], [1], [0, 0, 1, 1], [], []>, transpose_lhs_hint = false} : vector<1024x384xbf16>, vector<384x128xbf16>, vector<1024x128xf32> -> vector<1024x128xf32>
    %get3A_1413 = arith.constant 4224 : index
    %get3A_1414 = arith.constant 0 : index
    %get3A_1415 = vector.load %arg17[%get3A_1413, %get3A_1414] : memref<16640x384xbf16, #tpu.memory_space<vmem>>, vector<1024x384xbf16>
    %get3A_1416 = arith.constant 1 : index
    %get3A_1417 = arith.constant 0 : index
    %get3A_1418 = arith.constant 0 : index
    %get3A_1419 = vector.load %arg4[%get3A_1416, %get3A_1417, %get3A_1418] : memref<3x384x128xbf16, #tpu.memory_space<vmem>>, vector<1x384x128xbf16>
    %get3A_1420 = vector.shape_cast %get3A_1419 : vector<1x384x128xbf16> to vector<384x128xbf16>
    %dot_general3A_1421 = arith.constant dense<0.000000e+00> : vector<1024x128xf32>
    %dot_general3A_1422 = tpu.matmul %get3A_1415, %get3A_1420, %dot_general3A_1421 {dimension_numbers = #tpu.dot_dimension_numbers<[1], [0], [0], [1], [0, 0, 1, 1], [], []>, transpose_lhs_hint = false} : vector<1024x384xbf16>, vector<384x128xbf16>, vector<1024x128xf32> -> vector<1024x128xf32>
    %add3A_1423 = arith.addf %dot_general3A_1412, %dot_general3A_1422 : vector<1024x128xf32>
    %get3A_1424 = arith.constant 4352 : index
    %get3A_1425 = arith.constant 0 : index
    %get3A_1426 = vector.load %arg17[%get3A_1424, %get3A_1425] : memref<16640x384xbf16, #tpu.memory_space<vmem>>, vector<1024x384xbf16>
    %get3A_1427 = arith.constant 2 : index
    %get3A_1428 = arith.constant 0 : index
    %get3A_1429 = arith.constant 0 : index
    %get3A_1430 = vector.load %arg4[%get3A_1427, %get3A_1428, %get3A_1429] : memref<3x384x128xbf16, #tpu.memory_space<vmem>>, vector<1x384x128xbf16>
    %get3A_1431 = vector.shape_cast %get3A_1430 : vector<1x384x128xbf16> to vector<384x128xbf16>
    %dot_general3A_1432 = arith.constant dense<0.000000e+00> : vector<1024x128xf32>
    %dot_general3A_1433 = tpu.matmul %get3A_1426, %get3A_1431, %dot_general3A_1432 {dimension_numbers = #tpu.dot_dimension_numbers<[1], [0], [0], [1], [0, 0, 1, 1], [], []>, transpose_lhs_hint = false} : vector<1024x384xbf16>, vector<384x128xbf16>, vector<1024x128xf32> -> vector<1024x128xf32>
    %add3A_1434 = arith.addf %add3A_1423, %dot_general3A_1433 : vector<1024x128xf32>
    %get3A_1435 = arith.constant 0 : index
    %get3A_1436 = arith.constant 0 : index
    %get3A_1437 = vector.load %arg5[%get3A_1435, %get3A_1436] : memref<1x128xf32, #tpu.memory_space<vmem>>, vector<1x128xf32>
    %add3A_1438 = vector.broadcast %get3A_1437 : vector<1x128xf32> to vector<1024x128xf32>
    %add3A_1439 = arith.addf %add3A_1434, %add3A_1438 : vector<1024x128xf32>
    %max3A_1440 = arith.constant 0.000000e+00 : f32
    %max3A_1441 = vector.broadcast %max3A_1440 : f32 to vector<1024x128xf32>
    %max3A_1442 = arith.maximumf %add3A_1439, %max3A_1441 : vector<1024x128xf32>
    %convert_element_type3A_1443 = arith.truncf %max3A_1442 : vector<1024x128xf32> to vector<1024x128xbf16>
    %get3A_1444 = arith.constant 0 : index
    %get3A_1445 = arith.constant 0 : index
    %get3A_1446 = vector.load %arg6[%get3A_1444, %get3A_1445] : memref<128x80xbf16, #tpu.memory_space<vmem>>, vector<128x80xbf16>
    %dot_general3A_1447 = arith.constant dense<0.000000e+00> : vector<1024x80xf32>
    %dot_general3A_1448 = tpu.matmul %convert_element_type3A_1443, %get3A_1446, %dot_general3A_1447 {dimension_numbers = #tpu.dot_dimension_numbers<[1], [0], [0], [1], [0, 0, 1, 1], [], []>, transpose_lhs_hint = false} : vector<1024x128xbf16>, vector<128x80xbf16>, vector<1024x80xf32> -> vector<1024x80xf32>
    %get3A_1449 = arith.constant 0 : index
    %get3A_1450 = arith.constant 0 : index
    %get3A_1451 = vector.load %arg7[%get3A_1449, %get3A_1450] : memref<1x80xf32, #tpu.memory_space<vmem>>, vector<1x80xf32>
    %add3A_1452 = vector.broadcast %get3A_1451 : vector<1x80xf32> to vector<1024x80xf32>
    %add3A_1453 = arith.addf %dot_general3A_1448, %add3A_1452 : vector<1024x80xf32>
    %transpose3A_1454 = tpu.transpose %add3A_1453, [1, 0] : vector<1024x80xf32> -> vector<80x1024xf32>
    %swap3A_1455 = arith.constant 0 : index
    %swap3A_1456 = arith.constant 0 : index
    %swap3A_1457 = arith.constant 4096 : index
    %swap3A_1458 = vector.load %arg12[%swap3A_1455, %swap3A_1456, %swap3A_1457] : memref<1x80x16384xf32, #tpu.memory_space<vmem>>, vector<1x80x1024xf32>
    %swap3A_1459 = vector.shape_cast %swap3A_1458 : vector<1x80x1024xf32> to vector<80x1024xf32>
    %swap3A_1460 = vector.shape_cast %transpose3A_1454 : vector<80x1024xf32> to vector<1x80x1024xf32>
    tpu.vector_store %arg12[%swap3A_1455, %swap3A_1456, %swap3A_1457], %swap3A_1460 {strides = array<i32>} : memref<1x80x16384xf32, #tpu.memory_space<vmem>>, vector<1x80x1024xf32>,
    %get3A_1461 = arith.constant 4096 : index
    %get3A_1462 = arith.constant 0 : index
    %get3A_1463 = vector.load %arg15[%get3A_1461, %get3A_1462] : memref<16640x64xbf16, #tpu.memory_space<vmem>>, vector<1024x64xbf16>
    %get3A_1464 = arith.constant 4224 : index
    %get3A_1465 = arith.constant 0 : index
    %get3A_1466 = vector.load %arg15[%get3A_1464, %get3A_1465] : memref<16640x64xbf16, #tpu.memory_space<vmem>>, vector<1024x64xbf16>
    %get3A_1467 = arith.constant 4352 : index
    %get3A_1468 = arith.constant 0 : index
    %get3A_1469 = vector.load %arg15[%get3A_1467, %get3A_1468] : memref<16640x64xbf16, #tpu.memory_space<vmem>>, vector<1024x64xbf16>
    %get3A_1470 = arith.constant 4096 : index
    %get3A_1471 = arith.constant 0 : index
    %get3A_1472 = vector.load %arg18[%get3A_1470, %get3A_1471] : memref<16640x64xbf16, #tpu.memory_space<vmem>>, vector<1024x64xbf16>
    %get3A_1473 = arith.constant 4224 : index
    %get3A_1474 = arith.constant 0 : index
    %get3A_1475 = vector.load %arg18[%get3A_1473, %get3A_1474] : memref<16640x64xbf16, #tpu.memory_space<vmem>>, vector<1024x64xbf16>
    %get3A_1476 = arith.constant 4352 : index
    %get3A_1477 = arith.constant 0 : index
    %get3A_1478 = vector.load %arg18[%get3A_1476, %get3A_1477] : memref<16640x64xbf16, #tpu.memory_space<vmem>>, vector<1024x64xbf16>
    %get3A_1479 = arith.constant 4096 : index
    %get3A_1480 = arith.constant 0 : index
    %get3A_1481 = vector.load %arg16[%get3A_1479, %get3A_1480] : memref<16640x64xbf16, #tpu.memory_space<vmem>>, vector<1024x64xbf16>
    %get3A_1482 = arith.constant 4224 : index
    %get3A_1483 = arith.constant 0 : index
    %get3A_1484 = vector.load %arg16[%get3A_1482, %get3A_1483] : memref<16640x64xbf16, #tpu.memory_space<vmem>>, vector<1024x64xbf16>
    %get3A_1485 = arith.constant 4352 : index
    %get3A_1486 = arith.constant 0 : index
    %get3A_1487 = vector.load %arg16[%get3A_1485, %get3A_1486] : memref<16640x64xbf16, #tpu.memory_space<vmem>>, vector<1024x64xbf16>
    %concatenate3A_1488 = tpu.concatenate %get3A_1463, %get3A_1466, %get3A_1469, %get3A_1472, %get3A_1475, %get3A_1478, %get3A_1481, %get3A_1484, %get3A_1487 in 1 : vector<1024x64xbf16>, vector<1024x64xbf16>, vector<1024x64xbf16>, vector<1024x64xbf16>, vector<1024x64xbf16>, vector<1024x64xbf16>, vector<1024x64xbf16>, vector<1024x64xbf16>, vector<1024x64xbf16> -> vector<1024x576xbf16>
    %get3A_1489 = arith.constant 0 : index
    %get3A_1490 = arith.constant 0 : index
    %get3A_1491 = vector.load %arg8[%get3A_1489, %get3A_1490] : memref<576x64xbf16, #tpu.memory_space<vmem>>, vector<576x64xbf16>
    %dot_general3A_1492 = arith.constant dense<0.000000e+00> : vector<1024x64xf32>
    %dot_general3A_1493 = tpu.matmul %concatenate3A_1488, %get3A_1491, %dot_general3A_1492 {dimension_numbers = #tpu.dot_dimension_numbers<[1], [0], [0], [1], [0, 0, 1, 1], [], []>, transpose_lhs_hint = false} : vector<1024x576xbf16>, vector<576x64xbf16>, vector<1024x64xf32> -> vector<1024x64xf32>
    %get3A_1494 = arith.constant 0 : index
    %get3A_1495 = arith.constant 0 : index
    %get3A_1496 = vector.load %arg9[%get3A_1494, %get3A_1495] : memref<1x64xf32, #tpu.memory_space<vmem>>, vector<1x64xf32>
    %add3A_1497 = vector.broadcast %get3A_1496 : vector<1x64xf32> to vector<1024x64xf32>
    %add3A_1498 = arith.addf %dot_general3A_1493, %add3A_1497 : vector<1024x64xf32>
    %max3A_1499 = arith.constant 0.000000e+00 : f32
    %max3A_1500 = vector.broadcast %max3A_1499 : f32 to vector<1024x64xf32>
    %max3A_1501 = arith.maximumf %add3A_1498, %max3A_1500 : vector<1024x64xf32>
    %convert_element_type3A_1502 = arith.truncf %max3A_1501 : vector<1024x64xf32> to vector<1024x64xbf16>
    %get3A_1503 = arith.constant 0 : index
    %get3A_1504 = arith.constant 0 : index
    %get3A_1505 = vector.load %arg10[%get3A_1503, %get3A_1504] : memref<64x8xbf16, #tpu.memory_space<vmem>>, vector<64x8xbf16>
    %dot_general3A_1506 = arith.constant dense<0.000000e+00> : vector<1024x8xf32>
    %dot_general3A_1507 = tpu.matmul %convert_element_type3A_1502, %get3A_1505, %dot_general3A_1506 {dimension_numbers = #tpu.dot_dimension_numbers<[1], [0], [0], [1], [0, 0, 1, 1], [], []>, transpose_lhs_hint = false} : vector<1024x64xbf16>, vector<64x8xbf16>, vector<1024x8xf32> -> vector<1024x8xf32>
    %get3A_1508 = arith.constant 0 : index
    %get3A_1509 = arith.constant 0 : index
    %get3A_1510 = vector.load %arg11[%get3A_1508, %get3A_1509] : memref<1x8xf32, #tpu.memory_space<vmem>>, vector<1x8xf32>
    %add3A_1511 = vector.broadcast %get3A_1510 : vector<1x8xf32> to vector<1024x8xf32>
    %add3A_1512 = arith.addf %dot_general3A_1507, %add3A_1511 : vector<1024x8xf32>
    %max3A_1513 = arith.constant 0.000000e+00 : f32
    %max3A_1514 = vector.broadcast %max3A_1513 : f32 to vector<1024x8xf32>
    %max3A_1515 = arith.maximumf %add3A_1512, %max3A_1514 : vector<1024x8xf32>
    %mul3A_1516 = arith.constant 1.600000e+01 : f32
    %mul3A_1517 = vector.broadcast %mul3A_1516 : f32 to vector<1024x8xf32>
    %mul3A_1518 = arith.mulf %max3A_1515, %mul3A_1517 : vector<1024x8xf32>
    %transpose3A_1519 = tpu.transpose %mul3A_1518, [1, 0] : vector<1024x8xf32> -> vector<8x1024xf32>
    %slice3A_1520 = vector.extract_strided_slice %transpose3A_1519 {offsets = [0, 0], sizes = [4, 1024], strides = [1, 1]} : vector<8x1024xf32> to vector<4x1024xf32>
    %swap3A_1521 = arith.constant 0 : index
    %swap3A_1522 = arith.constant 0 : index
    %swap3A_1523 = arith.constant 4096 : index
    %swap3A_1524 = vector.load %arg13[%swap3A_1521, %swap3A_1522, %swap3A_1523] : memref<1x4x16384xf32, #tpu.memory_space<vmem>>, vector<1x4x1024xf32>
    %swap3A_1525 = vector.shape_cast %swap3A_1524 : vector<1x4x1024xf32> to vector<4x1024xf32>
    %swap3A_1526 = vector.shape_cast %slice3A_1520 : vector<4x1024xf32> to vector<1x4x1024xf32>
    tpu.vector_store %arg13[%swap3A_1521, %swap3A_1522, %swap3A_1523], %swap3A_1526 {strides = array<i32>} : memref<1x4x16384xf32, #tpu.memory_space<vmem>>, vector<1x4x1024xf32>,
    %get3A_1527 = arith.constant 5120 : index
    %get3A_1528 = arith.constant 0 : index
    %get3A_1529 = vector.load %arg17[%get3A_1527, %get3A_1528] : memref<16640x384xbf16, #tpu.memory_space<vmem>>, vector<1024x384xbf16>
    %get3A_1530 = arith.constant 0 : index
    %get3A_1531 = arith.constant 0 : index
    %get3A_1532 = arith.constant 0 : index
    %get3A_1533 = vector.load %arg4[%get3A_1530, %get3A_1531, %get3A_1532] : memref<3x384x128xbf16, #tpu.memory_space<vmem>>, vector<1x384x128xbf16>
    %get3A_1534 = vector.shape_cast %get3A_1533 : vector<1x384x128xbf16> to vector<384x128xbf16>
    %dot_general3A_1535 = arith.constant dense<0.000000e+00> : vector<1024x128xf32>
    %dot_general3A_1536 = tpu.matmul %get3A_1529, %get3A_1534, %dot_general3A_1535 {dimension_numbers = #tpu.dot_dimension_numbers<[1], [0], [0], [1], [0, 0, 1, 1], [], []>, transpose_lhs_hint = false} : vector<1024x384xbf16>, vector<384x128xbf16>, vector<1024x128xf32> -> vector<1024x128xf32>
    %get3A_1537 = arith.constant 5248 : index
    %get3A_1538 = arith.constant 0 : index
    %get3A_1539 = vector.load %arg17[%get3A_1537, %get3A_1538] : memref<16640x384xbf16, #tpu.memory_space<vmem>>, vector<1024x384xbf16>
    %get3A_1540 = arith.constant 1 : index
    %get3A_1541 = arith.constant 0 : index
    %get3A_1542 = arith.constant 0 : index
    %get3A_1543 = vector.load %arg4[%get3A_1540, %get3A_1541, %get3A_1542] : memref<3x384x128xbf16, #tpu.memory_space<vmem>>, vector<1x384x128xbf16>
    %get3A_1544 = vector.shape_cast %get3A_1543 : vector<1x384x128xbf16> to vector<384x128xbf16>
    %dot_general3A_1545 = arith.constant dense<0.000000e+00> : vector<1024x128xf32>
    %dot_general3A_1546 = tpu.matmul %get3A_1539, %get3A_1544, %dot_general3A_1545 {dimension_numbers = #tpu.dot_dimension_numbers<[1], [0], [0], [1], [0, 0, 1, 1], [], []>, transpose_lhs_hint = false} : vector<1024x384xbf16>, vector<384x128xbf16>, vector<1024x128xf32> -> vector<1024x128xf32>
    %add3A_1547 = arith.addf %dot_general3A_1536, %dot_general3A_1546 : vector<1024x128xf32>
    %get3A_1548 = arith.constant 5376 : index
    %get3A_1549 = arith.constant 0 : index
    %get3A_1550 = vector.load %arg17[%get3A_1548, %get3A_1549] : memref<16640x384xbf16, #tpu.memory_space<vmem>>, vector<1024x384xbf16>
    %get3A_1551 = arith.constant 2 : index
    %get3A_1552 = arith.constant 0 : index
    %get3A_1553 = arith.constant 0 : index
    %get3A_1554 = vector.load %arg4[%get3A_1551, %get3A_1552, %get3A_1553] : memref<3x384x128xbf16, #tpu.memory_space<vmem>>, vector<1x384x128xbf16>
    %get3A_1555 = vector.shape_cast %get3A_1554 : vector<1x384x128xbf16> to vector<384x128xbf16>
    %dot_general3A_1556 = arith.constant dense<0.000000e+00> : vector<1024x128xf32>
    %dot_general3A_1557 = tpu.matmul %get3A_1550, %get3A_1555, %dot_general3A_1556 {dimension_numbers = #tpu.dot_dimension_numbers<[1], [0], [0], [1], [0, 0, 1, 1], [], []>, transpose_lhs_hint = false} : vector<1024x384xbf16>, vector<384x128xbf16>, vector<1024x128xf32> -> vector<1024x128xf32>
    %add3A_1558 = arith.addf %add3A_1547, %dot_general3A_1557 : vector<1024x128xf32>
    %get3A_1559 = arith.constant 0 : index
    %get3A_1560 = arith.constant 0 : index
    %get3A_1561 = vector.load %arg5[%get3A_1559, %get3A_1560] : memref<1x128xf32, #tpu.memory_space<vmem>>, vector<1x128xf32>
    %add3A_1562 = vector.broadcast %get3A_1561 : vector<1x128xf32> to vector<1024x128xf32>
    %add3A_1563 = arith.addf %add3A_1558, %add3A_1562 : vector<1024x128xf32>
    %max3A_1564 = arith.constant 0.000000e+00 : f32
    %max3A_1565 = vector.broadcast %max3A_1564 : f32 to vector<1024x128xf32>
    %max3A_1566 = arith.maximumf %add3A_1563, %max3A_1565 : vector<1024x128xf32>
    %convert_element_type3A_1567 = arith.truncf %max3A_1566 : vector<1024x128xf32> to vector<1024x128xbf16>
    %get3A_1568 = arith.constant 0 : index
    %get3A_1569 = arith.constant 0 : index
    %get3A_1570 = vector.load %arg6[%get3A_1568, %get3A_1569] : memref<128x80xbf16, #tpu.memory_space<vmem>>, vector<128x80xbf16>
    %dot_general3A_1571 = arith.constant dense<0.000000e+00> : vector<1024x80xf32>
    %dot_general3A_1572 = tpu.matmul %convert_element_type3A_1567, %get3A_1570, %dot_general3A_1571 {dimension_numbers = #tpu.dot_dimension_numbers<[1], [0], [0], [1], [0, 0, 1, 1], [], []>, transpose_lhs_hint = false} : vector<1024x128xbf16>, vector<128x80xbf16>, vector<1024x80xf32> -> vector<1024x80xf32>
    %get3A_1573 = arith.constant 0 : index
    %get3A_1574 = arith.constant 0 : index
    %get3A_1575 = vector.load %arg7[%get3A_1573, %get3A_1574] : memref<1x80xf32, #tpu.memory_space<vmem>>, vector<1x80xf32>
    %add3A_1576 = vector.broadcast %get3A_1575 : vector<1x80xf32> to vector<1024x80xf32>
    %add3A_1577 = arith.addf %dot_general3A_1572, %add3A_1576 : vector<1024x80xf32>
    %transpose3A_1578 = tpu.transpose %add3A_1577, [1, 0] : vector<1024x80xf32> -> vector<80x1024xf32>
    %swap3A_1579 = arith.constant 0 : index
    %swap3A_1580 = arith.constant 0 : index
    %swap3A_1581 = arith.constant 5120 : index
    %swap3A_1582 = vector.load %arg12[%swap3A_1579, %swap3A_1580, %swap3A_1581] : memref<1x80x16384xf32, #tpu.memory_space<vmem>>, vector<1x80x1024xf32>
    %swap3A_1583 = vector.shape_cast %swap3A_1582 : vector<1x80x1024xf32> to vector<80x1024xf32>
    %swap3A_1584 = vector.shape_cast %transpose3A_1578 : vector<80x1024xf32> to vector<1x80x1024xf32>
    tpu.vector_store %arg12[%swap3A_1579, %swap3A_1580, %swap3A_1581], %swap3A_1584 {strides = array<i32>} : memref<1x80x16384xf32, #tpu.memory_space<vmem>>, vector<1x80x1024xf32>,
    %get3A_1585 = arith.constant 5120 : index
    %get3A_1586 = arith.constant 0 : index
    %get3A_1587 = vector.load %arg15[%get3A_1585, %get3A_1586] : memref<16640x64xbf16, #tpu.memory_space<vmem>>, vector<1024x64xbf16>
    %get3A_1588 = arith.constant 5248 : index
    %get3A_1589 = arith.constant 0 : index
    %get3A_1590 = vector.load %arg15[%get3A_1588, %get3A_1589] : memref<16640x64xbf16, #tpu.memory_space<vmem>>, vector<1024x64xbf16>
    %get3A_1591 = arith.constant 5376 : index
    %get3A_1592 = arith.constant 0 : index
    %get3A_1593 = vector.load %arg15[%get3A_1591, %get3A_1592] : memref<16640x64xbf16, #tpu.memory_space<vmem>>, vector<1024x64xbf16>
    %get3A_1594 = arith.constant 5120 : index
    %get3A_1595 = arith.constant 0 : index
    %get3A_1596 = vector.load %arg18[%get3A_1594, %get3A_1595] : memref<16640x64xbf16, #tpu.memory_space<vmem>>, vector<1024x64xbf16>
    %get3A_1597 = arith.constant 5248 : index
    %get3A_1598 = arith.constant 0 : index
    %get3A_1599 = vector.load %arg18[%get3A_1597, %get3A_1598] : memref<16640x64xbf16, #tpu.memory_space<vmem>>, vector<1024x64xbf16>
    %get3A_1600 = arith.constant 5376 : index
    %get3A_1601 = arith.constant 0 : index
    %get3A_1602 = vector.load %arg18[%get3A_1600, %get3A_1601] : memref<16640x64xbf16, #tpu.memory_space<vmem>>, vector<1024x64xbf16>
    %get3A_1603 = arith.constant 5120 : index
    %get3A_1604 = arith.constant 0 : index
    %get3A_1605 = vector.load %arg16[%get3A_1603, %get3A_1604] : memref<16640x64xbf16, #tpu.memory_space<vmem>>, vector<1024x64xbf16>
    %get3A_1606 = arith.constant 5248 : index
    %get3A_1607 = arith.constant 0 : index
    %get3A_1608 = vector.load %arg16[%get3A_1606, %get3A_1607] : memref<16640x64xbf16, #tpu.memory_space<vmem>>, vector<1024x64xbf16>
    %get3A_1609 = arith.constant 5376 : index
    %get3A_1610 = arith.constant 0 : index
    %get3A_1611 = vector.load %arg16[%get3A_1609, %get3A_1610] : memref<16640x64xbf16, #tpu.memory_space<vmem>>, vector<1024x64xbf16>
    %concatenate3A_1612 = tpu.concatenate %get3A_1587, %get3A_1590, %get3A_1593, %get3A_1596, %get3A_1599, %get3A_1602, %get3A_1605, %get3A_1608, %get3A_1611 in 1 : vector<1024x64xbf16>, vector<1024x64xbf16>, vector<1024x64xbf16>, vector<1024x64xbf16>, vector<1024x64xbf16>, vector<1024x64xbf16>, vector<1024x64xbf16>, vector<1024x64xbf16>, vector<1024x64xbf16> -> vector<1024x576xbf16>
    %get3A_1613 = arith.constant 0 : index
    %get3A_1614 = arith.constant 0 : index
    %get3A_1615 = vector.load %arg8[%get3A_1613, %get3A_1614] : memref<576x64xbf16, #tpu.memory_space<vmem>>, vector<576x64xbf16>
    %dot_general3A_1616 = arith.constant dense<0.000000e+00> : vector<1024x64xf32>
    %dot_general3A_1617 = tpu.matmul %concatenate3A_1612, %get3A_1615, %dot_general3A_1616 {dimension_numbers = #tpu.dot_dimension_numbers<[1], [0], [0], [1], [0, 0, 1, 1], [], []>, transpose_lhs_hint = false} : vector<1024x576xbf16>, vector<576x64xbf16>, vector<1024x64xf32> -> vector<1024x64xf32>
    %get3A_1618 = arith.constant 0 : index
    %get3A_1619 = arith.constant 0 : index
    %get3A_1620 = vector.load %arg9[%get3A_1618, %get3A_1619] : memref<1x64xf32, #tpu.memory_space<vmem>>, vector<1x64xf32>
    %add3A_1621 = vector.broadcast %get3A_1620 : vector<1x64xf32> to vector<1024x64xf32>
    %add3A_1622 = arith.addf %dot_general3A_1617, %add3A_1621 : vector<1024x64xf32>
    %max3A_1623 = arith.constant 0.000000e+00 : f32
    %max3A_1624 = vector.broadcast %max3A_1623 : f32 to vector<1024x64xf32>
    %max3A_1625 = arith.maximumf %add3A_1622, %max3A_1624 : vector<1024x64xf32>
    %convert_element_type3A_1626 = arith.truncf %max3A_1625 : vector<1024x64xf32> to vector<1024x64xbf16>
    %get3A_1627 = arith.constant 0 : index
    %get3A_1628 = arith.constant 0 : index
    %get3A_1629 = vector.load %arg10[%get3A_1627, %get3A_1628] : memref<64x8xbf16, #tpu.memory_space<vmem>>, vector<64x8xbf16>
    %dot_general3A_1630 = arith.constant dense<0.000000e+00> : vector<1024x8xf32>
    %dot_general3A_1631 = tpu.matmul %convert_element_type3A_1626, %get3A_1629, %dot_general3A_1630 {dimension_numbers = #tpu.dot_dimension_numbers<[1], [0], [0], [1], [0, 0, 1, 1], [], []>, transpose_lhs_hint = false} : vector<1024x64xbf16>, vector<64x8xbf16>, vector<1024x8xf32> -> vector<1024x8xf32>
    %get3A_1632 = arith.constant 0 : index
    %get3A_1633 = arith.constant 0 : index
    %get3A_1634 = vector.load %arg11[%get3A_1632, %get3A_1633] : memref<1x8xf32, #tpu.memory_space<vmem>>, vector<1x8xf32>
    %add3A_1635 = vector.broadcast %get3A_1634 : vector<1x8xf32> to vector<1024x8xf32>
    %add3A_1636 = arith.addf %dot_general3A_1631, %add3A_1635 : vector<1024x8xf32>
    %max3A_1637 = arith.constant 0.000000e+00 : f32
    %max3A_1638 = vector.broadcast %max3A_1637 : f32 to vector<1024x8xf32>
    %max3A_1639 = arith.maximumf %add3A_1636, %max3A_1638 : vector<1024x8xf32>
    %mul3A_1640 = arith.constant 1.600000e+01 : f32
    %mul3A_1641 = vector.broadcast %mul3A_1640 : f32 to vector<1024x8xf32>
    %mul3A_1642 = arith.mulf %max3A_1639, %mul3A_1641 : vector<1024x8xf32>
    %transpose3A_1643 = tpu.transpose %mul3A_1642, [1, 0] : vector<1024x8xf32> -> vector<8x1024xf32>
    %slice3A_1644 = vector.extract_strided_slice %transpose3A_1643 {offsets = [0, 0], sizes = [4, 1024], strides = [1, 1]} : vector<8x1024xf32> to vector<4x1024xf32>
    %swap3A_1645 = arith.constant 0 : index
    %swap3A_1646 = arith.constant 0 : index
    %swap3A_1647 = arith.constant 5120 : index
    %swap3A_1648 = vector.load %arg13[%swap3A_1645, %swap3A_1646, %swap3A_1647] : memref<1x4x16384xf32, #tpu.memory_space<vmem>>, vector<1x4x1024xf32>
    %swap3A_1649 = vector.shape_cast %swap3A_1648 : vector<1x4x1024xf32> to vector<4x1024xf32>
    %swap3A_1650 = vector.shape_cast %slice3A_1644 : vector<4x1024xf32> to vector<1x4x1024xf32>
    tpu.vector_store %arg13[%swap3A_1645, %swap3A_1646, %swap3A_1647], %swap3A_1650 {strides = array<i32>} : memref<1x4x16384xf32, #tpu.memory_space<vmem>>, vector<1x4x1024xf32>,
    %get3A_1651 = arith.constant 6144 : index
    %get3A_1652 = arith.constant 0 : index
    %get3A_1653 = vector.load %arg17[%get3A_1651, %get3A_1652] : memref<16640x384xbf16, #tpu.memory_space<vmem>>, vector<1024x384xbf16>
    %get3A_1654 = arith.constant 0 : index
    %get3A_1655 = arith.constant 0 : index
    %get3A_1656 = arith.constant 0 : index
    %get3A_1657 = vector.load %arg4[%get3A_1654, %get3A_1655, %get3A_1656] : memref<3x384x128xbf16, #tpu.memory_space<vmem>>, vector<1x384x128xbf16>
    %get3A_1658 = vector.shape_cast %get3A_1657 : vector<1x384x128xbf16> to vector<384x128xbf16>
    %dot_general3A_1659 = arith.constant dense<0.000000e+00> : vector<1024x128xf32>
    %dot_general3A_1660 = tpu.matmul %get3A_1653, %get3A_1658, %dot_general3A_1659 {dimension_numbers = #tpu.dot_dimension_numbers<[1], [0], [0], [1], [0, 0, 1, 1], [], []>, transpose_lhs_hint = false} : vector<1024x384xbf16>, vector<384x128xbf16>, vector<1024x128xf32> -> vector<1024x128xf32>
    %get3A_1661 = arith.constant 6272 : index
    %get3A_1662 = arith.constant 0 : index
    %get3A_1663 = vector.load %arg17[%get3A_1661, %get3A_1662] : memref<16640x384xbf16, #tpu.memory_space<vmem>>, vector<1024x384xbf16>
    %get3A_1664 = arith.constant 1 : index
    %get3A_1665 = arith.constant 0 : index
    %get3A_1666 = arith.constant 0 : index
    %get3A_1667 = vector.load %arg4[%get3A_1664, %get3A_1665, %get3A_1666] : memref<3x384x128xbf16, #tpu.memory_space<vmem>>, vector<1x384x128xbf16>
    %get3A_1668 = vector.shape_cast %get3A_1667 : vector<1x384x128xbf16> to vector<384x128xbf16>
    %dot_general3A_1669 = arith.constant dense<0.000000e+00> : vector<1024x128xf32>
    %dot_general3A_1670 = tpu.matmul %get3A_1663, %get3A_1668, %dot_general3A_1669 {dimension_numbers = #tpu.dot_dimension_numbers<[1], [0], [0], [1], [0, 0, 1, 1], [], []>, transpose_lhs_hint = false} : vector<1024x384xbf16>, vector<384x128xbf16>, vector<1024x128xf32> -> vector<1024x128xf32>
    %add3A_1671 = arith.addf %dot_general3A_1660, %dot_general3A_1670 : vector<1024x128xf32>
    %get3A_1672 = arith.constant 6400 : index
    %get3A_1673 = arith.constant 0 : index
    %get3A_1674 = vector.load %arg17[%get3A_1672, %get3A_1673] : memref<16640x384xbf16, #tpu.memory_space<vmem>>, vector<1024x384xbf16>
    %get3A_1675 = arith.constant 2 : index
    %get3A_1676 = arith.constant 0 : index
    %get3A_1677 = arith.constant 0 : index
    %get3A_1678 = vector.load %arg4[%get3A_1675, %get3A_1676, %get3A_1677] : memref<3x384x128xbf16, #tpu.memory_space<vmem>>, vector<1x384x128xbf16>
    %get3A_1679 = vector.shape_cast %get3A_1678 : vector<1x384x128xbf16> to vector<384x128xbf16>
    %dot_general3A_1680 = arith.constant dense<0.000000e+00> : vector<1024x128xf32>
    %dot_general3A_1681 = tpu.matmul %get3A_1674, %get3A_1679, %dot_general3A_1680 {dimension_numbers = #tpu.dot_dimension_numbers<[1], [0], [0], [1], [0, 0, 1, 1], [], []>, transpose_lhs_hint = false} : vector<1024x384xbf16>, vector<384x128xbf16>, vector<1024x128xf32> -> vector<1024x128xf32>
    %add3A_1682 = arith.addf %add3A_1671, %dot_general3A_1681 : vector<1024x128xf32>
    %get3A_1683 = arith.constant 0 : index
    %get3A_1684 = arith.constant 0 : index
    %get3A_1685 = vector.load %arg5[%get3A_1683, %get3A_1684] : memref<1x128xf32, #tpu.memory_space<vmem>>, vector<1x128xf32>
    %add3A_1686 = vector.broadcast %get3A_1685 : vector<1x128xf32> to vector<1024x128xf32>
    %add3A_1687 = arith.addf %add3A_1682, %add3A_1686 : vector<1024x128xf32>
    %max3A_1688 = arith.constant 0.000000e+00 : f32
    %max3A_1689 = vector.broadcast %max3A_1688 : f32 to vector<1024x128xf32>
    %max3A_1690 = arith.maximumf %add3A_1687, %max3A_1689 : vector<1024x128xf32>
    %convert_element_type3A_1691 = arith.truncf %max3A_1690 : vector<1024x128xf32> to vector<1024x128xbf16>
    %get3A_1692 = arith.constant 0 : index
    %get3A_1693 = arith.constant 0 : index
    %get3A_1694 = vector.load %arg6[%get3A_1692, %get3A_1693] : memref<128x80xbf16, #tpu.memory_space<vmem>>, vector<128x80xbf16>
    %dot_general3A_1695 = arith.constant dense<0.000000e+00> : vector<1024x80xf32>
    %dot_general3A_1696 = tpu.matmul %convert_element_type3A_1691, %get3A_1694, %dot_general3A_1695 {dimension_numbers = #tpu.dot_dimension_numbers<[1], [0], [0], [1], [0, 0, 1, 1], [], []>, transpose_lhs_hint = false} : vector<1024x128xbf16>, vector<128x80xbf16>, vector<1024x80xf32> -> vector<1024x80xf32>
    %get3A_1697 = arith.constant 0 : index
    %get3A_1698 = arith.constant 0 : index
    %get3A_1699 = vector.load %arg7[%get3A_1697, %get3A_1698] : memref<1x80xf32, #tpu.memory_space<vmem>>, vector<1x80xf32>
    %add3A_1700 = vector.broadcast %get3A_1699 : vector<1x80xf32> to vector<1024x80xf32>
    %add3A_1701 = arith.addf %dot_general3A_1696, %add3A_1700 : vector<1024x80xf32>
    %transpose3A_1702 = tpu.transpose %add3A_1701, [1, 0] : vector<1024x80xf32> -> vector<80x1024xf32>
    %swap3A_1703 = arith.constant 0 : index
    %swap3A_1704 = arith.constant 0 : index
    %swap3A_1705 = arith.constant 6144 : index
    %swap3A_1706 = vector.load %arg12[%swap3A_1703, %swap3A_1704, %swap3A_1705] : memref<1x80x16384xf32, #tpu.memory_space<vmem>>, vector<1x80x1024xf32>
    %swap3A_1707 = vector.shape_cast %swap3A_1706 : vector<1x80x1024xf32> to vector<80x1024xf32>
    %swap3A_1708 = vector.shape_cast %transpose3A_1702 : vector<80x1024xf32> to vector<1x80x1024xf32>
    tpu.vector_store %arg12[%swap3A_1703, %swap3A_1704, %swap3A_1705], %swap3A_1708 {strides = array<i32>} : memref<1x80x16384xf32, #tpu.memory_space<vmem>>, vector<1x80x1024xf32>,
    %get3A_1709 = arith.constant 6144 : index
    %get3A_1710 = arith.constant 0 : index
    %get3A_1711 = vector.load %arg15[%get3A_1709, %get3A_1710] : memref<16640x64xbf16, #tpu.memory_space<vmem>>, vector<1024x64xbf16>
    %get3A_1712 = arith.constant 6272 : index
    %get3A_1713 = arith.constant 0 : index
    %get3A_1714 = vector.load %arg15[%get3A_1712, %get3A_1713] : memref<16640x64xbf16, #tpu.memory_space<vmem>>, vector<1024x64xbf16>
    %get3A_1715 = arith.constant 6400 : index
    %get3A_1716 = arith.constant 0 : index
    %get3A_1717 = vector.load %arg15[%get3A_1715, %get3A_1716] : memref<16640x64xbf16, #tpu.memory_space<vmem>>, vector<1024x64xbf16>
    %get3A_1718 = arith.constant 6144 : index
    %get3A_1719 = arith.constant 0 : index
    %get3A_1720 = vector.load %arg18[%get3A_1718, %get3A_1719] : memref<16640x64xbf16, #tpu.memory_space<vmem>>, vector<1024x64xbf16>
    %get3A_1721 = arith.constant 6272 : index
    %get3A_1722 = arith.constant 0 : index
    %get3A_1723 = vector.load %arg18[%get3A_1721, %get3A_1722] : memref<16640x64xbf16, #tpu.memory_space<vmem>>, vector<1024x64xbf16>
    %get3A_1724 = arith.constant 6400 : index
    %get3A_1725 = arith.constant 0 : index
    %get3A_1726 = vector.load %arg18[%get3A_1724, %get3A_1725] : memref<16640x64xbf16, #tpu.memory_space<vmem>>, vector<1024x64xbf16>
    %get3A_1727 = arith.constant 6144 : index
    %get3A_1728 = arith.constant 0 : index
    %get3A_1729 = vector.load %arg16[%get3A_1727, %get3A_1728] : memref<16640x64xbf16, #tpu.memory_space<vmem>>, vector<1024x64xbf16>
    %get3A_1730 = arith.constant 6272 : index
    %get3A_1731 = arith.constant 0 : index
    %get3A_1732 = vector.load %arg16[%get3A_1730, %get3A_1731] : memref<16640x64xbf16, #tpu.memory_space<vmem>>, vector<1024x64xbf16>
    %get3A_1733 = arith.constant 6400 : index
    %get3A_1734 = arith.constant 0 : index
    %get3A_1735 = vector.load %arg16[%get3A_1733, %get3A_1734] : memref<16640x64xbf16, #tpu.memory_space<vmem>>, vector<1024x64xbf16>
    %concatenate3A_1736 = tpu.concatenate %get3A_1711, %get3A_1714, %get3A_1717, %get3A_1720, %get3A_1723, %get3A_1726, %get3A_1729, %get3A_1732, %get3A_1735 in 1 : vector<1024x64xbf16>, vector<1024x64xbf16>, vector<1024x64xbf16>, vector<1024x64xbf16>, vector<1024x64xbf16>, vector<1024x64xbf16>, vector<1024x64xbf16>, vector<1024x64xbf16>, vector<1024x64xbf16> -> vector<1024x576xbf16>
    %get3A_1737 = arith.constant 0 : index
    %get3A_1738 = arith.constant 0 : index
    %get3A_1739 = vector.load %arg8[%get3A_1737, %get3A_1738] : memref<576x64xbf16, #tpu.memory_space<vmem>>, vector<576x64xbf16>
    %dot_general3A_1740 = arith.constant dense<0.000000e+00> : vector<1024x64xf32>
    %dot_general3A_1741 = tpu.matmul %concatenate3A_1736, %get3A_1739, %dot_general3A_1740 {dimension_numbers = #tpu.dot_dimension_numbers<[1], [0], [0], [1], [0, 0, 1, 1], [], []>, transpose_lhs_hint = false} : vector<1024x576xbf16>, vector<576x64xbf16>, vector<1024x64xf32> -> vector<1024x64xf32>
    %get3A_1742 = arith.constant 0 : index
    %get3A_1743 = arith.constant 0 : index
    %get3A_1744 = vector.load %arg9[%get3A_1742, %get3A_1743] : memref<1x64xf32, #tpu.memory_space<vmem>>, vector<1x64xf32>
    %add3A_1745 = vector.broadcast %get3A_1744 : vector<1x64xf32> to vector<1024x64xf32>
    %add3A_1746 = arith.addf %dot_general3A_1741, %add3A_1745 : vector<1024x64xf32>
    %max3A_1747 = arith.constant 0.000000e+00 : f32
    %max3A_1748 = vector.broadcast %max3A_1747 : f32 to vector<1024x64xf32>
    %max3A_1749 = arith.maximumf %add3A_1746, %max3A_1748 : vector<1024x64xf32>
    %convert_element_type3A_1750 = arith.truncf %max3A_1749 : vector<1024x64xf32> to vector<1024x64xbf16>
    %get3A_1751 = arith.constant 0 : index
    %get3A_1752 = arith.constant 0 : index
    %get3A_1753 = vector.load %arg10[%get3A_1751, %get3A_1752] : memref<64x8xbf16, #tpu.memory_space<vmem>>, vector<64x8xbf16>
    %dot_general3A_1754 = arith.constant dense<0.000000e+00> : vector<1024x8xf32>
    %dot_general3A_1755 = tpu.matmul %convert_element_type3A_1750, %get3A_1753, %dot_general3A_1754 {dimension_numbers = #tpu.dot_dimension_numbers<[1], [0], [0], [1], [0, 0, 1, 1], [], []>, transpose_lhs_hint = false} : vector<1024x64xbf16>, vector<64x8xbf16>, vector<1024x8xf32> -> vector<1024x8xf32>
    %get3A_1756 = arith.constant 0 : index
    %get3A_1757 = arith.constant 0 : index
    %get3A_1758 = vector.load %arg11[%get3A_1756, %get3A_1757] : memref<1x8xf32, #tpu.memory_space<vmem>>, vector<1x8xf32>
    %add3A_1759 = vector.broadcast %get3A_1758 : vector<1x8xf32> to vector<1024x8xf32>
    %add3A_1760 = arith.addf %dot_general3A_1755, %add3A_1759 : vector<1024x8xf32>
    %max3A_1761 = arith.constant 0.000000e+00 : f32
    %max3A_1762 = vector.broadcast %max3A_1761 : f32 to vector<1024x8xf32>
    %max3A_1763 = arith.maximumf %add3A_1760, %max3A_1762 : vector<1024x8xf32>
    %mul3A_1764 = arith.constant 1.600000e+01 : f32
    %mul3A_1765 = vector.broadcast %mul3A_1764 : f32 to vector<1024x8xf32>
    %mul3A_1766 = arith.mulf %max3A_1763, %mul3A_1765 : vector<1024x8xf32>
    %transpose3A_1767 = tpu.transpose %mul3A_1766, [1, 0] : vector<1024x8xf32> -> vector<8x1024xf32>
    %slice3A_1768 = vector.extract_strided_slice %transpose3A_1767 {offsets = [0, 0], sizes = [4, 1024], strides = [1, 1]} : vector<8x1024xf32> to vector<4x1024xf32>
    %swap3A_1769 = arith.constant 0 : index
    %swap3A_1770 = arith.constant 0 : index
    %swap3A_1771 = arith.constant 6144 : index
    %swap3A_1772 = vector.load %arg13[%swap3A_1769, %swap3A_1770, %swap3A_1771] : memref<1x4x16384xf32, #tpu.memory_space<vmem>>, vector<1x4x1024xf32>
    %swap3A_1773 = vector.shape_cast %swap3A_1772 : vector<1x4x1024xf32> to vector<4x1024xf32>
    %swap3A_1774 = vector.shape_cast %slice3A_1768 : vector<4x1024xf32> to vector<1x4x1024xf32>
    tpu.vector_store %arg13[%swap3A_1769, %swap3A_1770, %swap3A_1771], %swap3A_1774 {strides = array<i32>} : memref<1x4x16384xf32, #tpu.memory_space<vmem>>, vector<1x4x1024xf32>,
    %get3A_1775 = arith.constant 7168 : index
    %get3A_1776 = arith.constant 0 : index
    %get3A_1777 = vector.load %arg17[%get3A_1775, %get3A_1776] : memref<16640x384xbf16, #tpu.memory_space<vmem>>, vector<1024x384xbf16>
    %get3A_1778 = arith.constant 0 : index
    %get3A_1779 = arith.constant 0 : index
    %get3A_1780 = arith.constant 0 : index
    %get3A_1781 = vector.load %arg4[%get3A_1778, %get3A_1779, %get3A_1780] : memref<3x384x128xbf16, #tpu.memory_space<vmem>>, vector<1x384x128xbf16>
    %get3A_1782 = vector.shape_cast %get3A_1781 : vector<1x384x128xbf16> to vector<384x128xbf16>
    %dot_general3A_1783 = arith.constant dense<0.000000e+00> : vector<1024x128xf32>
    %dot_general3A_1784 = tpu.matmul %get3A_1777, %get3A_1782, %dot_general3A_1783 {dimension_numbers = #tpu.dot_dimension_numbers<[1], [0], [0], [1], [0, 0, 1, 1], [], []>, transpose_lhs_hint = false} : vector<1024x384xbf16>, vector<384x128xbf16>, vector<1024x128xf32> -> vector<1024x128xf32>
    %get3A_1785 = arith.constant 7296 : index
    %get3A_1786 = arith.constant 0 : index
    %get3A_1787 = vector.load %arg17[%get3A_1785, %get3A_1786] : memref<16640x384xbf16, #tpu.memory_space<vmem>>, vector<1024x384xbf16>
    %get3A_1788 = arith.constant 1 : index
    %get3A_1789 = arith.constant 0 : index
    %get3A_1790 = arith.constant 0 : index
    %get3A_1791 = vector.load %arg4[%get3A_1788, %get3A_1789, %get3A_1790] : memref<3x384x128xbf16, #tpu.memory_space<vmem>>, vector<1x384x128xbf16>
    %get3A_1792 = vector.shape_cast %get3A_1791 : vector<1x384x128xbf16> to vector<384x128xbf16>
    %dot_general3A_1793 = arith.constant dense<0.000000e+00> : vector<1024x128xf32>
    %dot_general3A_1794 = tpu.matmul %get3A_1787, %get3A_1792, %dot_general3A_1793 {dimension_numbers = #tpu.dot_dimension_numbers<[1], [0], [0], [1], [0, 0, 1, 1], [], []>, transpose_lhs_hint = false} : vector<1024x384xbf16>, vector<384x128xbf16>, vector<1024x128xf32> -> vector<1024x128xf32>
    %add3A_1795 = arith.addf %dot_general3A_1784, %dot_general3A_1794 : vector<1024x128xf32>
    %get3A_1796 = arith.constant 7424 : index
    %get3A_1797 = arith.constant 0 : index
    %get3A_1798 = vector.load %arg17[%get3A_1796, %get3A_1797] : memref<16640x384xbf16, #tpu.memory_space<vmem>>, vector<1024x384xbf16>
    %get3A_1799 = arith.constant 2 : index
    %get3A_1800 = arith.constant 0 : index
    %get3A_1801 = arith.constant 0 : index
    %get3A_1802 = vector.load %arg4[%get3A_1799, %get3A_1800, %get3A_1801] : memref<3x384x128xbf16, #tpu.memory_space<vmem>>, vector<1x384x128xbf16>
    %get3A_1803 = vector.shape_cast %get3A_1802 : vector<1x384x128xbf16> to vector<384x128xbf16>
    %dot_general3A_1804 = arith.constant dense<0.000000e+00> : vector<1024x128xf32>
    %dot_general3A_1805 = tpu.matmul %get3A_1798, %get3A_1803, %dot_general3A_1804 {dimension_numbers = #tpu.dot_dimension_numbers<[1], [0], [0], [1], [0, 0, 1, 1], [], []>, transpose_lhs_hint = false} : vector<1024x384xbf16>, vector<384x128xbf16>, vector<1024x128xf32> -> vector<1024x128xf32>
    %add3A_1806 = arith.addf %add3A_1795, %dot_general3A_1805 : vector<1024x128xf32>
    %get3A_1807 = arith.constant 0 : index
    %get3A_1808 = arith.constant 0 : index
    %get3A_1809 = vector.load %arg5[%get3A_1807, %get3A_1808] : memref<1x128xf32, #tpu.memory_space<vmem>>, vector<1x128xf32>
    %add3A_1810 = vector.broadcast %get3A_1809 : vector<1x128xf32> to vector<1024x128xf32>
    %add3A_1811 = arith.addf %add3A_1806, %add3A_1810 : vector<1024x128xf32>
    %max3A_1812 = arith.constant 0.000000e+00 : f32
    %max3A_1813 = vector.broadcast %max3A_1812 : f32 to vector<1024x128xf32>
    %max3A_1814 = arith.maximumf %add3A_1811, %max3A_1813 : vector<1024x128xf32>
    %convert_element_type3A_1815 = arith.truncf %max3A_1814 : vector<1024x128xf32> to vector<1024x128xbf16>
    %get3A_1816 = arith.constant 0 : index
    %get3A_1817 = arith.constant 0 : index
    %get3A_1818 = vector.load %arg6[%get3A_1816, %get3A_1817] : memref<128x80xbf16, #tpu.memory_space<vmem>>, vector<128x80xbf16>
    %dot_general3A_1819 = arith.constant dense<0.000000e+00> : vector<1024x80xf32>
    %dot_general3A_1820 = tpu.matmul %convert_element_type3A_1815, %get3A_1818, %dot_general3A_1819 {dimension_numbers = #tpu.dot_dimension_numbers<[1], [0], [0], [1], [0, 0, 1, 1], [], []>, transpose_lhs_hint = false} : vector<1024x128xbf16>, vector<128x80xbf16>, vector<1024x80xf32> -> vector<1024x80xf32>
    %get3A_1821 = arith.constant 0 : index
    %get3A_1822 = arith.constant 0 : index
    %get3A_1823 = vector.load %arg7[%get3A_1821, %get3A_1822] : memref<1x80xf32, #tpu.memory_space<vmem>>, vector<1x80xf32>
    %add3A_1824 = vector.broadcast %get3A_1823 : vector<1x80xf32> to vector<1024x80xf32>
    %add3A_1825 = arith.addf %dot_general3A_1820, %add3A_1824 : vector<1024x80xf32>
    %transpose3A_1826 = tpu.transpose %add3A_1825, [1, 0] : vector<1024x80xf32> -> vector<80x1024xf32>
    %swap3A_1827 = arith.constant 0 : index
    %swap3A_1828 = arith.constant 0 : index
    %swap3A_1829 = arith.constant 7168 : index
    %swap3A_1830 = vector.load %arg12[%swap3A_1827, %swap3A_1828, %swap3A_1829] : memref<1x80x16384xf32, #tpu.memory_space<vmem>>, vector<1x80x1024xf32>
    %swap3A_1831 = vector.shape_cast %swap3A_1830 : vector<1x80x1024xf32> to vector<80x1024xf32>
    %swap3A_1832 = vector.shape_cast %transpose3A_1826 : vector<80x1024xf32> to vector<1x80x1024xf32>
    tpu.vector_store %arg12[%swap3A_1827, %swap3A_1828, %swap3A_1829], %swap3A_1832 {strides = array<i32>} : memref<1x80x16384xf32, #tpu.memory_space<vmem>>, vector<1x80x1024xf32>,
    %get3A_1833 = arith.constant 7168 : index
    %get3A_1834 = arith.constant 0 : index
    %get3A_1835 = vector.load %arg15[%get3A_1833, %get3A_1834] : memref<16640x64xbf16, #tpu.memory_space<vmem>>, vector<1024x64xbf16>
    %get3A_1836 = arith.constant 7296 : index
    %get3A_1837 = arith.constant 0 : index
    %get3A_1838 = vector.load %arg15[%get3A_1836, %get3A_1837] : memref<16640x64xbf16, #tpu.memory_space<vmem>>, vector<1024x64xbf16>
    %get3A_1839 = arith.constant 7424 : index
    %get3A_1840 = arith.constant 0 : index
    %get3A_1841 = vector.load %arg15[%get3A_1839, %get3A_1840] : memref<16640x64xbf16, #tpu.memory_space<vmem>>, vector<1024x64xbf16>
    %get3A_1842 = arith.constant 7168 : index
    %get3A_1843 = arith.constant 0 : index
    %get3A_1844 = vector.load %arg18[%get3A_1842, %get3A_1843] : memref<16640x64xbf16, #tpu.memory_space<vmem>>, vector<1024x64xbf16>
    %get3A_1845 = arith.constant 7296 : index
    %get3A_1846 = arith.constant 0 : index
    %get3A_1847 = vector.load %arg18[%get3A_1845, %get3A_1846] : memref<16640x64xbf16, #tpu.memory_space<vmem>>, vector<1024x64xbf16>
    %get3A_1848 = arith.constant 7424 : index
    %get3A_1849 = arith.constant 0 : index
    %get3A_1850 = vector.load %arg18[%get3A_1848, %get3A_1849] : memref<16640x64xbf16, #tpu.memory_space<vmem>>, vector<1024x64xbf16>
    %get3A_1851 = arith.constant 7168 : index
    %get3A_1852 = arith.constant 0 : index
    %get3A_1853 = vector.load %arg16[%get3A_1851, %get3A_1852] : memref<16640x64xbf16, #tpu.memory_space<vmem>>, vector<1024x64xbf16>
    %get3A_1854 = arith.constant 7296 : index
    %get3A_1855 = arith.constant 0 : index
    %get3A_1856 = vector.load %arg16[%get3A_1854, %get3A_1855] : memref<16640x64xbf16, #tpu.memory_space<vmem>>, vector<1024x64xbf16>
    %get3A_1857 = arith.constant 7424 : index
    %get3A_1858 = arith.constant 0 : index
    %get3A_1859 = vector.load %arg16[%get3A_1857, %get3A_1858] : memref<16640x64xbf16, #tpu.memory_space<vmem>>, vector<1024x64xbf16>
    %concatenate3A_1860 = tpu.concatenate %get3A_1835, %get3A_1838, %get3A_1841, %get3A_1844, %get3A_1847, %get3A_1850, %get3A_1853, %get3A_1856, %get3A_1859 in 1 : vector<1024x64xbf16>, vector<1024x64xbf16>, vector<1024x64xbf16>, vector<1024x64xbf16>, vector<1024x64xbf16>, vector<1024x64xbf16>, vector<1024x64xbf16>, vector<1024x64xbf16>, vector<1024x64xbf16> -> vector<1024x576xbf16>
    %get3A_1861 = arith.constant 0 : index
    %get3A_1862 = arith.constant 0 : index
    %get3A_1863 = vector.load %arg8[%get3A_1861, %get3A_1862] : memref<576x64xbf16, #tpu.memory_space<vmem>>, vector<576x64xbf16>
    %dot_general3A_1864 = arith.constant dense<0.000000e+00> : vector<1024x64xf32>
    %dot_general3A_1865 = tpu.matmul %concatenate3A_1860, %get3A_1863, %dot_general3A_1864 {dimension_numbers = #tpu.dot_dimension_numbers<[1], [0], [0], [1], [0, 0, 1, 1], [], []>, transpose_lhs_hint = false} : vector<1024x576xbf16>, vector<576x64xbf16>, vector<1024x64xf32> -> vector<1024x64xf32>
    %get3A_1866 = arith.constant 0 : index
    %get3A_1867 = arith.constant 0 : index
    %get3A_1868 = vector.load %arg9[%get3A_1866, %get3A_1867] : memref<1x64xf32, #tpu.memory_space<vmem>>, vector<1x64xf32>
    %add3A_1869 = vector.broadcast %get3A_1868 : vector<1x64xf32> to vector<1024x64xf32>
    %add3A_1870 = arith.addf %dot_general3A_1865, %add3A_1869 : vector<1024x64xf32>
    %max3A_1871 = arith.constant 0.000000e+00 : f32
    %max3A_1872 = vector.broadcast %max3A_1871 : f32 to vector<1024x64xf32>
    %max3A_1873 = arith.maximumf %add3A_1870, %max3A_1872 : vector<1024x64xf32>
    %convert_element_type3A_1874 = arith.truncf %max3A_1873 : vector<1024x64xf32> to vector<1024x64xbf16>
    %get3A_1875 = arith.constant 0 : index
    %get3A_1876 = arith.constant 0 : index
    %get3A_1877 = vector.load %arg10[%get3A_1875, %get3A_1876] : memref<64x8xbf16, #tpu.memory_space<vmem>>, vector<64x8xbf16>
    %dot_general3A_1878 = arith.constant dense<0.000000e+00> : vector<1024x8xf32>
    %dot_general3A_1879 = tpu.matmul %convert_element_type3A_1874, %get3A_1877, %dot_general3A_1878 {dimension_numbers = #tpu.dot_dimension_numbers<[1], [0], [0], [1], [0, 0, 1, 1], [], []>, transpose_lhs_hint = false} : vector<1024x64xbf16>, vector<64x8xbf16>, vector<1024x8xf32> -> vector<1024x8xf32>
    %get3A_1880 = arith.constant 0 : index
    %get3A_1881 = arith.constant 0 : index
    %get3A_1882 = vector.load %arg11[%get3A_1880, %get3A_1881] : memref<1x8xf32, #tpu.memory_space<vmem>>, vector<1x8xf32>
    %add3A_1883 = vector.broadcast %get3A_1882 : vector<1x8xf32> to vector<1024x8xf32>
    %add3A_1884 = arith.addf %dot_general3A_1879, %add3A_1883 : vector<1024x8xf32>
    %max3A_1885 = arith.constant 0.000000e+00 : f32
    %max3A_1886 = vector.broadcast %max3A_1885 : f32 to vector<1024x8xf32>
    %max3A_1887 = arith.maximumf %add3A_1884, %max3A_1886 : vector<1024x8xf32>
    %mul3A_1888 = arith.constant 1.600000e+01 : f32
    %mul3A_1889 = vector.broadcast %mul3A_1888 : f32 to vector<1024x8xf32>
    %mul3A_1890 = arith.mulf %max3A_1887, %mul3A_1889 : vector<1024x8xf32>
    %transpose3A_1891 = tpu.transpose %mul3A_1890, [1, 0] : vector<1024x8xf32> -> vector<8x1024xf32>
    %slice3A_1892 = vector.extract_strided_slice %transpose3A_1891 {offsets = [0, 0], sizes = [4, 1024], strides = [1, 1]} : vector<8x1024xf32> to vector<4x1024xf32>
    %swap3A_1893 = arith.constant 0 : index
    %swap3A_1894 = arith.constant 0 : index
    %swap3A_1895 = arith.constant 7168 : index
    %swap3A_1896 = vector.load %arg13[%swap3A_1893, %swap3A_1894, %swap3A_1895] : memref<1x4x16384xf32, #tpu.memory_space<vmem>>, vector<1x4x1024xf32>
    %swap3A_1897 = vector.shape_cast %swap3A_1896 : vector<1x4x1024xf32> to vector<4x1024xf32>
    %swap3A_1898 = vector.shape_cast %slice3A_1892 : vector<4x1024xf32> to vector<1x4x1024xf32>
    tpu.vector_store %arg13[%swap3A_1893, %swap3A_1894, %swap3A_1895], %swap3A_1898 {strides = array<i32>} : memref<1x4x16384xf32, #tpu.memory_space<vmem>>, vector<1x4x1024xf32>,
    %get3A_1899 = arith.constant 8192 : index
    %get3A_1900 = arith.constant 0 : index
    %get3A_1901 = vector.load %arg17[%get3A_1899, %get3A_1900] : memref<16640x384xbf16, #tpu.memory_space<vmem>>, vector<1024x384xbf16>
    %get3A_1902 = arith.constant 0 : index
    %get3A_1903 = arith.constant 0 : index
    %get3A_1904 = arith.constant 0 : index
    %get3A_1905 = vector.load %arg4[%get3A_1902, %get3A_1903, %get3A_1904] : memref<3x384x128xbf16, #tpu.memory_space<vmem>>, vector<1x384x128xbf16>
    %get3A_1906 = vector.shape_cast %get3A_1905 : vector<1x384x128xbf16> to vector<384x128xbf16>
    %dot_general3A_1907 = arith.constant dense<0.000000e+00> : vector<1024x128xf32>
    %dot_general3A_1908 = tpu.matmul %get3A_1901, %get3A_1906, %dot_general3A_1907 {dimension_numbers = #tpu.dot_dimension_numbers<[1], [0], [0], [1], [0, 0, 1, 1], [], []>, transpose_lhs_hint = false} : vector<1024x384xbf16>, vector<384x128xbf16>, vector<1024x128xf32> -> vector<1024x128xf32>
    %get3A_1909 = arith.constant 8320 : index
    %get3A_1910 = arith.constant 0 : index
    %get3A_1911 = vector.load %arg17[%get3A_1909, %get3A_1910] : memref<16640x384xbf16, #tpu.memory_space<vmem>>, vector<1024x384xbf16>
    %get3A_1912 = arith.constant 1 : index
    %get3A_1913 = arith.constant 0 : index
    %get3A_1914 = arith.constant 0 : index
    %get3A_1915 = vector.load %arg4[%get3A_1912, %get3A_1913, %get3A_1914] : memref<3x384x128xbf16, #tpu.memory_space<vmem>>, vector<1x384x128xbf16>
    %get3A_1916 = vector.shape_cast %get3A_1915 : vector<1x384x128xbf16> to vector<384x128xbf16>
    %dot_general3A_1917 = arith.constant dense<0.000000e+00> : vector<1024x128xf32>
    %dot_general3A_1918 = tpu.matmul %get3A_1911, %get3A_1916, %dot_general3A_1917 {dimension_numbers = #tpu.dot_dimension_numbers<[1], [0], [0], [1], [0, 0, 1, 1], [], []>, transpose_lhs_hint = false} : vector<1024x384xbf16>, vector<384x128xbf16>, vector<1024x128xf32> -> vector<1024x128xf32>
    %add3A_1919 = arith.addf %dot_general3A_1908, %dot_general3A_1918 : vector<1024x128xf32>
    %get3A_1920 = arith.constant 8448 : index
    %get3A_1921 = arith.constant 0 : index
    %get3A_1922 = vector.load %arg17[%get3A_1920, %get3A_1921] : memref<16640x384xbf16, #tpu.memory_space<vmem>>, vector<1024x384xbf16>
    %get3A_1923 = arith.constant 2 : index
    %get3A_1924 = arith.constant 0 : index
    %get3A_1925 = arith.constant 0 : index
    %get3A_1926 = vector.load %arg4[%get3A_1923, %get3A_1924, %get3A_1925] : memref<3x384x128xbf16, #tpu.memory_space<vmem>>, vector<1x384x128xbf16>
    %get3A_1927 = vector.shape_cast %get3A_1926 : vector<1x384x128xbf16> to vector<384x128xbf16>
    %dot_general3A_1928 = arith.constant dense<0.000000e+00> : vector<1024x128xf32>
    %dot_general3A_1929 = tpu.matmul %get3A_1922, %get3A_1927, %dot_general3A_1928 {dimension_numbers = #tpu.dot_dimension_numbers<[1], [0], [0], [1], [0, 0, 1, 1], [], []>, transpose_lhs_hint = false} : vector<1024x384xbf16>, vector<384x128xbf16>, vector<1024x128xf32> -> vector<1024x128xf32>
    %add3A_1930 = arith.addf %add3A_1919, %dot_general3A_1929 : vector<1024x128xf32>
    %get3A_1931 = arith.constant 0 : index
    %get3A_1932 = arith.constant 0 : index
    %get3A_1933 = vector.load %arg5[%get3A_1931, %get3A_1932] : memref<1x128xf32, #tpu.memory_space<vmem>>, vector<1x128xf32>
    %add3A_1934 = vector.broadcast %get3A_1933 : vector<1x128xf32> to vector<1024x128xf32>
    %add3A_1935 = arith.addf %add3A_1930, %add3A_1934 : vector<1024x128xf32>
    %max3A_1936 = arith.constant 0.000000e+00 : f32
    %max3A_1937 = vector.broadcast %max3A_1936 : f32 to vector<1024x128xf32>
    %max3A_1938 = arith.maximumf %add3A_1935, %max3A_1937 : vector<1024x128xf32>
    %convert_element_type3A_1939 = arith.truncf %max3A_1938 : vector<1024x128xf32> to vector<1024x128xbf16>
    %get3A_1940 = arith.constant 0 : index
    %get3A_1941 = arith.constant 0 : index
    %get3A_1942 = vector.load %arg6[%get3A_1940, %get3A_1941] : memref<128x80xbf16, #tpu.memory_space<vmem>>, vector<128x80xbf16>
    %dot_general3A_1943 = arith.constant dense<0.000000e+00> : vector<1024x80xf32>
    %dot_general3A_1944 = tpu.matmul %convert_element_type3A_1939, %get3A_1942, %dot_general3A_1943 {dimension_numbers = #tpu.dot_dimension_numbers<[1], [0], [0], [1], [0, 0, 1, 1], [], []>, transpose_lhs_hint = false} : vector<1024x128xbf16>, vector<128x80xbf16>, vector<1024x80xf32> -> vector<1024x80xf32>
    %get3A_1945 = arith.constant 0 : index
    %get3A_1946 = arith.constant 0 : index
    %get3A_1947 = vector.load %arg7[%get3A_1945, %get3A_1946] : memref<1x80xf32, #tpu.memory_space<vmem>>, vector<1x80xf32>
    %add3A_1948 = vector.broadcast %get3A_1947 : vector<1x80xf32> to vector<1024x80xf32>
    %add3A_1949 = arith.addf %dot_general3A_1944, %add3A_1948 : vector<1024x80xf32>
    %transpose3A_1950 = tpu.transpose %add3A_1949, [1, 0] : vector<1024x80xf32> -> vector<80x1024xf32>
    %swap3A_1951 = arith.constant 0 : index
    %swap3A_1952 = arith.constant 0 : index
    %swap3A_1953 = arith.constant 8192 : index
    %swap3A_1954 = vector.load %arg12[%swap3A_1951, %swap3A_1952, %swap3A_1953] : memref<1x80x16384xf32, #tpu.memory_space<vmem>>, vector<1x80x1024xf32>
    %swap3A_1955 = vector.shape_cast %swap3A_1954 : vector<1x80x1024xf32> to vector<80x1024xf32>
    %swap3A_1956 = vector.shape_cast %transpose3A_1950 : vector<80x1024xf32> to vector<1x80x1024xf32>
    tpu.vector_store %arg12[%swap3A_1951, %swap3A_1952, %swap3A_1953], %swap3A_1956 {strides = array<i32>} : memref<1x80x16384xf32, #tpu.memory_space<vmem>>, vector<1x80x1024xf32>,
    %get3A_1957 = arith.constant 8192 : index
    %get3A_1958 = arith.constant 0 : index
    %get3A_1959 = vector.load %arg15[%get3A_1957, %get3A_1958] : memref<16640x64xbf16, #tpu.memory_space<vmem>>, vector<1024x64xbf16>
    %get3A_1960 = arith.constant 8320 : index
    %get3A_1961 = arith.constant 0 : index
    %get3A_1962 = vector.load %arg15[%get3A_1960, %get3A_1961] : memref<16640x64xbf16, #tpu.memory_space<vmem>>, vector<1024x64xbf16>
    %get3A_1963 = arith.constant 8448 : index
    %get3A_1964 = arith.constant 0 : index
    %get3A_1965 = vector.load %arg15[%get3A_1963, %get3A_1964] : memref<16640x64xbf16, #tpu.memory_space<vmem>>, vector<1024x64xbf16>
    %get3A_1966 = arith.constant 8192 : index
    %get3A_1967 = arith.constant 0 : index
    %get3A_1968 = vector.load %arg18[%get3A_1966, %get3A_1967] : memref<16640x64xbf16, #tpu.memory_space<vmem>>, vector<1024x64xbf16>
    %get3A_1969 = arith.constant 8320 : index
    %get3A_1970 = arith.constant 0 : index
    %get3A_1971 = vector.load %arg18[%get3A_1969, %get3A_1970] : memref<16640x64xbf16, #tpu.memory_space<vmem>>, vector<1024x64xbf16>
    %get3A_1972 = arith.constant 8448 : index
    %get3A_1973 = arith.constant 0 : index
    %get3A_1974 = vector.load %arg18[%get3A_1972, %get3A_1973] : memref<16640x64xbf16, #tpu.memory_space<vmem>>, vector<1024x64xbf16>
    %get3A_1975 = arith.constant 8192 : index
    %get3A_1976 = arith.constant 0 : index
    %get3A_1977 = vector.load %arg16[%get3A_1975, %get3A_1976] : memref<16640x64xbf16, #tpu.memory_space<vmem>>, vector<1024x64xbf16>
    %get3A_1978 = arith.constant 8320 : index
    %get3A_1979 = arith.constant 0 : index
    %get3A_1980 = vector.load %arg16[%get3A_1978, %get3A_1979] : memref<16640x64xbf16, #tpu.memory_space<vmem>>, vector<1024x64xbf16>
    %get3A_1981 = arith.constant 8448 : index
    %get3A_1982 = arith.constant 0 : index
    %get3A_1983 = vector.load %arg16[%get3A_1981, %get3A_1982] : memref<16640x64xbf16, #tpu.memory_space<vmem>>, vector<1024x64xbf16>
    %concatenate3A_1984 = tpu.concatenate %get3A_1959, %get3A_1962, %get3A_1965, %get3A_1968, %get3A_1971, %get3A_1974, %get3A_1977, %get3A_1980, %get3A_1983 in 1 : vector<1024x64xbf16>, vector<1024x64xbf16>, vector<1024x64xbf16>, vector<1024x64xbf16>, vector<1024x64xbf16>, vector<1024x64xbf16>, vector<1024x64xbf16>, vector<1024x64xbf16>, vector<1024x64xbf16> -> vector<1024x576xbf16>
    %get3A_1985 = arith.constant 0 : index
    %get3A_1986 = arith.constant 0 : index
    %get3A_1987 = vector.load %arg8[%get3A_1985, %get3A_1986] : memref<576x64xbf16, #tpu.memory_space<vmem>>, vector<576x64xbf16>
    %dot_general3A_1988 = arith.constant dense<0.000000e+00> : vector<1024x64xf32>
    %dot_general3A_1989 = tpu.matmul %concatenate3A_1984, %get3A_1987, %dot_general3A_1988 {dimension_numbers = #tpu.dot_dimension_numbers<[1], [0], [0], [1], [0, 0, 1, 1], [], []>, transpose_lhs_hint = false} : vector<1024x576xbf16>, vector<576x64xbf16>, vector<1024x64xf32> -> vector<1024x64xf32>
    %get3A_1990 = arith.constant 0 : index
    %get3A_1991 = arith.constant 0 : index
    %get3A_1992 = vector.load %arg9[%get3A_1990, %get3A_1991] : memref<1x64xf32, #tpu.memory_space<vmem>>, vector<1x64xf32>
    %add3A_1993 = vector.broadcast %get3A_1992 : vector<1x64xf32> to vector<1024x64xf32>
    %add3A_1994 = arith.addf %dot_general3A_1989, %add3A_1993 : vector<1024x64xf32>
    %max3A_1995 = arith.constant 0.000000e+00 : f32
    %max3A_1996 = vector.broadcast %max3A_1995 : f32 to vector<1024x64xf32>
    %max3A_1997 = arith.maximumf %add3A_1994, %max3A_1996 : vector<1024x64xf32>
    %convert_element_type3A_1998 = arith.truncf %max3A_1997 : vector<1024x64xf32> to vector<1024x64xbf16>
    %get3A_1999 = arith.constant 0 : index
    %get3A_2000 = arith.constant 0 : index
    %get3A_2001 = vector.load %arg10[%get3A_1999, %get3A_2000] : memref<64x8xbf16, #tpu.memory_space<vmem>>, vector<64x8xbf16>
    %dot_general3A_2002 = arith.constant dense<0.000000e+00> : vector<1024x8xf32>
    %dot_general3A_2003 = tpu.matmul %convert_element_type3A_1998, %get3A_2001, %dot_general3A_2002 {dimension_numbers = #tpu.dot_dimension_numbers<[1], [0], [0], [1], [0, 0, 1, 1], [], []>, transpose_lhs_hint = false} : vector<1024x64xbf16>, vector<64x8xbf16>, vector<1024x8xf32> -> vector<1024x8xf32>
    %get3A_2004 = arith.constant 0 : index
    %get3A_2005 = arith.constant 0 : index
    %get3A_2006 = vector.load %arg11[%get3A_2004, %get3A_2005] : memref<1x8xf32, #tpu.memory_space<vmem>>, vector<1x8xf32>
    %add3A_2007 = vector.broadcast %get3A_2006 : vector<1x8xf32> to vector<1024x8xf32>
    %add3A_2008 = arith.addf %dot_general3A_2003, %add3A_2007 : vector<1024x8xf32>
    %max3A_2009 = arith.constant 0.000000e+00 : f32
    %max3A_2010 = vector.broadcast %max3A_2009 : f32 to vector<1024x8xf32>
    %max3A_2011 = arith.maximumf %add3A_2008, %max3A_2010 : vector<1024x8xf32>
    %mul3A_2012 = arith.constant 1.600000e+01 : f32
    %mul3A_2013 = vector.broadcast %mul3A_2012 : f32 to vector<1024x8xf32>
    %mul3A_2014 = arith.mulf %max3A_2011, %mul3A_2013 : vector<1024x8xf32>
    %transpose3A_2015 = tpu.transpose %mul3A_2014, [1, 0] : vector<1024x8xf32> -> vector<8x1024xf32>
    %slice3A_2016 = vector.extract_strided_slice %transpose3A_2015 {offsets = [0, 0], sizes = [4, 1024], strides = [1, 1]} : vector<8x1024xf32> to vector<4x1024xf32>
    %swap3A_2017 = arith.constant 0 : index
    %swap3A_2018 = arith.constant 0 : index
    %swap3A_2019 = arith.constant 8192 : index
    %swap3A_2020 = vector.load %arg13[%swap3A_2017, %swap3A_2018, %swap3A_2019] : memref<1x4x16384xf32, #tpu.memory_space<vmem>>, vector<1x4x1024xf32>
    %swap3A_2021 = vector.shape_cast %swap3A_2020 : vector<1x4x1024xf32> to vector<4x1024xf32>
    %swap3A_2022 = vector.shape_cast %slice3A_2016 : vector<4x1024xf32> to vector<1x4x1024xf32>
    tpu.vector_store %arg13[%swap3A_2017, %swap3A_2018, %swap3A_2019], %swap3A_2022 {strides = array<i32>} : memref<1x4x16384xf32, #tpu.memory_space<vmem>>, vector<1x4x1024xf32>,
    %get3A_2023 = arith.constant 9216 : index
    %get3A_2024 = arith.constant 0 : index
    %get3A_2025 = vector.load %arg17[%get3A_2023, %get3A_2024] : memref<16640x384xbf16, #tpu.memory_space<vmem>>, vector<1024x384xbf16>
    %get3A_2026 = arith.constant 0 : index
    %get3A_2027 = arith.constant 0 : index
    %get3A_2028 = arith.constant 0 : index
    %get3A_2029 = vector.load %arg4[%get3A_2026, %get3A_2027, %get3A_2028] : memref<3x384x128xbf16, #tpu.memory_space<vmem>>, vector<1x384x128xbf16>
    %get3A_2030 = vector.shape_cast %get3A_2029 : vector<1x384x128xbf16> to vector<384x128xbf16>
    %dot_general3A_2031 = arith.constant dense<0.000000e+00> : vector<1024x128xf32>
    %dot_general3A_2032 = tpu.matmul %get3A_2025, %get3A_2030, %dot_general3A_2031 {dimension_numbers = #tpu.dot_dimension_numbers<[1], [0], [0], [1], [0, 0, 1, 1], [], []>, transpose_lhs_hint = false} : vector<1024x384xbf16>, vector<384x128xbf16>, vector<1024x128xf32> -> vector<1024x128xf32>
    %get3A_2033 = arith.constant 9344 : index
    %get3A_2034 = arith.constant 0 : index
    %get3A_2035 = vector.load %arg17[%get3A_2033, %get3A_2034] : memref<16640x384xbf16, #tpu.memory_space<vmem>>, vector<1024x384xbf16>
    %get3A_2036 = arith.constant 1 : index
    %get3A_2037 = arith.constant 0 : index
    %get3A_2038 = arith.constant 0 : index
    %get3A_2039 = vector.load %arg4[%get3A_2036, %get3A_2037, %get3A_2038] : memref<3x384x128xbf16, #tpu.memory_space<vmem>>, vector<1x384x128xbf16>
    %get3A_2040 = vector.shape_cast %get3A_2039 : vector<1x384x128xbf16> to vector<384x128xbf16>
    %dot_general3A_2041 = arith.constant dense<0.000000e+00> : vector<1024x128xf32>
    %dot_general3A_2042 = tpu.matmul %get3A_2035, %get3A_2040, %dot_general3A_2041 {dimension_numbers = #tpu.dot_dimension_numbers<[1], [0], [0], [1], [0, 0, 1, 1], [], []>, transpose_lhs_hint = false} : vector<1024x384xbf16>, vector<384x128xbf16>, vector<1024x128xf32> -> vector<1024x128xf32>
    %add3A_2043 = arith.addf %dot_general3A_2032, %dot_general3A_2042 : vector<1024x128xf32>
    %get3A_2044 = arith.constant 9472 : index
    %get3A_2045 = arith.constant 0 : index
    %get3A_2046 = vector.load %arg17[%get3A_2044, %get3A_2045] : memref<16640x384xbf16, #tpu.memory_space<vmem>>, vector<1024x384xbf16>
    %get3A_2047 = arith.constant 2 : index
    %get3A_2048 = arith.constant 0 : index
    %get3A_2049 = arith.constant 0 : index
    %get3A_2050 = vector.load %arg4[%get3A_2047, %get3A_2048, %get3A_2049] : memref<3x384x128xbf16, #tpu.memory_space<vmem>>, vector<1x384x128xbf16>
    %get3A_2051 = vector.shape_cast %get3A_2050 : vector<1x384x128xbf16> to vector<384x128xbf16>
    %dot_general3A_2052 = arith.constant dense<0.000000e+00> : vector<1024x128xf32>
    %dot_general3A_2053 = tpu.matmul %get3A_2046, %get3A_2051, %dot_general3A_2052 {dimension_numbers = #tpu.dot_dimension_numbers<[1], [0], [0], [1], [0, 0, 1, 1], [], []>, transpose_lhs_hint = false} : vector<1024x384xbf16>, vector<384x128xbf16>, vector<1024x128xf32> -> vector<1024x128xf32>
    %add3A_2054 = arith.addf %add3A_2043, %dot_general3A_2053 : vector<1024x128xf32>
    %get3A_2055 = arith.constant 0 : index
    %get3A_2056 = arith.constant 0 : index
    %get3A_2057 = vector.load %arg5[%get3A_2055, %get3A_2056] : memref<1x128xf32, #tpu.memory_space<vmem>>, vector<1x128xf32>
    %add3A_2058 = vector.broadcast %get3A_2057 : vector<1x128xf32> to vector<1024x128xf32>
    %add3A_2059 = arith.addf %add3A_2054, %add3A_2058 : vector<1024x128xf32>
    %max3A_2060 = arith.constant 0.000000e+00 : f32
    %max3A_2061 = vector.broadcast %max3A_2060 : f32 to vector<1024x128xf32>
    %max3A_2062 = arith.maximumf %add3A_2059, %max3A_2061 : vector<1024x128xf32>
    %convert_element_type3A_2063 = arith.truncf %max3A_2062 : vector<1024x128xf32> to vector<1024x128xbf16>
    %get3A_2064 = arith.constant 0 : index
    %get3A_2065 = arith.constant 0 : index
    %get3A_2066 = vector.load %arg6[%get3A_2064, %get3A_2065] : memref<128x80xbf16, #tpu.memory_space<vmem>>, vector<128x80xbf16>
    %dot_general3A_2067 = arith.constant dense<0.000000e+00> : vector<1024x80xf32>
    %dot_general3A_2068 = tpu.matmul %convert_element_type3A_2063, %get3A_2066, %dot_general3A_2067 {dimension_numbers = #tpu.dot_dimension_numbers<[1], [0], [0], [1], [0, 0, 1, 1], [], []>, transpose_lhs_hint = false} : vector<1024x128xbf16>, vector<128x80xbf16>, vector<1024x80xf32> -> vector<1024x80xf32>
    %get3A_2069 = arith.constant 0 : index
    %get3A_2070 = arith.constant 0 : index
    %get3A_2071 = vector.load %arg7[%get3A_2069, %get3A_2070] : memref<1x80xf32, #tpu.memory_space<vmem>>, vector<1x80xf32>
    %add3A_2072 = vector.broadcast %get3A_2071 : vector<1x80xf32> to vector<1024x80xf32>
    %add3A_2073 = arith.addf %dot_general3A_2068, %add3A_2072 : vector<1024x80xf32>
    %transpose3A_2074 = tpu.transpose %add3A_2073, [1, 0] : vector<1024x80xf32> -> vector<80x1024xf32>
    %swap3A_2075 = arith.constant 0 : index
    %swap3A_2076 = arith.constant 0 : index
    %swap3A_2077 = arith.constant 9216 : index
    %swap3A_2078 = vector.load %arg12[%swap3A_2075, %swap3A_2076, %swap3A_2077] : memref<1x80x16384xf32, #tpu.memory_space<vmem>>, vector<1x80x1024xf32>
    %swap3A_2079 = vector.shape_cast %swap3A_2078 : vector<1x80x1024xf32> to vector<80x1024xf32>
    %swap3A_2080 = vector.shape_cast %transpose3A_2074 : vector<80x1024xf32> to vector<1x80x1024xf32>
    tpu.vector_store %arg12[%swap3A_2075, %swap3A_2076, %swap3A_2077], %swap3A_2080 {strides = array<i32>} : memref<1x80x16384xf32, #tpu.memory_space<vmem>>, vector<1x80x1024xf32>,
    %get3A_2081 = arith.constant 9216 : index
    %get3A_2082 = arith.constant 0 : index
    %get3A_2083 = vector.load %arg15[%get3A_2081, %get3A_2082] : memref<16640x64xbf16, #tpu.memory_space<vmem>>, vector<1024x64xbf16>
    %get3A_2084 = arith.constant 9344 : index
    %get3A_2085 = arith.constant 0 : index
    %get3A_2086 = vector.load %arg15[%get3A_2084, %get3A_2085] : memref<16640x64xbf16, #tpu.memory_space<vmem>>, vector<1024x64xbf16>
    %get3A_2087 = arith.constant 9472 : index
    %get3A_2088 = arith.constant 0 : index
    %get3A_2089 = vector.load %arg15[%get3A_2087, %get3A_2088] : memref<16640x64xbf16, #tpu.memory_space<vmem>>, vector<1024x64xbf16>
    %get3A_2090 = arith.constant 9216 : index
    %get3A_2091 = arith.constant 0 : index
    %get3A_2092 = vector.load %arg18[%get3A_2090, %get3A_2091] : memref<16640x64xbf16, #tpu.memory_space<vmem>>, vector<1024x64xbf16>
    %get3A_2093 = arith.constant 9344 : index
    %get3A_2094 = arith.constant 0 : index
    %get3A_2095 = vector.load %arg18[%get3A_2093, %get3A_2094] : memref<16640x64xbf16, #tpu.memory_space<vmem>>, vector<1024x64xbf16>
    %get3A_2096 = arith.constant 9472 : index
    %get3A_2097 = arith.constant 0 : index
    %get3A_2098 = vector.load %arg18[%get3A_2096, %get3A_2097] : memref<16640x64xbf16, #tpu.memory_space<vmem>>, vector<1024x64xbf16>
    %get3A_2099 = arith.constant 9216 : index
    %get3A_2100 = arith.constant 0 : index
    %get3A_2101 = vector.load %arg16[%get3A_2099, %get3A_2100] : memref<16640x64xbf16, #tpu.memory_space<vmem>>, vector<1024x64xbf16>
    %get3A_2102 = arith.constant 9344 : index
    %get3A_2103 = arith.constant 0 : index
    %get3A_2104 = vector.load %arg16[%get3A_2102, %get3A_2103] : memref<16640x64xbf16, #tpu.memory_space<vmem>>, vector<1024x64xbf16>
    %get3A_2105 = arith.constant 9472 : index
    %get3A_2106 = arith.constant 0 : index
    %get3A_2107 = vector.load %arg16[%get3A_2105, %get3A_2106] : memref<16640x64xbf16, #tpu.memory_space<vmem>>, vector<1024x64xbf16>
    %concatenate3A_2108 = tpu.concatenate %get3A_2083, %get3A_2086, %get3A_2089, %get3A_2092, %get3A_2095, %get3A_2098, %get3A_2101, %get3A_2104, %get3A_2107 in 1 : vector<1024x64xbf16>, vector<1024x64xbf16>, vector<1024x64xbf16>, vector<1024x64xbf16>, vector<1024x64xbf16>, vector<1024x64xbf16>, vector<1024x64xbf16>, vector<1024x64xbf16>, vector<1024x64xbf16> -> vector<1024x576xbf16>
    %get3A_2109 = arith.constant 0 : index
    %get3A_2110 = arith.constant 0 : index
    %get3A_2111 = vector.load %arg8[%get3A_2109, %get3A_2110] : memref<576x64xbf16, #tpu.memory_space<vmem>>, vector<576x64xbf16>
    %dot_general3A_2112 = arith.constant dense<0.000000e+00> : vector<1024x64xf32>
    %dot_general3A_2113 = tpu.matmul %concatenate3A_2108, %get3A_2111, %dot_general3A_2112 {dimension_numbers = #tpu.dot_dimension_numbers<[1], [0], [0], [1], [0, 0, 1, 1], [], []>, transpose_lhs_hint = false} : vector<1024x576xbf16>, vector<576x64xbf16>, vector<1024x64xf32> -> vector<1024x64xf32>
    %get3A_2114 = arith.constant 0 : index
    %get3A_2115 = arith.constant 0 : index
    %get3A_2116 = vector.load %arg9[%get3A_2114, %get3A_2115] : memref<1x64xf32, #tpu.memory_space<vmem>>, vector<1x64xf32>
    %add3A_2117 = vector.broadcast %get3A_2116 : vector<1x64xf32> to vector<1024x64xf32>
    %add3A_2118 = arith.addf %dot_general3A_2113, %add3A_2117 : vector<1024x64xf32>
    %max3A_2119 = arith.constant 0.000000e+00 : f32
    %max3A_2120 = vector.broadcast %max3A_2119 : f32 to vector<1024x64xf32>
    %max3A_2121 = arith.maximumf %add3A_2118, %max3A_2120 : vector<1024x64xf32>
    %convert_element_type3A_2122 = arith.truncf %max3A_2121 : vector<1024x64xf32> to vector<1024x64xbf16>
    %get3A_2123 = arith.constant 0 : index
    %get3A_2124 = arith.constant 0 : index
    %get3A_2125 = vector.load %arg10[%get3A_2123, %get3A_2124] : memref<64x8xbf16, #tpu.memory_space<vmem>>, vector<64x8xbf16>
    %dot_general3A_2126 = arith.constant dense<0.000000e+00> : vector<1024x8xf32>
    %dot_general3A_2127 = tpu.matmul %convert_element_type3A_2122, %get3A_2125, %dot_general3A_2126 {dimension_numbers = #tpu.dot_dimension_numbers<[1], [0], [0], [1], [0, 0, 1, 1], [], []>, transpose_lhs_hint = false} : vector<1024x64xbf16>, vector<64x8xbf16>, vector<1024x8xf32> -> vector<1024x8xf32>
    %get3A_2128 = arith.constant 0 : index
    %get3A_2129 = arith.constant 0 : index
    %get3A_2130 = vector.load %arg11[%get3A_2128, %get3A_2129] : memref<1x8xf32, #tpu.memory_space<vmem>>, vector<1x8xf32>
    %add3A_2131 = vector.broadcast %get3A_2130 : vector<1x8xf32> to vector<1024x8xf32>
    %add3A_2132 = arith.addf %dot_general3A_2127, %add3A_2131 : vector<1024x8xf32>
    %max3A_2133 = arith.constant 0.000000e+00 : f32
    %max3A_2134 = vector.broadcast %max3A_2133 : f32 to vector<1024x8xf32>
    %max3A_2135 = arith.maximumf %add3A_2132, %max3A_2134 : vector<1024x8xf32>
    %mul3A_2136 = arith.constant 1.600000e+01 : f32
    %mul3A_2137 = vector.broadcast %mul3A_2136 : f32 to vector<1024x8xf32>
    %mul3A_2138 = arith.mulf %max3A_2135, %mul3A_2137 : vector<1024x8xf32>
    %transpose3A_2139 = tpu.transpose %mul3A_2138, [1, 0] : vector<1024x8xf32> -> vector<8x1024xf32>
    %slice3A_2140 = vector.extract_strided_slice %transpose3A_2139 {offsets = [0, 0], sizes = [4, 1024], strides = [1, 1]} : vector<8x1024xf32> to vector<4x1024xf32>
    %swap3A_2141 = arith.constant 0 : index
    %swap3A_2142 = arith.constant 0 : index
    %swap3A_2143 = arith.constant 9216 : index
    %swap3A_2144 = vector.load %arg13[%swap3A_2141, %swap3A_2142, %swap3A_2143] : memref<1x4x16384xf32, #tpu.memory_space<vmem>>, vector<1x4x1024xf32>
    %swap3A_2145 = vector.shape_cast %swap3A_2144 : vector<1x4x1024xf32> to vector<4x1024xf32>
    %swap3A_2146 = vector.shape_cast %slice3A_2140 : vector<4x1024xf32> to vector<1x4x1024xf32>
    tpu.vector_store %arg13[%swap3A_2141, %swap3A_2142, %swap3A_2143], %swap3A_2146 {strides = array<i32>} : memref<1x4x16384xf32, #tpu.memory_space<vmem>>, vector<1x4x1024xf32>,
    %get3A_2147 = arith.constant 10240 : index
    %get3A_2148 = arith.constant 0 : index
    %get3A_2149 = vector.load %arg17[%get3A_2147, %get3A_2148] : memref<16640x384xbf16, #tpu.memory_space<vmem>>, vector<1024x384xbf16>
    %get3A_2150 = arith.constant 0 : index
    %get3A_2151 = arith.constant 0 : index
    %get3A_2152 = arith.constant 0 : index
    %get3A_2153 = vector.load %arg4[%get3A_2150, %get3A_2151, %get3A_2152] : memref<3x384x128xbf16, #tpu.memory_space<vmem>>, vector<1x384x128xbf16>
    %get3A_2154 = vector.shape_cast %get3A_2153 : vector<1x384x128xbf16> to vector<384x128xbf16>
    %dot_general3A_2155 = arith.constant dense<0.000000e+00> : vector<1024x128xf32>
    %dot_general3A_2156 = tpu.matmul %get3A_2149, %get3A_2154, %dot_general3A_2155 {dimension_numbers = #tpu.dot_dimension_numbers<[1], [0], [0], [1], [0, 0, 1, 1], [], []>, transpose_lhs_hint = false} : vector<1024x384xbf16>, vector<384x128xbf16>, vector<1024x128xf32> -> vector<1024x128xf32>
    %get3A_2157 = arith.constant 10368 : index
    %get3A_2158 = arith.constant 0 : index
    %get3A_2159 = vector.load %arg17[%get3A_2157, %get3A_2158] : memref<16640x384xbf16, #tpu.memory_space<vmem>>, vector<1024x384xbf16>
    %get3A_2160 = arith.constant 1 : index
    %get3A_2161 = arith.constant 0 : index
    %get3A_2162 = arith.constant 0 : index
    %get3A_2163 = vector.load %arg4[%get3A_2160, %get3A_2161, %get3A_2162] : memref<3x384x128xbf16, #tpu.memory_space<vmem>>, vector<1x384x128xbf16>
    %get3A_2164 = vector.shape_cast %get3A_2163 : vector<1x384x128xbf16> to vector<384x128xbf16>
    %dot_general3A_2165 = arith.constant dense<0.000000e+00> : vector<1024x128xf32>
    %dot_general3A_2166 = tpu.matmul %get3A_2159, %get3A_2164, %dot_general3A_2165 {dimension_numbers = #tpu.dot_dimension_numbers<[1], [0], [0], [1], [0, 0, 1, 1], [], []>, transpose_lhs_hint = false} : vector<1024x384xbf16>, vector<384x128xbf16>, vector<1024x128xf32> -> vector<1024x128xf32>
    %add3A_2167 = arith.addf %dot_general3A_2156, %dot_general3A_2166 : vector<1024x128xf32>
    %get3A_2168 = arith.constant 10496 : index
    %get3A_2169 = arith.constant 0 : index
    %get3A_2170 = vector.load %arg17[%get3A_2168, %get3A_2169] : memref<16640x384xbf16, #tpu.memory_space<vmem>>, vector<1024x384xbf16>
    %get3A_2171 = arith.constant 2 : index
    %get3A_2172 = arith.constant 0 : index
    %get3A_2173 = arith.constant 0 : index
    %get3A_2174 = vector.load %arg4[%get3A_2171, %get3A_2172, %get3A_2173] : memref<3x384x128xbf16, #tpu.memory_space<vmem>>, vector<1x384x128xbf16>
    %get3A_2175 = vector.shape_cast %get3A_2174 : vector<1x384x128xbf16> to vector<384x128xbf16>
    %dot_general3A_2176 = arith.constant dense<0.000000e+00> : vector<1024x128xf32>
    %dot_general3A_2177 = tpu.matmul %get3A_2170, %get3A_2175, %dot_general3A_2176 {dimension_numbers = #tpu.dot_dimension_numbers<[1], [0], [0], [1], [0, 0, 1, 1], [], []>, transpose_lhs_hint = false} : vector<1024x384xbf16>, vector<384x128xbf16>, vector<1024x128xf32> -> vector<1024x128xf32>
    %add3A_2178 = arith.addf %add3A_2167, %dot_general3A_2177 : vector<1024x128xf32>
    %get3A_2179 = arith.constant 0 : index
    %get3A_2180 = arith.constant 0 : index
    %get3A_2181 = vector.load %arg5[%get3A_2179, %get3A_2180] : memref<1x128xf32, #tpu.memory_space<vmem>>, vector<1x128xf32>
    %add3A_2182 = vector.broadcast %get3A_2181 : vector<1x128xf32> to vector<1024x128xf32>
    %add3A_2183 = arith.addf %add3A_2178, %add3A_2182 : vector<1024x128xf32>
    %max3A_2184 = arith.constant 0.000000e+00 : f32
    %max3A_2185 = vector.broadcast %max3A_2184 : f32 to vector<1024x128xf32>
    %max3A_2186 = arith.maximumf %add3A_2183, %max3A_2185 : vector<1024x128xf32>
    %convert_element_type3A_2187 = arith.truncf %max3A_2186 : vector<1024x128xf32> to vector<1024x128xbf16>
    %get3A_2188 = arith.constant 0 : index
    %get3A_2189 = arith.constant 0 : index
    %get3A_2190 = vector.load %arg6[%get3A_2188, %get3A_2189] : memref<128x80xbf16, #tpu.memory_space<vmem>>, vector<128x80xbf16>
    %dot_general3A_2191 = arith.constant dense<0.000000e+00> : vector<1024x80xf32>
    %dot_general3A_2192 = tpu.matmul %convert_element_type3A_2187, %get3A_2190, %dot_general3A_2191 {dimension_numbers = #tpu.dot_dimension_numbers<[1], [0], [0], [1], [0, 0, 1, 1], [], []>, transpose_lhs_hint = false} : vector<1024x128xbf16>, vector<128x80xbf16>, vector<1024x80xf32> -> vector<1024x80xf32>
    %get3A_2193 = arith.constant 0 : index
    %get3A_2194 = arith.constant 0 : index
    %get3A_2195 = vector.load %arg7[%get3A_2193, %get3A_2194] : memref<1x80xf32, #tpu.memory_space<vmem>>, vector<1x80xf32>
    %add3A_2196 = vector.broadcast %get3A_2195 : vector<1x80xf32> to vector<1024x80xf32>
    %add3A_2197 = arith.addf %dot_general3A_2192, %add3A_2196 : vector<1024x80xf32>
    %transpose3A_2198 = tpu.transpose %add3A_2197, [1, 0] : vector<1024x80xf32> -> vector<80x1024xf32>
    %swap3A_2199 = arith.constant 0 : index
    %swap3A_2200 = arith.constant 0 : index
    %swap3A_2201 = arith.constant 10240 : index
    %swap3A_2202 = vector.load %arg12[%swap3A_2199, %swap3A_2200, %swap3A_2201] : memref<1x80x16384xf32, #tpu.memory_space<vmem>>, vector<1x80x1024xf32>
    %swap3A_2203 = vector.shape_cast %swap3A_2202 : vector<1x80x1024xf32> to vector<80x1024xf32>
    %swap3A_2204 = vector.shape_cast %transpose3A_2198 : vector<80x1024xf32> to vector<1x80x1024xf32>
    tpu.vector_store %arg12[%swap3A_2199, %swap3A_2200, %swap3A_2201], %swap3A_2204 {strides = array<i32>} : memref<1x80x16384xf32, #tpu.memory_space<vmem>>, vector<1x80x1024xf32>,
    %get3A_2205 = arith.constant 10240 : index
    %get3A_2206 = arith.constant 0 : index
    %get3A_2207 = vector.load %arg15[%get3A_2205, %get3A_2206] : memref<16640x64xbf16, #tpu.memory_space<vmem>>, vector<1024x64xbf16>
    %get3A_2208 = arith.constant 10368 : index
    %get3A_2209 = arith.constant 0 : index
    %get3A_2210 = vector.load %arg15[%get3A_2208, %get3A_2209] : memref<16640x64xbf16, #tpu.memory_space<vmem>>, vector<1024x64xbf16>
    %get3A_2211 = arith.constant 10496 : index
    %get3A_2212 = arith.constant 0 : index
    %get3A_2213 = vector.load %arg15[%get3A_2211, %get3A_2212] : memref<16640x64xbf16, #tpu.memory_space<vmem>>, vector<1024x64xbf16>
    %get3A_2214 = arith.constant 10240 : index
    %get3A_2215 = arith.constant 0 : index
    %get3A_2216 = vector.load %arg18[%get3A_2214, %get3A_2215] : memref<16640x64xbf16, #tpu.memory_space<vmem>>, vector<1024x64xbf16>
    %get3A_2217 = arith.constant 10368 : index
    %get3A_2218 = arith.constant 0 : index
    %get3A_2219 = vector.load %arg18[%get3A_2217, %get3A_2218] : memref<16640x64xbf16, #tpu.memory_space<vmem>>, vector<1024x64xbf16>
    %get3A_2220 = arith.constant 10496 : index
    %get3A_2221 = arith.constant 0 : index
    %get3A_2222 = vector.load %arg18[%get3A_2220, %get3A_2221] : memref<16640x64xbf16, #tpu.memory_space<vmem>>, vector<1024x64xbf16>
    %get3A_2223 = arith.constant 10240 : index
    %get3A_2224 = arith.constant 0 : index
    %get3A_2225 = vector.load %arg16[%get3A_2223, %get3A_2224] : memref<16640x64xbf16, #tpu.memory_space<vmem>>, vector<1024x64xbf16>
    %get3A_2226 = arith.constant 10368 : index
    %get3A_2227 = arith.constant 0 : index
    %get3A_2228 = vector.load %arg16[%get3A_2226, %get3A_2227] : memref<16640x64xbf16, #tpu.memory_space<vmem>>, vector<1024x64xbf16>
    %get3A_2229 = arith.constant 10496 : index
    %get3A_2230 = arith.constant 0 : index
    %get3A_2231 = vector.load %arg16[%get3A_2229, %get3A_2230] : memref<16640x64xbf16, #tpu.memory_space<vmem>>, vector<1024x64xbf16>
    %concatenate3A_2232 = tpu.concatenate %get3A_2207, %get3A_2210, %get3A_2213, %get3A_2216, %get3A_2219, %get3A_2222, %get3A_2225, %get3A_2228, %get3A_2231 in 1 : vector<1024x64xbf16>, vector<1024x64xbf16>, vector<1024x64xbf16>, vector<1024x64xbf16>, vector<1024x64xbf16>, vector<1024x64xbf16>, vector<1024x64xbf16>, vector<1024x64xbf16>, vector<1024x64xbf16> -> vector<1024x576xbf16>
    %get3A_2233 = arith.constant 0 : index
    %get3A_2234 = arith.constant 0 : index
    %get3A_2235 = vector.load %arg8[%get3A_2233, %get3A_2234] : memref<576x64xbf16, #tpu.memory_space<vmem>>, vector<576x64xbf16>
    %dot_general3A_2236 = arith.constant dense<0.000000e+00> : vector<1024x64xf32>
    %dot_general3A_2237 = tpu.matmul %concatenate3A_2232, %get3A_2235, %dot_general3A_2236 {dimension_numbers = #tpu.dot_dimension_numbers<[1], [0], [0], [1], [0, 0, 1, 1], [], []>, transpose_lhs_hint = false} : vector<1024x576xbf16>, vector<576x64xbf16>, vector<1024x64xf32> -> vector<1024x64xf32>
    %get3A_2238 = arith.constant 0 : index
    %get3A_2239 = arith.constant 0 : index
    %get3A_2240 = vector.load %arg9[%get3A_2238, %get3A_2239] : memref<1x64xf32, #tpu.memory_space<vmem>>, vector<1x64xf32>
    %add3A_2241 = vector.broadcast %get3A_2240 : vector<1x64xf32> to vector<1024x64xf32>
    %add3A_2242 = arith.addf %dot_general3A_2237, %add3A_2241 : vector<1024x64xf32>
    %max3A_2243 = arith.constant 0.000000e+00 : f32
    %max3A_2244 = vector.broadcast %max3A_2243 : f32 to vector<1024x64xf32>
    %max3A_2245 = arith.maximumf %add3A_2242, %max3A_2244 : vector<1024x64xf32>
    %convert_element_type3A_2246 = arith.truncf %max3A_2245 : vector<1024x64xf32> to vector<1024x64xbf16>
    %get3A_2247 = arith.constant 0 : index
    %get3A_2248 = arith.constant 0 : index
    %get3A_2249 = vector.load %arg10[%get3A_2247, %get3A_2248] : memref<64x8xbf16, #tpu.memory_space<vmem>>, vector<64x8xbf16>
    %dot_general3A_2250 = arith.constant dense<0.000000e+00> : vector<1024x8xf32>
    %dot_general3A_2251 = tpu.matmul %convert_element_type3A_2246, %get3A_2249, %dot_general3A_2250 {dimension_numbers = #tpu.dot_dimension_numbers<[1], [0], [0], [1], [0, 0, 1, 1], [], []>, transpose_lhs_hint = false} : vector<1024x64xbf16>, vector<64x8xbf16>, vector<1024x8xf32> -> vector<1024x8xf32>
    %get3A_2252 = arith.constant 0 : index
    %get3A_2253 = arith.constant 0 : index
    %get3A_2254 = vector.load %arg11[%get3A_2252, %get3A_2253] : memref<1x8xf32, #tpu.memory_space<vmem>>, vector<1x8xf32>
    %add3A_2255 = vector.broadcast %get3A_2254 : vector<1x8xf32> to vector<1024x8xf32>
    %add3A_2256 = arith.addf %dot_general3A_2251, %add3A_2255 : vector<1024x8xf32>
    %max3A_2257 = arith.constant 0.000000e+00 : f32
    %max3A_2258 = vector.broadcast %max3A_2257 : f32 to vector<1024x8xf32>
    %max3A_2259 = arith.maximumf %add3A_2256, %max3A_2258 : vector<1024x8xf32>
    %mul3A_2260 = arith.constant 1.600000e+01 : f32
    %mul3A_2261 = vector.broadcast %mul3A_2260 : f32 to vector<1024x8xf32>
    %mul3A_2262 = arith.mulf %max3A_2259, %mul3A_2261 : vector<1024x8xf32>
    %transpose3A_2263 = tpu.transpose %mul3A_2262, [1, 0] : vector<1024x8xf32> -> vector<8x1024xf32>
    %slice3A_2264 = vector.extract_strided_slice %transpose3A_2263 {offsets = [0, 0], sizes = [4, 1024], strides = [1, 1]} : vector<8x1024xf32> to vector<4x1024xf32>
    %swap3A_2265 = arith.constant 0 : index
    %swap3A_2266 = arith.constant 0 : index
    %swap3A_2267 = arith.constant 10240 : index
    %swap3A_2268 = vector.load %arg13[%swap3A_2265, %swap3A_2266, %swap3A_2267] : memref<1x4x16384xf32, #tpu.memory_space<vmem>>, vector<1x4x1024xf32>
    %swap3A_2269 = vector.shape_cast %swap3A_2268 : vector<1x4x1024xf32> to vector<4x1024xf32>
    %swap3A_2270 = vector.shape_cast %slice3A_2264 : vector<4x1024xf32> to vector<1x4x1024xf32>
    tpu.vector_store %arg13[%swap3A_2265, %swap3A_2266, %swap3A_2267], %swap3A_2270 {strides = array<i32>} : memref<1x4x16384xf32, #tpu.memory_space<vmem>>, vector<1x4x1024xf32>,
    %get3A_2271 = arith.constant 11264 : index
    %get3A_2272 = arith.constant 0 : index
    %get3A_2273 = vector.load %arg17[%get3A_2271, %get3A_2272] : memref<16640x384xbf16, #tpu.memory_space<vmem>>, vector<1024x384xbf16>
    %get3A_2274 = arith.constant 0 : index
    %get3A_2275 = arith.constant 0 : index
    %get3A_2276 = arith.constant 0 : index
    %get3A_2277 = vector.load %arg4[%get3A_2274, %get3A_2275, %get3A_2276] : memref<3x384x128xbf16, #tpu.memory_space<vmem>>, vector<1x384x128xbf16>
    %get3A_2278 = vector.shape_cast %get3A_2277 : vector<1x384x128xbf16> to vector<384x128xbf16>
    %dot_general3A_2279 = arith.constant dense<0.000000e+00> : vector<1024x128xf32>
    %dot_general3A_2280 = tpu.matmul %get3A_2273, %get3A_2278, %dot_general3A_2279 {dimension_numbers = #tpu.dot_dimension_numbers<[1], [0], [0], [1], [0, 0, 1, 1], [], []>, transpose_lhs_hint = false} : vector<1024x384xbf16>, vector<384x128xbf16>, vector<1024x128xf32> -> vector<1024x128xf32>
    %get3A_2281 = arith.constant 11392 : index
    %get3A_2282 = arith.constant 0 : index
    %get3A_2283 = vector.load %arg17[%get3A_2281, %get3A_2282] : memref<16640x384xbf16, #tpu.memory_space<vmem>>, vector<1024x384xbf16>
    %get3A_2284 = arith.constant 1 : index
    %get3A_2285 = arith.constant 0 : index
    %get3A_2286 = arith.constant 0 : index
    %get3A_2287 = vector.load %arg4[%get3A_2284, %get3A_2285, %get3A_2286] : memref<3x384x128xbf16, #tpu.memory_space<vmem>>, vector<1x384x128xbf16>
    %get3A_2288 = vector.shape_cast %get3A_2287 : vector<1x384x128xbf16> to vector<384x128xbf16>
    %dot_general3A_2289 = arith.constant dense<0.000000e+00> : vector<1024x128xf32>
    %dot_general3A_2290 = tpu.matmul %get3A_2283, %get3A_2288, %dot_general3A_2289 {dimension_numbers = #tpu.dot_dimension_numbers<[1], [0], [0], [1], [0, 0, 1, 1], [], []>, transpose_lhs_hint = false} : vector<1024x384xbf16>, vector<384x128xbf16>, vector<1024x128xf32> -> vector<1024x128xf32>
    %add3A_2291 = arith.addf %dot_general3A_2280, %dot_general3A_2290 : vector<1024x128xf32>
    %get3A_2292 = arith.constant 11520 : index
    %get3A_2293 = arith.constant 0 : index
    %get3A_2294 = vector.load %arg17[%get3A_2292, %get3A_2293] : memref<16640x384xbf16, #tpu.memory_space<vmem>>, vector<1024x384xbf16>
    %get3A_2295 = arith.constant 2 : index
    %get3A_2296 = arith.constant 0 : index
    %get3A_2297 = arith.constant 0 : index
    %get3A_2298 = vector.load %arg4[%get3A_2295, %get3A_2296, %get3A_2297] : memref<3x384x128xbf16, #tpu.memory_space<vmem>>, vector<1x384x128xbf16>
    %get3A_2299 = vector.shape_cast %get3A_2298 : vector<1x384x128xbf16> to vector<384x128xbf16>
    %dot_general3A_2300 = arith.constant dense<0.000000e+00> : vector<1024x128xf32>
    %dot_general3A_2301 = tpu.matmul %get3A_2294, %get3A_2299, %dot_general3A_2300 {dimension_numbers = #tpu.dot_dimension_numbers<[1], [0], [0], [1], [0, 0, 1, 1], [], []>, transpose_lhs_hint = false} : vector<1024x384xbf16>, vector<384x128xbf16>, vector<1024x128xf32> -> vector<1024x128xf32>
    %add3A_2302 = arith.addf %add3A_2291, %dot_general3A_2301 : vector<1024x128xf32>
    %get3A_2303 = arith.constant 0 : index
    %get3A_2304 = arith.constant 0 : index
    %get3A_2305 = vector.load %arg5[%get3A_2303, %get3A_2304] : memref<1x128xf32, #tpu.memory_space<vmem>>, vector<1x128xf32>
    %add3A_2306 = vector.broadcast %get3A_2305 : vector<1x128xf32> to vector<1024x128xf32>
    %add3A_2307 = arith.addf %add3A_2302, %add3A_2306 : vector<1024x128xf32>
    %max3A_2308 = arith.constant 0.000000e+00 : f32
    %max3A_2309 = vector.broadcast %max3A_2308 : f32 to vector<1024x128xf32>
    %max3A_2310 = arith.maximumf %add3A_2307, %max3A_2309 : vector<1024x128xf32>
    %convert_element_type3A_2311 = arith.truncf %max3A_2310 : vector<1024x128xf32> to vector<1024x128xbf16>
    %get3A_2312 = arith.constant 0 : index
    %get3A_2313 = arith.constant 0 : index
    %get3A_2314 = vector.load %arg6[%get3A_2312, %get3A_2313] : memref<128x80xbf16, #tpu.memory_space<vmem>>, vector<128x80xbf16>
    %dot_general3A_2315 = arith.constant dense<0.000000e+00> : vector<1024x80xf32>
    %dot_general3A_2316 = tpu.matmul %convert_element_type3A_2311, %get3A_2314, %dot_general3A_2315 {dimension_numbers = #tpu.dot_dimension_numbers<[1], [0], [0], [1], [0, 0, 1, 1], [], []>, transpose_lhs_hint = false} : vector<1024x128xbf16>, vector<128x80xbf16>, vector<1024x80xf32> -> vector<1024x80xf32>
    %get3A_2317 = arith.constant 0 : index
    %get3A_2318 = arith.constant 0 : index
    %get3A_2319 = vector.load %arg7[%get3A_2317, %get3A_2318] : memref<1x80xf32, #tpu.memory_space<vmem>>, vector<1x80xf32>
    %add3A_2320 = vector.broadcast %get3A_2319 : vector<1x80xf32> to vector<1024x80xf32>
    %add3A_2321 = arith.addf %dot_general3A_2316, %add3A_2320 : vector<1024x80xf32>
    %transpose3A_2322 = tpu.transpose %add3A_2321, [1, 0] : vector<1024x80xf32> -> vector<80x1024xf32>
    %swap3A_2323 = arith.constant 0 : index
    %swap3A_2324 = arith.constant 0 : index
    %swap3A_2325 = arith.constant 11264 : index
    %swap3A_2326 = vector.load %arg12[%swap3A_2323, %swap3A_2324, %swap3A_2325] : memref<1x80x16384xf32, #tpu.memory_space<vmem>>, vector<1x80x1024xf32>
    %swap3A_2327 = vector.shape_cast %swap3A_2326 : vector<1x80x1024xf32> to vector<80x1024xf32>
    %swap3A_2328 = vector.shape_cast %transpose3A_2322 : vector<80x1024xf32> to vector<1x80x1024xf32>
    tpu.vector_store %arg12[%swap3A_2323, %swap3A_2324, %swap3A_2325], %swap3A_2328 {strides = array<i32>} : memref<1x80x16384xf32, #tpu.memory_space<vmem>>, vector<1x80x1024xf32>,
    %get3A_2329 = arith.constant 11264 : index
    %get3A_2330 = arith.constant 0 : index
    %get3A_2331 = vector.load %arg15[%get3A_2329, %get3A_2330] : memref<16640x64xbf16, #tpu.memory_space<vmem>>, vector<1024x64xbf16>
    %get3A_2332 = arith.constant 11392 : index
    %get3A_2333 = arith.constant 0 : index
    %get3A_2334 = vector.load %arg15[%get3A_2332, %get3A_2333] : memref<16640x64xbf16, #tpu.memory_space<vmem>>, vector<1024x64xbf16>
    %get3A_2335 = arith.constant 11520 : index
    %get3A_2336 = arith.constant 0 : index
    %get3A_2337 = vector.load %arg15[%get3A_2335, %get3A_2336] : memref<16640x64xbf16, #tpu.memory_space<vmem>>, vector<1024x64xbf16>
    %get3A_2338 = arith.constant 11264 : index
    %get3A_2339 = arith.constant 0 : index
    %get3A_2340 = vector.load %arg18[%get3A_2338, %get3A_2339] : memref<16640x64xbf16, #tpu.memory_space<vmem>>, vector<1024x64xbf16>
    %get3A_2341 = arith.constant 11392 : index
    %get3A_2342 = arith.constant 0 : index
    %get3A_2343 = vector.load %arg18[%get3A_2341, %get3A_2342] : memref<16640x64xbf16, #tpu.memory_space<vmem>>, vector<1024x64xbf16>
    %get3A_2344 = arith.constant 11520 : index
    %get3A_2345 = arith.constant 0 : index
    %get3A_2346 = vector.load %arg18[%get3A_2344, %get3A_2345] : memref<16640x64xbf16, #tpu.memory_space<vmem>>, vector<1024x64xbf16>
    %get3A_2347 = arith.constant 11264 : index
    %get3A_2348 = arith.constant 0 : index
    %get3A_2349 = vector.load %arg16[%get3A_2347, %get3A_2348] : memref<16640x64xbf16, #tpu.memory_space<vmem>>, vector<1024x64xbf16>
    %get3A_2350 = arith.constant 11392 : index
    %get3A_2351 = arith.constant 0 : index
    %get3A_2352 = vector.load %arg16[%get3A_2350, %get3A_2351] : memref<16640x64xbf16, #tpu.memory_space<vmem>>, vector<1024x64xbf16>
    %get3A_2353 = arith.constant 11520 : index
    %get3A_2354 = arith.constant 0 : index
    %get3A_2355 = vector.load %arg16[%get3A_2353, %get3A_2354] : memref<16640x64xbf16, #tpu.memory_space<vmem>>, vector<1024x64xbf16>
    %concatenate3A_2356 = tpu.concatenate %get3A_2331, %get3A_2334, %get3A_2337, %get3A_2340, %get3A_2343, %get3A_2346, %get3A_2349, %get3A_2352, %get3A_2355 in 1 : vector<1024x64xbf16>, vector<1024x64xbf16>, vector<1024x64xbf16>, vector<1024x64xbf16>, vector<1024x64xbf16>, vector<1024x64xbf16>, vector<1024x64xbf16>, vector<1024x64xbf16>, vector<1024x64xbf16> -> vector<1024x576xbf16>
    %get3A_2357 = arith.constant 0 : index
    %get3A_2358 = arith.constant 0 : index
    %get3A_2359 = vector.load %arg8[%get3A_2357, %get3A_2358] : memref<576x64xbf16, #tpu.memory_space<vmem>>, vector<576x64xbf16>
    %dot_general3A_2360 = arith.constant dense<0.000000e+00> : vector<1024x64xf32>
    %dot_general3A_2361 = tpu.matmul %concatenate3A_2356, %get3A_2359, %dot_general3A_2360 {dimension_numbers = #tpu.dot_dimension_numbers<[1], [0], [0], [1], [0, 0, 1, 1], [], []>, transpose_lhs_hint = false} : vector<1024x576xbf16>, vector<576x64xbf16>, vector<1024x64xf32> -> vector<1024x64xf32>
    %get3A_2362 = arith.constant 0 : index
    %get3A_2363 = arith.constant 0 : index
    %get3A_2364 = vector.load %arg9[%get3A_2362, %get3A_2363] : memref<1x64xf32, #tpu.memory_space<vmem>>, vector<1x64xf32>
    %add3A_2365 = vector.broadcast %get3A_2364 : vector<1x64xf32> to vector<1024x64xf32>
    %add3A_2366 = arith.addf %dot_general3A_2361, %add3A_2365 : vector<1024x64xf32>
    %max3A_2367 = arith.constant 0.000000e+00 : f32
    %max3A_2368 = vector.broadcast %max3A_2367 : f32 to vector<1024x64xf32>
    %max3A_2369 = arith.maximumf %add3A_2366, %max3A_2368 : vector<1024x64xf32>
    %convert_element_type3A_2370 = arith.truncf %max3A_2369 : vector<1024x64xf32> to vector<1024x64xbf16>
    %get3A_2371 = arith.constant 0 : index
    %get3A_2372 = arith.constant 0 : index
    %get3A_2373 = vector.load %arg10[%get3A_2371, %get3A_2372] : memref<64x8xbf16, #tpu.memory_space<vmem>>, vector<64x8xbf16>
    %dot_general3A_2374 = arith.constant dense<0.000000e+00> : vector<1024x8xf32>
    %dot_general3A_2375 = tpu.matmul %convert_element_type3A_2370, %get3A_2373, %dot_general3A_2374 {dimension_numbers = #tpu.dot_dimension_numbers<[1], [0], [0], [1], [0, 0, 1, 1], [], []>, transpose_lhs_hint = false} : vector<1024x64xbf16>, vector<64x8xbf16>, vector<1024x8xf32> -> vector<1024x8xf32>
    %get3A_2376 = arith.constant 0 : index
    %get3A_2377 = arith.constant 0 : index
    %get3A_2378 = vector.load %arg11[%get3A_2376, %get3A_2377] : memref<1x8xf32, #tpu.memory_space<vmem>>, vector<1x8xf32>
    %add3A_2379 = vector.broadcast %get3A_2378 : vector<1x8xf32> to vector<1024x8xf32>
    %add3A_2380 = arith.addf %dot_general3A_2375, %add3A_2379 : vector<1024x8xf32>
    %max3A_2381 = arith.constant 0.000000e+00 : f32
    %max3A_2382 = vector.broadcast %max3A_2381 : f32 to vector<1024x8xf32>
    %max3A_2383 = arith.maximumf %add3A_2380, %max3A_2382 : vector<1024x8xf32>
    %mul3A_2384 = arith.constant 1.600000e+01 : f32
    %mul3A_2385 = vector.broadcast %mul3A_2384 : f32 to vector<1024x8xf32>
    %mul3A_2386 = arith.mulf %max3A_2383, %mul3A_2385 : vector<1024x8xf32>
    %transpose3A_2387 = tpu.transpose %mul3A_2386, [1, 0] : vector<1024x8xf32> -> vector<8x1024xf32>
    %slice3A_2388 = vector.extract_strided_slice %transpose3A_2387 {offsets = [0, 0], sizes = [4, 1024], strides = [1, 1]} : vector<8x1024xf32> to vector<4x1024xf32>
    %swap3A_2389 = arith.constant 0 : index
    %swap3A_2390 = arith.constant 0 : index
    %swap3A_2391 = arith.constant 11264 : index
    %swap3A_2392 = vector.load %arg13[%swap3A_2389, %swap3A_2390, %swap3A_2391] : memref<1x4x16384xf32, #tpu.memory_space<vmem>>, vector<1x4x1024xf32>
    %swap3A_2393 = vector.shape_cast %swap3A_2392 : vector<1x4x1024xf32> to vector<4x1024xf32>
    %swap3A_2394 = vector.shape_cast %slice3A_2388 : vector<4x1024xf32> to vector<1x4x1024xf32>
    tpu.vector_store %arg13[%swap3A_2389, %swap3A_2390, %swap3A_2391], %swap3A_2394 {strides = array<i32>} : memref<1x4x16384xf32, #tpu.memory_space<vmem>>, vector<1x4x1024xf32>,
    %get3A_2395 = arith.constant 12288 : index
    %get3A_2396 = arith.constant 0 : index
    %get3A_2397 = vector.load %arg17[%get3A_2395, %get3A_2396] : memref<16640x384xbf16, #tpu.memory_space<vmem>>, vector<1024x384xbf16>
    %get3A_2398 = arith.constant 0 : index
    %get3A_2399 = arith.constant 0 : index
    %get3A_2400 = arith.constant 0 : index
    %get3A_2401 = vector.load %arg4[%get3A_2398, %get3A_2399, %get3A_2400] : memref<3x384x128xbf16, #tpu.memory_space<vmem>>, vector<1x384x128xbf16>
    %get3A_2402 = vector.shape_cast %get3A_2401 : vector<1x384x128xbf16> to vector<384x128xbf16>
    %dot_general3A_2403 = arith.constant dense<0.000000e+00> : vector<1024x128xf32>
    %dot_general3A_2404 = tpu.matmul %get3A_2397, %get3A_2402, %dot_general3A_2403 {dimension_numbers = #tpu.dot_dimension_numbers<[1], [0], [0], [1], [0, 0, 1, 1], [], []>, transpose_lhs_hint = false} : vector<1024x384xbf16>, vector<384x128xbf16>, vector<1024x128xf32> -> vector<1024x128xf32>
    %get3A_2405 = arith.constant 12416 : index
    %get3A_2406 = arith.constant 0 : index
    %get3A_2407 = vector.load %arg17[%get3A_2405, %get3A_2406] : memref<16640x384xbf16, #tpu.memory_space<vmem>>, vector<1024x384xbf16>
    %get3A_2408 = arith.constant 1 : index
    %get3A_2409 = arith.constant 0 : index
    %get3A_2410 = arith.constant 0 : index
    %get3A_2411 = vector.load %arg4[%get3A_2408, %get3A_2409, %get3A_2410] : memref<3x384x128xbf16, #tpu.memory_space<vmem>>, vector<1x384x128xbf16>
    %get3A_2412 = vector.shape_cast %get3A_2411 : vector<1x384x128xbf16> to vector<384x128xbf16>
    %dot_general3A_2413 = arith.constant dense<0.000000e+00> : vector<1024x128xf32>
    %dot_general3A_2414 = tpu.matmul %get3A_2407, %get3A_2412, %dot_general3A_2413 {dimension_numbers = #tpu.dot_dimension_numbers<[1], [0], [0], [1], [0, 0, 1, 1], [], []>, transpose_lhs_hint = false} : vector<1024x384xbf16>, vector<384x128xbf16>, vector<1024x128xf32> -> vector<1024x128xf32>
    %add3A_2415 = arith.addf %dot_general3A_2404, %dot_general3A_2414 : vector<1024x128xf32>
    %get3A_2416 = arith.constant 12544 : index
    %get3A_2417 = arith.constant 0 : index
    %get3A_2418 = vector.load %arg17[%get3A_2416, %get3A_2417] : memref<16640x384xbf16, #tpu.memory_space<vmem>>, vector<1024x384xbf16>
    %get3A_2419 = arith.constant 2 : index
    %get3A_2420 = arith.constant 0 : index
    %get3A_2421 = arith.constant 0 : index
    %get3A_2422 = vector.load %arg4[%get3A_2419, %get3A_2420, %get3A_2421] : memref<3x384x128xbf16, #tpu.memory_space<vmem>>, vector<1x384x128xbf16>
    %get3A_2423 = vector.shape_cast %get3A_2422 : vector<1x384x128xbf16> to vector<384x128xbf16>
    %dot_general3A_2424 = arith.constant dense<0.000000e+00> : vector<1024x128xf32>
    %dot_general3A_2425 = tpu.matmul %get3A_2418, %get3A_2423, %dot_general3A_2424 {dimension_numbers = #tpu.dot_dimension_numbers<[1], [0], [0], [1], [0, 0, 1, 1], [], []>, transpose_lhs_hint = false} : vector<1024x384xbf16>, vector<384x128xbf16>, vector<1024x128xf32> -> vector<1024x128xf32>
    %add3A_2426 = arith.addf %add3A_2415, %dot_general3A_2425 : vector<1024x128xf32>
    %get3A_2427 = arith.constant 0 : index
    %get3A_2428 = arith.constant 0 : index
    %get3A_2429 = vector.load %arg5[%get3A_2427, %get3A_2428] : memref<1x128xf32, #tpu.memory_space<vmem>>, vector<1x128xf32>
    %add3A_2430 = vector.broadcast %get3A_2429 : vector<1x128xf32> to vector<1024x128xf32>
    %add3A_2431 = arith.addf %add3A_2426, %add3A_2430 : vector<1024x128xf32>
    %max3A_2432 = arith.constant 0.000000e+00 : f32
    %max3A_2433 = vector.broadcast %max3A_2432 : f32 to vector<1024x128xf32>
    %max3A_2434 = arith.maximumf %add3A_2431, %max3A_2433 : vector<1024x128xf32>
    %convert_element_type3A_2435 = arith.truncf %max3A_2434 : vector<1024x128xf32> to vector<1024x128xbf16>
    %get3A_2436 = arith.constant 0 : index
    %get3A_2437 = arith.constant 0 : index
    %get3A_2438 = vector.load %arg6[%get3A_2436, %get3A_2437] : memref<128x80xbf16, #tpu.memory_space<vmem>>, vector<128x80xbf16>
    %dot_general3A_2439 = arith.constant dense<0.000000e+00> : vector<1024x80xf32>
    %dot_general3A_2440 = tpu.matmul %convert_element_type3A_2435, %get3A_2438, %dot_general3A_2439 {dimension_numbers = #tpu.dot_dimension_numbers<[1], [0], [0], [1], [0, 0, 1, 1], [], []>, transpose_lhs_hint = false} : vector<1024x128xbf16>, vector<128x80xbf16>, vector<1024x80xf32> -> vector<1024x80xf32>
    %get3A_2441 = arith.constant 0 : index
    %get3A_2442 = arith.constant 0 : index
    %get3A_2443 = vector.load %arg7[%get3A_2441, %get3A_2442] : memref<1x80xf32, #tpu.memory_space<vmem>>, vector<1x80xf32>
    %add3A_2444 = vector.broadcast %get3A_2443 : vector<1x80xf32> to vector<1024x80xf32>
    %add3A_2445 = arith.addf %dot_general3A_2440, %add3A_2444 : vector<1024x80xf32>
    %transpose3A_2446 = tpu.transpose %add3A_2445, [1, 0] : vector<1024x80xf32> -> vector<80x1024xf32>
    %swap3A_2447 = arith.constant 0 : index
    %swap3A_2448 = arith.constant 0 : index
    %swap3A_2449 = arith.constant 12288 : index
    %swap3A_2450 = vector.load %arg12[%swap3A_2447, %swap3A_2448, %swap3A_2449] : memref<1x80x16384xf32, #tpu.memory_space<vmem>>, vector<1x80x1024xf32>
    %swap3A_2451 = vector.shape_cast %swap3A_2450 : vector<1x80x1024xf32> to vector<80x1024xf32>
    %swap3A_2452 = vector.shape_cast %transpose3A_2446 : vector<80x1024xf32> to vector<1x80x1024xf32>
    tpu.vector_store %arg12[%swap3A_2447, %swap3A_2448, %swap3A_2449], %swap3A_2452 {strides = array<i32>} : memref<1x80x16384xf32, #tpu.memory_space<vmem>>, vector<1x80x1024xf32>,
    %get3A_2453 = arith.constant 12288 : index
    %get3A_2454 = arith.constant 0 : index
    %get3A_2455 = vector.load %arg15[%get3A_2453, %get3A_2454] : memref<16640x64xbf16, #tpu.memory_space<vmem>>, vector<1024x64xbf16>
    %get3A_2456 = arith.constant 12416 : index
    %get3A_2457 = arith.constant 0 : index
    %get3A_2458 = vector.load %arg15[%get3A_2456, %get3A_2457] : memref<16640x64xbf16, #tpu.memory_space<vmem>>, vector<1024x64xbf16>
    %get3A_2459 = arith.constant 12544 : index
    %get3A_2460 = arith.constant 0 : index
    %get3A_2461 = vector.load %arg15[%get3A_2459, %get3A_2460] : memref<16640x64xbf16, #tpu.memory_space<vmem>>, vector<1024x64xbf16>
    %get3A_2462 = arith.constant 12288 : index
    %get3A_2463 = arith.constant 0 : index
    %get3A_2464 = vector.load %arg18[%get3A_2462, %get3A_2463] : memref<16640x64xbf16, #tpu.memory_space<vmem>>, vector<1024x64xbf16>
    %get3A_2465 = arith.constant 12416 : index
    %get3A_2466 = arith.constant 0 : index
    %get3A_2467 = vector.load %arg18[%get3A_2465, %get3A_2466] : memref<16640x64xbf16, #tpu.memory_space<vmem>>, vector<1024x64xbf16>
    %get3A_2468 = arith.constant 12544 : index
    %get3A_2469 = arith.constant 0 : index
    %get3A_2470 = vector.load %arg18[%get3A_2468, %get3A_2469] : memref<16640x64xbf16, #tpu.memory_space<vmem>>, vector<1024x64xbf16>
    %get3A_2471 = arith.constant 12288 : index
    %get3A_2472 = arith.constant 0 : index
    %get3A_2473 = vector.load %arg16[%get3A_2471, %get3A_2472] : memref<16640x64xbf16, #tpu.memory_space<vmem>>, vector<1024x64xbf16>
    %get3A_2474 = arith.constant 12416 : index
    %get3A_2475 = arith.constant 0 : index
    %get3A_2476 = vector.load %arg16[%get3A_2474, %get3A_2475] : memref<16640x64xbf16, #tpu.memory_space<vmem>>, vector<1024x64xbf16>
    %get3A_2477 = arith.constant 12544 : index
    %get3A_2478 = arith.constant 0 : index
    %get3A_2479 = vector.load %arg16[%get3A_2477, %get3A_2478] : memref<16640x64xbf16, #tpu.memory_space<vmem>>, vector<1024x64xbf16>
    %concatenate3A_2480 = tpu.concatenate %get3A_2455, %get3A_2458, %get3A_2461, %get3A_2464, %get3A_2467, %get3A_2470, %get3A_2473, %get3A_2476, %get3A_2479 in 1 : vector<1024x64xbf16>, vector<1024x64xbf16>, vector<1024x64xbf16>, vector<1024x64xbf16>, vector<1024x64xbf16>, vector<1024x64xbf16>, vector<1024x64xbf16>, vector<1024x64xbf16>, vector<1024x64xbf16> -> vector<1024x576xbf16>
    %get3A_2481 = arith.constant 0 : index
    %get3A_2482 = arith.constant 0 : index
    %get3A_2483 = vector.load %arg8[%get3A_2481, %get3A_2482] : memref<576x64xbf16, #tpu.memory_space<vmem>>, vector<576x64xbf16>
    %dot_general3A_2484 = arith.constant dense<0.000000e+00> : vector<1024x64xf32>
    %dot_general3A_2485 = tpu.matmul %concatenate3A_2480, %get3A_2483, %dot_general3A_2484 {dimension_numbers = #tpu.dot_dimension_numbers<[1], [0], [0], [1], [0, 0, 1, 1], [], []>, transpose_lhs_hint = false} : vector<1024x576xbf16>, vector<576x64xbf16>, vector<1024x64xf32> -> vector<1024x64xf32>
    %get3A_2486 = arith.constant 0 : index
    %get3A_2487 = arith.constant 0 : index
    %get3A_2488 = vector.load %arg9[%get3A_2486, %get3A_2487] : memref<1x64xf32, #tpu.memory_space<vmem>>, vector<1x64xf32>
    %add3A_2489 = vector.broadcast %get3A_2488 : vector<1x64xf32> to vector<1024x64xf32>
    %add3A_2490 = arith.addf %dot_general3A_2485, %add3A_2489 : vector<1024x64xf32>
    %max3A_2491 = arith.constant 0.000000e+00 : f32
    %max3A_2492 = vector.broadcast %max3A_2491 : f32 to vector<1024x64xf32>
    %max3A_2493 = arith.maximumf %add3A_2490, %max3A_2492 : vector<1024x64xf32>
    %convert_element_type3A_2494 = arith.truncf %max3A_2493 : vector<1024x64xf32> to vector<1024x64xbf16>
    %get3A_2495 = arith.constant 0 : index
    %get3A_2496 = arith.constant 0 : index
    %get3A_2497 = vector.load %arg10[%get3A_2495, %get3A_2496] : memref<64x8xbf16, #tpu.memory_space<vmem>>, vector<64x8xbf16>
    %dot_general3A_2498 = arith.constant dense<0.000000e+00> : vector<1024x8xf32>
    %dot_general3A_2499 = tpu.matmul %convert_element_type3A_2494, %get3A_2497, %dot_general3A_2498 {dimension_numbers = #tpu.dot_dimension_numbers<[1], [0], [0], [1], [0, 0, 1, 1], [], []>, transpose_lhs_hint = false} : vector<1024x64xbf16>, vector<64x8xbf16>, vector<1024x8xf32> -> vector<1024x8xf32>
    %get3A_2500 = arith.constant 0 : index
    %get3A_2501 = arith.constant 0 : index
    %get3A_2502 = vector.load %arg11[%get3A_2500, %get3A_2501] : memref<1x8xf32, #tpu.memory_space<vmem>>, vector<1x8xf32>
    %add3A_2503 = vector.broadcast %get3A_2502 : vector<1x8xf32> to vector<1024x8xf32>
    %add3A_2504 = arith.addf %dot_general3A_2499, %add3A_2503 : vector<1024x8xf32>
    %max3A_2505 = arith.constant 0.000000e+00 : f32
    %max3A_2506 = vector.broadcast %max3A_2505 : f32 to vector<1024x8xf32>
    %max3A_2507 = arith.maximumf %add3A_2504, %max3A_2506 : vector<1024x8xf32>
    %mul3A_2508 = arith.constant 1.600000e+01 : f32
    %mul3A_2509 = vector.broadcast %mul3A_2508 : f32 to vector<1024x8xf32>
    %mul3A_2510 = arith.mulf %max3A_2507, %mul3A_2509 : vector<1024x8xf32>
    %transpose3A_2511 = tpu.transpose %mul3A_2510, [1, 0] : vector<1024x8xf32> -> vector<8x1024xf32>
    %slice3A_2512 = vector.extract_strided_slice %transpose3A_2511 {offsets = [0, 0], sizes = [4, 1024], strides = [1, 1]} : vector<8x1024xf32> to vector<4x1024xf32>
    %swap3A_2513 = arith.constant 0 : index
    %swap3A_2514 = arith.constant 0 : index
    %swap3A_2515 = arith.constant 12288 : index
    %swap3A_2516 = vector.load %arg13[%swap3A_2513, %swap3A_2514, %swap3A_2515] : memref<1x4x16384xf32, #tpu.memory_space<vmem>>, vector<1x4x1024xf32>
    %swap3A_2517 = vector.shape_cast %swap3A_2516 : vector<1x4x1024xf32> to vector<4x1024xf32>
    %swap3A_2518 = vector.shape_cast %slice3A_2512 : vector<4x1024xf32> to vector<1x4x1024xf32>
    tpu.vector_store %arg13[%swap3A_2513, %swap3A_2514, %swap3A_2515], %swap3A_2518 {strides = array<i32>} : memref<1x4x16384xf32, #tpu.memory_space<vmem>>, vector<1x4x1024xf32>,
    %get3A_2519 = arith.constant 13312 : index
    %get3A_2520 = arith.constant 0 : index
    %get3A_2521 = vector.load %arg17[%get3A_2519, %get3A_2520] : memref<16640x384xbf16, #tpu.memory_space<vmem>>, vector<1024x384xbf16>
    %get3A_2522 = arith.constant 0 : index
    %get3A_2523 = arith.constant 0 : index
    %get3A_2524 = arith.constant 0 : index
    %get3A_2525 = vector.load %arg4[%get3A_2522, %get3A_2523, %get3A_2524] : memref<3x384x128xbf16, #tpu.memory_space<vmem>>, vector<1x384x128xbf16>
    %get3A_2526 = vector.shape_cast %get3A_2525 : vector<1x384x128xbf16> to vector<384x128xbf16>
    %dot_general3A_2527 = arith.constant dense<0.000000e+00> : vector<1024x128xf32>
    %dot_general3A_2528 = tpu.matmul %get3A_2521, %get3A_2526, %dot_general3A_2527 {dimension_numbers = #tpu.dot_dimension_numbers<[1], [0], [0], [1], [0, 0, 1, 1], [], []>, transpose_lhs_hint = false} : vector<1024x384xbf16>, vector<384x128xbf16>, vector<1024x128xf32> -> vector<1024x128xf32>
    %get3A_2529 = arith.constant 13440 : index
    %get3A_2530 = arith.constant 0 : index
    %get3A_2531 = vector.load %arg17[%get3A_2529, %get3A_2530] : memref<16640x384xbf16, #tpu.memory_space<vmem>>, vector<1024x384xbf16>
    %get3A_2532 = arith.constant 1 : index
    %get3A_2533 = arith.constant 0 : index
    %get3A_2534 = arith.constant 0 : index
    %get3A_2535 = vector.load %arg4[%get3A_2532, %get3A_2533, %get3A_2534] : memref<3x384x128xbf16, #tpu.memory_space<vmem>>, vector<1x384x128xbf16>
    %get3A_2536 = vector.shape_cast %get3A_2535 : vector<1x384x128xbf16> to vector<384x128xbf16>
    %dot_general3A_2537 = arith.constant dense<0.000000e+00> : vector<1024x128xf32>
    %dot_general3A_2538 = tpu.matmul %get3A_2531, %get3A_2536, %dot_general3A_2537 {dimension_numbers = #tpu.dot_dimension_numbers<[1], [0], [0], [1], [0, 0, 1, 1], [], []>, transpose_lhs_hint = false} : vector<1024x384xbf16>, vector<384x128xbf16>, vector<1024x128xf32> -> vector<1024x128xf32>
    %add3A_2539 = arith.addf %dot_general3A_2528, %dot_general3A_2538 : vector<1024x128xf32>
    %get3A_2540 = arith.constant 13568 : index
    %get3A_2541 = arith.constant 0 : index
    %get3A_2542 = vector.load %arg17[%get3A_2540, %get3A_2541] : memref<16640x384xbf16, #tpu.memory_space<vmem>>, vector<1024x384xbf16>
    %get3A_2543 = arith.constant 2 : index
    %get3A_2544 = arith.constant 0 : index
    %get3A_2545 = arith.constant 0 : index
    %get3A_2546 = vector.load %arg4[%get3A_2543, %get3A_2544, %get3A_2545] : memref<3x384x128xbf16, #tpu.memory_space<vmem>>, vector<1x384x128xbf16>
    %get3A_2547 = vector.shape_cast %get3A_2546 : vector<1x384x128xbf16> to vector<384x128xbf16>
    %dot_general3A_2548 = arith.constant dense<0.000000e+00> : vector<1024x128xf32>
    %dot_general3A_2549 = tpu.matmul %get3A_2542, %get3A_2547, %dot_general3A_2548 {dimension_numbers = #tpu.dot_dimension_numbers<[1], [0], [0], [1], [0, 0, 1, 1], [], []>, transpose_lhs_hint = false} : vector<1024x384xbf16>, vector<384x128xbf16>, vector<1024x128xf32> -> vector<1024x128xf32>
    %add3A_2550 = arith.addf %add3A_2539, %dot_general3A_2549 : vector<1024x128xf32>
    %get3A_2551 = arith.constant 0 : index
    %get3A_2552 = arith.constant 0 : index
    %get3A_2553 = vector.load %arg5[%get3A_2551, %get3A_2552] : memref<1x128xf32, #tpu.memory_space<vmem>>, vector<1x128xf32>
    %add3A_2554 = vector.broadcast %get3A_2553 : vector<1x128xf32> to vector<1024x128xf32>
    %add3A_2555 = arith.addf %add3A_2550, %add3A_2554 : vector<1024x128xf32>
    %max3A_2556 = arith.constant 0.000000e+00 : f32
    %max3A_2557 = vector.broadcast %max3A_2556 : f32 to vector<1024x128xf32>
    %max3A_2558 = arith.maximumf %add3A_2555, %max3A_2557 : vector<1024x128xf32>
    %convert_element_type3A_2559 = arith.truncf %max3A_2558 : vector<1024x128xf32> to vector<1024x128xbf16>
    %get3A_2560 = arith.constant 0 : index
    %get3A_2561 = arith.constant 0 : index
    %get3A_2562 = vector.load %arg6[%get3A_2560, %get3A_2561] : memref<128x80xbf16, #tpu.memory_space<vmem>>, vector<128x80xbf16>
    %dot_general3A_2563 = arith.constant dense<0.000000e+00> : vector<1024x80xf32>
    %dot_general3A_2564 = tpu.matmul %convert_element_type3A_2559, %get3A_2562, %dot_general3A_2563 {dimension_numbers = #tpu.dot_dimension_numbers<[1], [0], [0], [1], [0, 0, 1, 1], [], []>, transpose_lhs_hint = false} : vector<1024x128xbf16>, vector<128x80xbf16>, vector<1024x80xf32> -> vector<1024x80xf32>
    %get3A_2565 = arith.constant 0 : index
    %get3A_2566 = arith.constant 0 : index
    %get3A_2567 = vector.load %arg7[%get3A_2565, %get3A_2566] : memref<1x80xf32, #tpu.memory_space<vmem>>, vector<1x80xf32>
    %add3A_2568 = vector.broadcast %get3A_2567 : vector<1x80xf32> to vector<1024x80xf32>
    %add3A_2569 = arith.addf %dot_general3A_2564, %add3A_2568 : vector<1024x80xf32>
    %transpose3A_2570 = tpu.transpose %add3A_2569, [1, 0] : vector<1024x80xf32> -> vector<80x1024xf32>
    %swap3A_2571 = arith.constant 0 : index
    %swap3A_2572 = arith.constant 0 : index
    %swap3A_2573 = arith.constant 13312 : index
    %swap3A_2574 = vector.load %arg12[%swap3A_2571, %swap3A_2572, %swap3A_2573] : memref<1x80x16384xf32, #tpu.memory_space<vmem>>, vector<1x80x1024xf32>
    %swap3A_2575 = vector.shape_cast %swap3A_2574 : vector<1x80x1024xf32> to vector<80x1024xf32>
    %swap3A_2576 = vector.shape_cast %transpose3A_2570 : vector<80x1024xf32> to vector<1x80x1024xf32>
    tpu.vector_store %arg12[%swap3A_2571, %swap3A_2572, %swap3A_2573], %swap3A_2576 {strides = array<i32>} : memref<1x80x16384xf32, #tpu.memory_space<vmem>>, vector<1x80x1024xf32>,
    %get3A_2577 = arith.constant 13312 : index
    %get3A_2578 = arith.constant 0 : index
    %get3A_2579 = vector.load %arg15[%get3A_2577, %get3A_2578] : memref<16640x64xbf16, #tpu.memory_space<vmem>>, vector<1024x64xbf16>
    %get3A_2580 = arith.constant 13440 : index
    %get3A_2581 = arith.constant 0 : index
    %get3A_2582 = vector.load %arg15[%get3A_2580, %get3A_2581] : memref<16640x64xbf16, #tpu.memory_space<vmem>>, vector<1024x64xbf16>
    %get3A_2583 = arith.constant 13568 : index
    %get3A_2584 = arith.constant 0 : index
    %get3A_2585 = vector.load %arg15[%get3A_2583, %get3A_2584] : memref<16640x64xbf16, #tpu.memory_space<vmem>>, vector<1024x64xbf16>
    %get3A_2586 = arith.constant 13312 : index
    %get3A_2587 = arith.constant 0 : index
    %get3A_2588 = vector.load %arg18[%get3A_2586, %get3A_2587] : memref<16640x64xbf16, #tpu.memory_space<vmem>>, vector<1024x64xbf16>
    %get3A_2589 = arith.constant 13440 : index
    %get3A_2590 = arith.constant 0 : index
    %get3A_2591 = vector.load %arg18[%get3A_2589, %get3A_2590] : memref<16640x64xbf16, #tpu.memory_space<vmem>>, vector<1024x64xbf16>
    %get3A_2592 = arith.constant 13568 : index
    %get3A_2593 = arith.constant 0 : index
    %get3A_2594 = vector.load %arg18[%get3A_2592, %get3A_2593] : memref<16640x64xbf16, #tpu.memory_space<vmem>>, vector<1024x64xbf16>
    %get3A_2595 = arith.constant 13312 : index
    %get3A_2596 = arith.constant 0 : index
    %get3A_2597 = vector.load %arg16[%get3A_2595, %get3A_2596] : memref<16640x64xbf16, #tpu.memory_space<vmem>>, vector<1024x64xbf16>
    %get3A_2598 = arith.constant 13440 : index
    %get3A_2599 = arith.constant 0 : index
    %get3A_2600 = vector.load %arg16[%get3A_2598, %get3A_2599] : memref<16640x64xbf16, #tpu.memory_space<vmem>>, vector<1024x64xbf16>
    %get3A_2601 = arith.constant 13568 : index
    %get3A_2602 = arith.constant 0 : index
    %get3A_2603 = vector.load %arg16[%get3A_2601, %get3A_2602] : memref<16640x64xbf16, #tpu.memory_space<vmem>>, vector<1024x64xbf16>
    %concatenate3A_2604 = tpu.concatenate %get3A_2579, %get3A_2582, %get3A_2585, %get3A_2588, %get3A_2591, %get3A_2594, %get3A_2597, %get3A_2600, %get3A_2603 in 1 : vector<1024x64xbf16>, vector<1024x64xbf16>, vector<1024x64xbf16>, vector<1024x64xbf16>, vector<1024x64xbf16>, vector<1024x64xbf16>, vector<1024x64xbf16>, vector<1024x64xbf16>, vector<1024x64xbf16> -> vector<1024x576xbf16>
    %get3A_2605 = arith.constant 0 : index
    %get3A_2606 = arith.constant 0 : index
    %get3A_2607 = vector.load %arg8[%get3A_2605, %get3A_2606] : memref<576x64xbf16, #tpu.memory_space<vmem>>, vector<576x64xbf16>
    %dot_general3A_2608 = arith.constant dense<0.000000e+00> : vector<1024x64xf32>
    %dot_general3A_2609 = tpu.matmul %concatenate3A_2604, %get3A_2607, %dot_general3A_2608 {dimension_numbers = #tpu.dot_dimension_numbers<[1], [0], [0], [1], [0, 0, 1, 1], [], []>, transpose_lhs_hint = false} : vector<1024x576xbf16>, vector<576x64xbf16>, vector<1024x64xf32> -> vector<1024x64xf32>
    %get3A_2610 = arith.constant 0 : index
    %get3A_2611 = arith.constant 0 : index
    %get3A_2612 = vector.load %arg9[%get3A_2610, %get3A_2611] : memref<1x64xf32, #tpu.memory_space<vmem>>, vector<1x64xf32>
    %add3A_2613 = vector.broadcast %get3A_2612 : vector<1x64xf32> to vector<1024x64xf32>
    %add3A_2614 = arith.addf %dot_general3A_2609, %add3A_2613 : vector<1024x64xf32>
    %max3A_2615 = arith.constant 0.000000e+00 : f32
    %max3A_2616 = vector.broadcast %max3A_2615 : f32 to vector<1024x64xf32>
    %max3A_2617 = arith.maximumf %add3A_2614, %max3A_2616 : vector<1024x64xf32>
    %convert_element_type3A_2618 = arith.truncf %max3A_2617 : vector<1024x64xf32> to vector<1024x64xbf16>
    %get3A_2619 = arith.constant 0 : index
    %get3A_2620 = arith.constant 0 : index
    %get3A_2621 = vector.load %arg10[%get3A_2619, %get3A_2620] : memref<64x8xbf16, #tpu.memory_space<vmem>>, vector<64x8xbf16>
    %dot_general3A_2622 = arith.constant dense<0.000000e+00> : vector<1024x8xf32>
    %dot_general3A_2623 = tpu.matmul %convert_element_type3A_2618, %get3A_2621, %dot_general3A_2622 {dimension_numbers = #tpu.dot_dimension_numbers<[1], [0], [0], [1], [0, 0, 1, 1], [], []>, transpose_lhs_hint = false} : vector<1024x64xbf16>, vector<64x8xbf16>, vector<1024x8xf32> -> vector<1024x8xf32>
    %get3A_2624 = arith.constant 0 : index
    %get3A_2625 = arith.constant 0 : index
    %get3A_2626 = vector.load %arg11[%get3A_2624, %get3A_2625] : memref<1x8xf32, #tpu.memory_space<vmem>>, vector<1x8xf32>
    %add3A_2627 = vector.broadcast %get3A_2626 : vector<1x8xf32> to vector<1024x8xf32>
    %add3A_2628 = arith.addf %dot_general3A_2623, %add3A_2627 : vector<1024x8xf32>
    %max3A_2629 = arith.constant 0.000000e+00 : f32
    %max3A_2630 = vector.broadcast %max3A_2629 : f32 to vector<1024x8xf32>
    %max3A_2631 = arith.maximumf %add3A_2628, %max3A_2630 : vector<1024x8xf32>
    %mul3A_2632 = arith.constant 1.600000e+01 : f32
    %mul3A_2633 = vector.broadcast %mul3A_2632 : f32 to vector<1024x8xf32>
    %mul3A_2634 = arith.mulf %max3A_2631, %mul3A_2633 : vector<1024x8xf32>
    %transpose3A_2635 = tpu.transpose %mul3A_2634, [1, 0] : vector<1024x8xf32> -> vector<8x1024xf32>
    %slice3A_2636 = vector.extract_strided_slice %transpose3A_2635 {offsets = [0, 0], sizes = [4, 1024], strides = [1, 1]} : vector<8x1024xf32> to vector<4x1024xf32>
    %swap3A_2637 = arith.constant 0 : index
    %swap3A_2638 = arith.constant 0 : index
    %swap3A_2639 = arith.constant 13312 : index
    %swap3A_2640 = vector.load %arg13[%swap3A_2637, %swap3A_2638, %swap3A_2639] : memref<1x4x16384xf32, #tpu.memory_space<vmem>>, vector<1x4x1024xf32>
    %swap3A_2641 = vector.shape_cast %swap3A_2640 : vector<1x4x1024xf32> to vector<4x1024xf32>
    %swap3A_2642 = vector.shape_cast %slice3A_2636 : vector<4x1024xf32> to vector<1x4x1024xf32>
    tpu.vector_store %arg13[%swap3A_2637, %swap3A_2638, %swap3A_2639], %swap3A_2642 {strides = array<i32>} : memref<1x4x16384xf32, #tpu.memory_space<vmem>>, vector<1x4x1024xf32>,
    %get3A_2643 = arith.constant 14336 : index
    %get3A_2644 = arith.constant 0 : index
    %get3A_2645 = vector.load %arg17[%get3A_2643, %get3A_2644] : memref<16640x384xbf16, #tpu.memory_space<vmem>>, vector<1024x384xbf16>
    %get3A_2646 = arith.constant 0 : index
    %get3A_2647 = arith.constant 0 : index
    %get3A_2648 = arith.constant 0 : index
    %get3A_2649 = vector.load %arg4[%get3A_2646, %get3A_2647, %get3A_2648] : memref<3x384x128xbf16, #tpu.memory_space<vmem>>, vector<1x384x128xbf16>
    %get3A_2650 = vector.shape_cast %get3A_2649 : vector<1x384x128xbf16> to vector<384x128xbf16>
    %dot_general3A_2651 = arith.constant dense<0.000000e+00> : vector<1024x128xf32>
    %dot_general3A_2652 = tpu.matmul %get3A_2645, %get3A_2650, %dot_general3A_2651 {dimension_numbers = #tpu.dot_dimension_numbers<[1], [0], [0], [1], [0, 0, 1, 1], [], []>, transpose_lhs_hint = false} : vector<1024x384xbf16>, vector<384x128xbf16>, vector<1024x128xf32> -> vector<1024x128xf32>
    %get3A_2653 = arith.constant 14464 : index
    %get3A_2654 = arith.constant 0 : index
    %get3A_2655 = vector.load %arg17[%get3A_2653, %get3A_2654] : memref<16640x384xbf16, #tpu.memory_space<vmem>>, vector<1024x384xbf16>
    %get3A_2656 = arith.constant 1 : index
    %get3A_2657 = arith.constant 0 : index
    %get3A_2658 = arith.constant 0 : index
    %get3A_2659 = vector.load %arg4[%get3A_2656, %get3A_2657, %get3A_2658] : memref<3x384x128xbf16, #tpu.memory_space<vmem>>, vector<1x384x128xbf16>
    %get3A_2660 = vector.shape_cast %get3A_2659 : vector<1x384x128xbf16> to vector<384x128xbf16>
    %dot_general3A_2661 = arith.constant dense<0.000000e+00> : vector<1024x128xf32>
    %dot_general3A_2662 = tpu.matmul %get3A_2655, %get3A_2660, %dot_general3A_2661 {dimension_numbers = #tpu.dot_dimension_numbers<[1], [0], [0], [1], [0, 0, 1, 1], [], []>, transpose_lhs_hint = false} : vector<1024x384xbf16>, vector<384x128xbf16>, vector<1024x128xf32> -> vector<1024x128xf32>
    %add3A_2663 = arith.addf %dot_general3A_2652, %dot_general3A_2662 : vector<1024x128xf32>
    %get3A_2664 = arith.constant 14592 : index
    %get3A_2665 = arith.constant 0 : index
    %get3A_2666 = vector.load %arg17[%get3A_2664, %get3A_2665] : memref<16640x384xbf16, #tpu.memory_space<vmem>>, vector<1024x384xbf16>
    %get3A_2667 = arith.constant 2 : index
    %get3A_2668 = arith.constant 0 : index
    %get3A_2669 = arith.constant 0 : index
    %get3A_2670 = vector.load %arg4[%get3A_2667, %get3A_2668, %get3A_2669] : memref<3x384x128xbf16, #tpu.memory_space<vmem>>, vector<1x384x128xbf16>
    %get3A_2671 = vector.shape_cast %get3A_2670 : vector<1x384x128xbf16> to vector<384x128xbf16>
    %dot_general3A_2672 = arith.constant dense<0.000000e+00> : vector<1024x128xf32>
    %dot_general3A_2673 = tpu.matmul %get3A_2666, %get3A_2671, %dot_general3A_2672 {dimension_numbers = #tpu.dot_dimension_numbers<[1], [0], [0], [1], [0, 0, 1, 1], [], []>, transpose_lhs_hint = false} : vector<1024x384xbf16>, vector<384x128xbf16>, vector<1024x128xf32> -> vector<1024x128xf32>
    %add3A_2674 = arith.addf %add3A_2663, %dot_general3A_2673 : vector<1024x128xf32>
    %get3A_2675 = arith.constant 0 : index
    %get3A_2676 = arith.constant 0 : index
    %get3A_2677 = vector.load %arg5[%get3A_2675, %get3A_2676] : memref<1x128xf32, #tpu.memory_space<vmem>>, vector<1x128xf32>
    %add3A_2678 = vector.broadcast %get3A_2677 : vector<1x128xf32> to vector<1024x128xf32>
    %add3A_2679 = arith.addf %add3A_2674, %add3A_2678 : vector<1024x128xf32>
    %max3A_2680 = arith.constant 0.000000e+00 : f32
    %max3A_2681 = vector.broadcast %max3A_2680 : f32 to vector<1024x128xf32>
    %max3A_2682 = arith.maximumf %add3A_2679, %max3A_2681 : vector<1024x128xf32>
    %convert_element_type3A_2683 = arith.truncf %max3A_2682 : vector<1024x128xf32> to vector<1024x128xbf16>
    %get3A_2684 = arith.constant 0 : index
    %get3A_2685 = arith.constant 0 : index
    %get3A_2686 = vector.load %arg6[%get3A_2684, %get3A_2685] : memref<128x80xbf16, #tpu.memory_space<vmem>>, vector<128x80xbf16>
    %dot_general3A_2687 = arith.constant dense<0.000000e+00> : vector<1024x80xf32>
    %dot_general3A_2688 = tpu.matmul %convert_element_type3A_2683, %get3A_2686, %dot_general3A_2687 {dimension_numbers = #tpu.dot_dimension_numbers<[1], [0], [0], [1], [0, 0, 1, 1], [], []>, transpose_lhs_hint = false} : vector<1024x128xbf16>, vector<128x80xbf16>, vector<1024x80xf32> -> vector<1024x80xf32>
    %get3A_2689 = arith.constant 0 : index
    %get3A_2690 = arith.constant 0 : index
    %get3A_2691 = vector.load %arg7[%get3A_2689, %get3A_2690] : memref<1x80xf32, #tpu.memory_space<vmem>>, vector<1x80xf32>
    %add3A_2692 = vector.broadcast %get3A_2691 : vector<1x80xf32> to vector<1024x80xf32>
    %add3A_2693 = arith.addf %dot_general3A_2688, %add3A_2692 : vector<1024x80xf32>
    %transpose3A_2694 = tpu.transpose %add3A_2693, [1, 0] : vector<1024x80xf32> -> vector<80x1024xf32>
    %swap3A_2695 = arith.constant 0 : index
    %swap3A_2696 = arith.constant 0 : index
    %swap3A_2697 = arith.constant 14336 : index
    %swap3A_2698 = vector.load %arg12[%swap3A_2695, %swap3A_2696, %swap3A_2697] : memref<1x80x16384xf32, #tpu.memory_space<vmem>>, vector<1x80x1024xf32>
    %swap3A_2699 = vector.shape_cast %swap3A_2698 : vector<1x80x1024xf32> to vector<80x1024xf32>
    %swap3A_2700 = vector.shape_cast %transpose3A_2694 : vector<80x1024xf32> to vector<1x80x1024xf32>
    tpu.vector_store %arg12[%swap3A_2695, %swap3A_2696, %swap3A_2697], %swap3A_2700 {strides = array<i32>} : memref<1x80x16384xf32, #tpu.memory_space<vmem>>, vector<1x80x1024xf32>,
    %get3A_2701 = arith.constant 14336 : index
    %get3A_2702 = arith.constant 0 : index
    %get3A_2703 = vector.load %arg15[%get3A_2701, %get3A_2702] : memref<16640x64xbf16, #tpu.memory_space<vmem>>, vector<1024x64xbf16>
    %get3A_2704 = arith.constant 14464 : index
    %get3A_2705 = arith.constant 0 : index
    %get3A_2706 = vector.load %arg15[%get3A_2704, %get3A_2705] : memref<16640x64xbf16, #tpu.memory_space<vmem>>, vector<1024x64xbf16>
    %get3A_2707 = arith.constant 14592 : index
    %get3A_2708 = arith.constant 0 : index
    %get3A_2709 = vector.load %arg15[%get3A_2707, %get3A_2708] : memref<16640x64xbf16, #tpu.memory_space<vmem>>, vector<1024x64xbf16>
    %get3A_2710 = arith.constant 14336 : index
    %get3A_2711 = arith.constant 0 : index
    %get3A_2712 = vector.load %arg18[%get3A_2710, %get3A_2711] : memref<16640x64xbf16, #tpu.memory_space<vmem>>, vector<1024x64xbf16>
    %get3A_2713 = arith.constant 14464 : index
    %get3A_2714 = arith.constant 0 : index
    %get3A_2715 = vector.load %arg18[%get3A_2713, %get3A_2714] : memref<16640x64xbf16, #tpu.memory_space<vmem>>, vector<1024x64xbf16>
    %get3A_2716 = arith.constant 14592 : index
    %get3A_2717 = arith.constant 0 : index
    %get3A_2718 = vector.load %arg18[%get3A_2716, %get3A_2717] : memref<16640x64xbf16, #tpu.memory_space<vmem>>, vector<1024x64xbf16>
    %get3A_2719 = arith.constant 14336 : index
    %get3A_2720 = arith.constant 0 : index
    %get3A_2721 = vector.load %arg16[%get3A_2719, %get3A_2720] : memref<16640x64xbf16, #tpu.memory_space<vmem>>, vector<1024x64xbf16>
    %get3A_2722 = arith.constant 14464 : index
    %get3A_2723 = arith.constant 0 : index
    %get3A_2724 = vector.load %arg16[%get3A_2722, %get3A_2723] : memref<16640x64xbf16, #tpu.memory_space<vmem>>, vector<1024x64xbf16>
    %get3A_2725 = arith.constant 14592 : index
    %get3A_2726 = arith.constant 0 : index
    %get3A_2727 = vector.load %arg16[%get3A_2725, %get3A_2726] : memref<16640x64xbf16, #tpu.memory_space<vmem>>, vector<1024x64xbf16>
    %concatenate3A_2728 = tpu.concatenate %get3A_2703, %get3A_2706, %get3A_2709, %get3A_2712, %get3A_2715, %get3A_2718, %get3A_2721, %get3A_2724, %get3A_2727 in 1 : vector<1024x64xbf16>, vector<1024x64xbf16>, vector<1024x64xbf16>, vector<1024x64xbf16>, vector<1024x64xbf16>, vector<1024x64xbf16>, vector<1024x64xbf16>, vector<1024x64xbf16>, vector<1024x64xbf16> -> vector<1024x576xbf16>
    %get3A_2729 = arith.constant 0 : index
    %get3A_2730 = arith.constant 0 : index
    %get3A_2731 = vector.load %arg8[%get3A_2729, %get3A_2730] : memref<576x64xbf16, #tpu.memory_space<vmem>>, vector<576x64xbf16>
    %dot_general3A_2732 = arith.constant dense<0.000000e+00> : vector<1024x64xf32>
    %dot_general3A_2733 = tpu.matmul %concatenate3A_2728, %get3A_2731, %dot_general3A_2732 {dimension_numbers = #tpu.dot_dimension_numbers<[1], [0], [0], [1], [0, 0, 1, 1], [], []>, transpose_lhs_hint = false} : vector<1024x576xbf16>, vector<576x64xbf16>, vector<1024x64xf32> -> vector<1024x64xf32>
    %get3A_2734 = arith.constant 0 : index
    %get3A_2735 = arith.constant 0 : index
    %get3A_2736 = vector.load %arg9[%get3A_2734, %get3A_2735] : memref<1x64xf32, #tpu.memory_space<vmem>>, vector<1x64xf32>
    %add3A_2737 = vector.broadcast %get3A_2736 : vector<1x64xf32> to vector<1024x64xf32>
    %add3A_2738 = arith.addf %dot_general3A_2733, %add3A_2737 : vector<1024x64xf32>
    %max3A_2739 = arith.constant 0.000000e+00 : f32
    %max3A_2740 = vector.broadcast %max3A_2739 : f32 to vector<1024x64xf32>
    %max3A_2741 = arith.maximumf %add3A_2738, %max3A_2740 : vector<1024x64xf32>
    %convert_element_type3A_2742 = arith.truncf %max3A_2741 : vector<1024x64xf32> to vector<1024x64xbf16>
    %get3A_2743 = arith.constant 0 : index
    %get3A_2744 = arith.constant 0 : index
    %get3A_2745 = vector.load %arg10[%get3A_2743, %get3A_2744] : memref<64x8xbf16, #tpu.memory_space<vmem>>, vector<64x8xbf16>
    %dot_general3A_2746 = arith.constant dense<0.000000e+00> : vector<1024x8xf32>
    %dot_general3A_2747 = tpu.matmul %convert_element_type3A_2742, %get3A_2745, %dot_general3A_2746 {dimension_numbers = #tpu.dot_dimension_numbers<[1], [0], [0], [1], [0, 0, 1, 1], [], []>, transpose_lhs_hint = false} : vector<1024x64xbf16>, vector<64x8xbf16>, vector<1024x8xf32> -> vector<1024x8xf32>
    %get3A_2748 = arith.constant 0 : index
    %get3A_2749 = arith.constant 0 : index
    %get3A_2750 = vector.load %arg11[%get3A_2748, %get3A_2749] : memref<1x8xf32, #tpu.memory_space<vmem>>, vector<1x8xf32>
    %add3A_2751 = vector.broadcast %get3A_2750 : vector<1x8xf32> to vector<1024x8xf32>
    %add3A_2752 = arith.addf %dot_general3A_2747, %add3A_2751 : vector<1024x8xf32>
    %max3A_2753 = arith.constant 0.000000e+00 : f32
    %max3A_2754 = vector.broadcast %max3A_2753 : f32 to vector<1024x8xf32>
    %max3A_2755 = arith.maximumf %add3A_2752, %max3A_2754 : vector<1024x8xf32>
    %mul3A_2756 = arith.constant 1.600000e+01 : f32
    %mul3A_2757 = vector.broadcast %mul3A_2756 : f32 to vector<1024x8xf32>
    %mul3A_2758 = arith.mulf %max3A_2755, %mul3A_2757 : vector<1024x8xf32>
    %transpose3A_2759 = tpu.transpose %mul3A_2758, [1, 0] : vector<1024x8xf32> -> vector<8x1024xf32>
    %slice3A_2760 = vector.extract_strided_slice %transpose3A_2759 {offsets = [0, 0], sizes = [4, 1024], strides = [1, 1]} : vector<8x1024xf32> to vector<4x1024xf32>
    %swap3A_2761 = arith.constant 0 : index
    %swap3A_2762 = arith.constant 0 : index
    %swap3A_2763 = arith.constant 14336 : index
    %swap3A_2764 = vector.load %arg13[%swap3A_2761, %swap3A_2762, %swap3A_2763] : memref<1x4x16384xf32, #tpu.memory_space<vmem>>, vector<1x4x1024xf32>
    %swap3A_2765 = vector.shape_cast %swap3A_2764 : vector<1x4x1024xf32> to vector<4x1024xf32>
    %swap3A_2766 = vector.shape_cast %slice3A_2760 : vector<4x1024xf32> to vector<1x4x1024xf32>
    tpu.vector_store %arg13[%swap3A_2761, %swap3A_2762, %swap3A_2763], %swap3A_2766 {strides = array<i32>} : memref<1x4x16384xf32, #tpu.memory_space<vmem>>, vector<1x4x1024xf32>,
    %get3A_2767 = arith.constant 15360 : index
    %get3A_2768 = arith.constant 0 : index
    %get3A_2769 = vector.load %arg17[%get3A_2767, %get3A_2768] : memref<16640x384xbf16, #tpu.memory_space<vmem>>, vector<1024x384xbf16>
    %get3A_2770 = arith.constant 0 : index
    %get3A_2771 = arith.constant 0 : index
    %get3A_2772 = arith.constant 0 : index
    %get3A_2773 = vector.load %arg4[%get3A_2770, %get3A_2771, %get3A_2772] : memref<3x384x128xbf16, #tpu.memory_space<vmem>>, vector<1x384x128xbf16>
    %get3A_2774 = vector.shape_cast %get3A_2773 : vector<1x384x128xbf16> to vector<384x128xbf16>
    %dot_general3A_2775 = arith.constant dense<0.000000e+00> : vector<1024x128xf32>
    %dot_general3A_2776 = tpu.matmul %get3A_2769, %get3A_2774, %dot_general3A_2775 {dimension_numbers = #tpu.dot_dimension_numbers<[1], [0], [0], [1], [0, 0, 1, 1], [], []>, transpose_lhs_hint = false} : vector<1024x384xbf16>, vector<384x128xbf16>, vector<1024x128xf32> -> vector<1024x128xf32>
    %get3A_2777 = arith.constant 15488 : index
    %get3A_2778 = arith.constant 0 : index
    %get3A_2779 = vector.load %arg17[%get3A_2777, %get3A_2778] : memref<16640x384xbf16, #tpu.memory_space<vmem>>, vector<1024x384xbf16>
    %get3A_2780 = arith.constant 1 : index
    %get3A_2781 = arith.constant 0 : index
    %get3A_2782 = arith.constant 0 : index
    %get3A_2783 = vector.load %arg4[%get3A_2780, %get3A_2781, %get3A_2782] : memref<3x384x128xbf16, #tpu.memory_space<vmem>>, vector<1x384x128xbf16>
    %get3A_2784 = vector.shape_cast %get3A_2783 : vector<1x384x128xbf16> to vector<384x128xbf16>
    %dot_general3A_2785 = arith.constant dense<0.000000e+00> : vector<1024x128xf32>
    %dot_general3A_2786 = tpu.matmul %get3A_2779, %get3A_2784, %dot_general3A_2785 {dimension_numbers = #tpu.dot_dimension_numbers<[1], [0], [0], [1], [0, 0, 1, 1], [], []>, transpose_lhs_hint = false} : vector<1024x384xbf16>, vector<384x128xbf16>, vector<1024x128xf32> -> vector<1024x128xf32>
    %add3A_2787 = arith.addf %dot_general3A_2776, %dot_general3A_2786 : vector<1024x128xf32>
    %get3A_2788 = arith.constant 15616 : index
    %get3A_2789 = arith.constant 0 : index
    %get3A_2790 = vector.load %arg17[%get3A_2788, %get3A_2789] : memref<16640x384xbf16, #tpu.memory_space<vmem>>, vector<1024x384xbf16>
    %get3A_2791 = arith.constant 2 : index
    %get3A_2792 = arith.constant 0 : index
    %get3A_2793 = arith.constant 0 : index
    %get3A_2794 = vector.load %arg4[%get3A_2791, %get3A_2792, %get3A_2793] : memref<3x384x128xbf16, #tpu.memory_space<vmem>>, vector<1x384x128xbf16>
    %get3A_2795 = vector.shape_cast %get3A_2794 : vector<1x384x128xbf16> to vector<384x128xbf16>
    %dot_general3A_2796 = arith.constant dense<0.000000e+00> : vector<1024x128xf32>
    %dot_general3A_2797 = tpu.matmul %get3A_2790, %get3A_2795, %dot_general3A_2796 {dimension_numbers = #tpu.dot_dimension_numbers<[1], [0], [0], [1], [0, 0, 1, 1], [], []>, transpose_lhs_hint = false} : vector<1024x384xbf16>, vector<384x128xbf16>, vector<1024x128xf32> -> vector<1024x128xf32>
    %add3A_2798 = arith.addf %add3A_2787, %dot_general3A_2797 : vector<1024x128xf32>
    %get3A_2799 = arith.constant 0 : index
    %get3A_2800 = arith.constant 0 : index
    %get3A_2801 = vector.load %arg5[%get3A_2799, %get3A_2800] : memref<1x128xf32, #tpu.memory_space<vmem>>, vector<1x128xf32>
    %add3A_2802 = vector.broadcast %get3A_2801 : vector<1x128xf32> to vector<1024x128xf32>
    %add3A_2803 = arith.addf %add3A_2798, %add3A_2802 : vector<1024x128xf32>
    %max3A_2804 = arith.constant 0.000000e+00 : f32
    %max3A_2805 = vector.broadcast %max3A_2804 : f32 to vector<1024x128xf32>
    %max3A_2806 = arith.maximumf %add3A_2803, %max3A_2805 : vector<1024x128xf32>
    %convert_element_type3A_2807 = arith.truncf %max3A_2806 : vector<1024x128xf32> to vector<1024x128xbf16>
    %get3A_2808 = arith.constant 0 : index
    %get3A_2809 = arith.constant 0 : index
    %get3A_2810 = vector.load %arg6[%get3A_2808, %get3A_2809] : memref<128x80xbf16, #tpu.memory_space<vmem>>, vector<128x80xbf16>
    %dot_general3A_2811 = arith.constant dense<0.000000e+00> : vector<1024x80xf32>
    %dot_general3A_2812 = tpu.matmul %convert_element_type3A_2807, %get3A_2810, %dot_general3A_2811 {dimension_numbers = #tpu.dot_dimension_numbers<[1], [0], [0], [1], [0, 0, 1, 1], [], []>, transpose_lhs_hint = false} : vector<1024x128xbf16>, vector<128x80xbf16>, vector<1024x80xf32> -> vector<1024x80xf32>
    %get3A_2813 = arith.constant 0 : index
    %get3A_2814 = arith.constant 0 : index
    %get3A_2815 = vector.load %arg7[%get3A_2813, %get3A_2814] : memref<1x80xf32, #tpu.memory_space<vmem>>, vector<1x80xf32>
    %add3A_2816 = vector.broadcast %get3A_2815 : vector<1x80xf32> to vector<1024x80xf32>
    %add3A_2817 = arith.addf %dot_general3A_2812, %add3A_2816 : vector<1024x80xf32>
    %transpose3A_2818 = tpu.transpose %add3A_2817, [1, 0] : vector<1024x80xf32> -> vector<80x1024xf32>
    %swap3A_2819 = arith.constant 0 : index
    %swap3A_2820 = arith.constant 0 : index
    %swap3A_2821 = arith.constant 15360 : index
    %swap3A_2822 = vector.load %arg12[%swap3A_2819, %swap3A_2820, %swap3A_2821] : memref<1x80x16384xf32, #tpu.memory_space<vmem>>, vector<1x80x1024xf32>
    %swap3A_2823 = vector.shape_cast %swap3A_2822 : vector<1x80x1024xf32> to vector<80x1024xf32>
    %swap3A_2824 = vector.shape_cast %transpose3A_2818 : vector<80x1024xf32> to vector<1x80x1024xf32>
    tpu.vector_store %arg12[%swap3A_2819, %swap3A_2820, %swap3A_2821], %swap3A_2824 {strides = array<i32>} : memref<1x80x16384xf32, #tpu.memory_space<vmem>>, vector<1x80x1024xf32>,
    %get3A_2825 = arith.constant 15360 : index
    %get3A_2826 = arith.constant 0 : index
    %get3A_2827 = vector.load %arg15[%get3A_2825, %get3A_2826] : memref<16640x64xbf16, #tpu.memory_space<vmem>>, vector<1024x64xbf16>
    %get3A_2828 = arith.constant 15488 : index
    %get3A_2829 = arith.constant 0 : index
    %get3A_2830 = vector.load %arg15[%get3A_2828, %get3A_2829] : memref<16640x64xbf16, #tpu.memory_space<vmem>>, vector<1024x64xbf16>
    %get3A_2831 = arith.constant 15616 : index
    %get3A_2832 = arith.constant 0 : index
    %get3A_2833 = vector.load %arg15[%get3A_2831, %get3A_2832] : memref<16640x64xbf16, #tpu.memory_space<vmem>>, vector<1024x64xbf16>
    %get3A_2834 = arith.constant 15360 : index
    %get3A_2835 = arith.constant 0 : index
    %get3A_2836 = vector.load %arg18[%get3A_2834, %get3A_2835] : memref<16640x64xbf16, #tpu.memory_space<vmem>>, vector<1024x64xbf16>
    %get3A_2837 = arith.constant 15488 : index
    %get3A_2838 = arith.constant 0 : index
    %get3A_2839 = vector.load %arg18[%get3A_2837, %get3A_2838] : memref<16640x64xbf16, #tpu.memory_space<vmem>>, vector<1024x64xbf16>
    %get3A_2840 = arith.constant 15616 : index
    %get3A_2841 = arith.constant 0 : index
    %get3A_2842 = vector.load %arg18[%get3A_2840, %get3A_2841] : memref<16640x64xbf16, #tpu.memory_space<vmem>>, vector<1024x64xbf16>
    %get3A_2843 = arith.constant 15360 : index
    %get3A_2844 = arith.constant 0 : index
    %get3A_2845 = vector.load %arg16[%get3A_2843, %get3A_2844] : memref<16640x64xbf16, #tpu.memory_space<vmem>>, vector<1024x64xbf16>
    %get3A_2846 = arith.constant 15488 : index
    %get3A_2847 = arith.constant 0 : index
    %get3A_2848 = vector.load %arg16[%get3A_2846, %get3A_2847] : memref<16640x64xbf16, #tpu.memory_space<vmem>>, vector<1024x64xbf16>
    %get3A_2849 = arith.constant 15616 : index
    %get3A_2850 = arith.constant 0 : index
    %get3A_2851 = vector.load %arg16[%get3A_2849, %get3A_2850] : memref<16640x64xbf16, #tpu.memory_space<vmem>>, vector<1024x64xbf16>
    %concatenate3A_2852 = tpu.concatenate %get3A_2827, %get3A_2830, %get3A_2833, %get3A_2836, %get3A_2839, %get3A_2842, %get3A_2845, %get3A_2848, %get3A_2851 in 1 : vector<1024x64xbf16>, vector<1024x64xbf16>, vector<1024x64xbf16>, vector<1024x64xbf16>, vector<1024x64xbf16>, vector<1024x64xbf16>, vector<1024x64xbf16>, vector<1024x64xbf16>, vector<1024x64xbf16> -> vector<1024x576xbf16>
    %get3A_2853 = arith.constant 0 : index
    %get3A_2854 = arith.constant 0 : index
    %get3A_2855 = vector.load %arg8[%get3A_2853, %get3A_2854] : memref<576x64xbf16, #tpu.memory_space<vmem>>, vector<576x64xbf16>
    %dot_general3A_2856 = arith.constant dense<0.000000e+00> : vector<1024x64xf32>
    %dot_general3A_2857 = tpu.matmul %concatenate3A_2852, %get3A_2855, %dot_general3A_2856 {dimension_numbers = #tpu.dot_dimension_numbers<[1], [0], [0], [1], [0, 0, 1, 1], [], []>, transpose_lhs_hint = false} : vector<1024x576xbf16>, vector<576x64xbf16>, vector<1024x64xf32> -> vector<1024x64xf32>
    %get3A_2858 = arith.constant 0 : index
    %get3A_2859 = arith.constant 0 : index
    %get3A_2860 = vector.load %arg9[%get3A_2858, %get3A_2859] : memref<1x64xf32, #tpu.memory_space<vmem>>, vector<1x64xf32>
    %add3A_2861 = vector.broadcast %get3A_2860 : vector<1x64xf32> to vector<1024x64xf32>
    %add3A_2862 = arith.addf %dot_general3A_2857, %add3A_2861 : vector<1024x64xf32>
    %max3A_2863 = arith.constant 0.000000e+00 : f32
    %max3A_2864 = vector.broadcast %max3A_2863 : f32 to vector<1024x64xf32>
    %max3A_2865 = arith.maximumf %add3A_2862, %max3A_2864 : vector<1024x64xf32>
    %convert_element_type3A_2866 = arith.truncf %max3A_2865 : vector<1024x64xf32> to vector<1024x64xbf16>
    %get3A_2867 = arith.constant 0 : index
    %get3A_2868 = arith.constant 0 : index
    %get3A_2869 = vector.load %arg10[%get3A_2867, %get3A_2868] : memref<64x8xbf16, #tpu.memory_space<vmem>>, vector<64x8xbf16>
    %dot_general3A_2870 = arith.constant dense<0.000000e+00> : vector<1024x8xf32>
    %dot_general3A_2871 = tpu.matmul %convert_element_type3A_2866, %get3A_2869, %dot_general3A_2870 {dimension_numbers = #tpu.dot_dimension_numbers<[1], [0], [0], [1], [0, 0, 1, 1], [], []>, transpose_lhs_hint = false} : vector<1024x64xbf16>, vector<64x8xbf16>, vector<1024x8xf32> -> vector<1024x8xf32>
    %get3A_2872 = arith.constant 0 : index
    %get3A_2873 = arith.constant 0 : index
    %get3A_2874 = vector.load %arg11[%get3A_2872, %get3A_2873] : memref<1x8xf32, #tpu.memory_space<vmem>>, vector<1x8xf32>
    %add3A_2875 = vector.broadcast %get3A_2874 : vector<1x8xf32> to vector<1024x8xf32>
    %add3A_2876 = arith.addf %dot_general3A_2871, %add3A_2875 : vector<1024x8xf32>
    %max3A_2877 = arith.constant 0.000000e+00 : f32
    %max3A_2878 = vector.broadcast %max3A_2877 : f32 to vector<1024x8xf32>
    %max3A_2879 = arith.maximumf %add3A_2876, %max3A_2878 : vector<1024x8xf32>
    %mul3A_2880 = arith.constant 1.600000e+01 : f32
    %mul3A_2881 = vector.broadcast %mul3A_2880 : f32 to vector<1024x8xf32>
    %mul3A_2882 = arith.mulf %max3A_2879, %mul3A_2881 : vector<1024x8xf32>
    %transpose3A_2883 = tpu.transpose %mul3A_2882, [1, 0] : vector<1024x8xf32> -> vector<8x1024xf32>
    %slice3A_2884 = vector.extract_strided_slice %transpose3A_2883 {offsets = [0, 0], sizes = [4, 1024], strides = [1, 1]} : vector<8x1024xf32> to vector<4x1024xf32>
    %swap3A_2885 = arith.constant 0 : index
    %swap3A_2886 = arith.constant 0 : index
    %swap3A_2887 = arith.constant 15360 : index
    %swap3A_2888 = vector.load %arg13[%swap3A_2885, %swap3A_2886, %swap3A_2887] : memref<1x4x16384xf32, #tpu.memory_space<vmem>>, vector<1x4x1024xf32>
    %swap3A_2889 = vector.shape_cast %swap3A_2888 : vector<1x4x1024xf32> to vector<4x1024xf32>
    %swap3A_2890 = vector.shape_cast %slice3A_2884 : vector<4x1024xf32> to vector<1x4x1024xf32>
    tpu.vector_store %arg13[%swap3A_2885, %swap3A_2886, %swap3A_2887], %swap3A_2890 {strides = array<i32>} : memref<1x4x16384xf32, #tpu.memory_space<vmem>>, vector<1x4x1024xf32>,
    return
  }
  func.func @transform_1(%arg0: i32) -> (i32, i32) {
    %c0_i32 = arith.constant 0 : i32
    %c0_i32_0 = arith.constant 0 : i32
    %c0_i32_1 = arith.constant 0 : i32
    return %c0_i32, %c0_i32_0 : i32, i32
  }
  func.func @transform_2(%arg0: i32) -> (i32, i32) {
    %c0_i32 = arith.constant 0 : i32
    %c0_i32_0 = arith.constant 0 : i32
    %c0_i32_1 = arith.constant 0 : i32
    return %c0_i32, %c0_i32_0 : i32, i32
  }
  func.func @transform_3(%arg0: i32) -> (i32, i32, i32) {
    %c0_i32 = arith.constant 0 : i32
    %c0_i32_0 = arith.constant 0 : i32
    %c0_i32_1 = arith.constant 0 : i32
    %c0_i32_2 = arith.constant 0 : i32
    return %c0_i32, %c0_i32_0, %c0_i32_1 : i32, i32, i32
  }
  func.func @transform_4(%arg0: i32) -> (i32, i32) {
    %c0_i32 = arith.constant 0 : i32
    %c0_i32_0 = arith.constant 0 : i32
    %c0_i32_1 = arith.constant 0 : i32
    return %c0_i32, %c0_i32_0 : i32, i32
  }
  func.func @transform_5(%arg0: i32) -> (i32, i32) {
    %c0_i32 = arith.constant 0 : i32
    %c0_i32_0 = arith.constant 0 : i32
    %c0_i32_1 = arith.constant 0 : i32
    return %c0_i32, %c0_i32_0 : i32, i32
  }
  func.func @transform_6(%arg0: i32) -> (i32, i32) {
    %c0_i32 = arith.constant 0 : i32
    %c0_i32_0 = arith.constant 0 : i32
    %c0_i32_1 = arith.constant 0 : i32
    return %c0_i32, %c0_i32_0 : i32, i32
  }
  func.func @transform_7(%arg0: i32) -> (i32, i32) {
    %c0_i32 = arith.constant 0 : i32
    %c0_i32_0 = arith.constant 0 : i32
    %c0_i32_1 = arith.constant 0 : i32
    return %c0_i32, %c0_i32_0 : i32, i32
  }
  func.func @transform_8(%arg0: i32) -> (i32, i32) {
    %c0_i32 = arith.constant 0 : i32
    %c0_i32_0 = arith.constant 0 : i32
    %c0_i32_1 = arith.constant 0 : i32
    return %c0_i32, %c0_i32_0 : i32, i32
  }
  func.func @transform_9(%arg0: i32) -> (i32, i32) {
    %c0_i32 = arith.constant 0 : i32
    %c0_i32_0 = arith.constant 0 : i32
    %c0_i32_1 = arith.constant 0 : i32
    return %c0_i32, %c0_i32_0 : i32, i32
  }
  func.func @transform_10(%arg0: i32) -> (i32, i32) {
    %c0_i32 = arith.constant 0 : i32
    %c0_i32_0 = arith.constant 0 : i32
    %c0_i32_1 = arith.constant 0 : i32
    return %c0_i32, %c0_i32_0 : i32, i32
  }
  func.func @transform_11(%arg0: i32) -> (i32, i32, i32) {
    %c0_i32 = arith.constant 0 : i32
    %c0_i32_0 = arith.constant 0 : i32
    %c0_i32_1 = arith.constant 0 : i32
    return %arg0, %c0_i32, %c0_i32_0 : i32, i32, i32
  }
  func.func @transform_12(%arg0: i32) -> (i32, i32, i32) {
    %c0_i32 = arith.constant 0 : i32
    %c0_i32_0 = arith.constant 0 : i32
    %c0_i32_1 = arith.constant 0 : i32
    return %arg0, %c0_i32, %c0_i32_0 : i32, i32, i32
  }
}

</mosaic_0001>

<sc_bundles>
// kernel: sparse-core-data-format-call.cloned.1.call-start
scs
called_computation_lowered:
.L_overlay_start_0:
0x0: {  	s2 =	sld [smem:$0x3FD9]  }
0x1: {  	s3 =	sld [smem:$0x3FFE];
	_ =	sdelay $0x1  }
0x2: {  	s1 =	srdreg.scid  }
0x3: {  	s0 =	sand.u32 $0x1, s1  }
0x4: {  	s15 =	sshll.u32 s0, $0xA;
	s2 =	sadd.s32 s3, s2  }
0x5: {  	s2 =	sadd.s32 s2, s15  }
0x6: {  	[smem:$0x3FBB] =	sst s2  }
0x7: {  	_ = 	snop  }
0x8: {  	s2 =	sld [smem:$0x3FD0];
	_ =	sdelay $0x2  }
0x9: {  	s16 =	simm.s32 $0xA;
	s4 =	simm.s32 $0x10  }
0xa: {  	[smem:s4], [sflag:s16] =	dma.local [hbm:s2], $0x1  }
0xb: {  	_ =	swait.eq [sflag:s16], $0x1  }
0xc: {  	[sflag:s16] =	ssyncset.done $0x0  }
0xd: {  	[sflag:s16] =	ssyncadd.s32 $0xFFFFFFFF  }
0xe: {  	s17 =	sld [smem:$0x10];
	(tm) =	ssettm $0x1  }
0xf: {  	s18 =	sld [smem:$0x3FFB];
	_ =	sdelay $0x3  }
0x10: {  	_ =	strace s18  }
0x11: {  	s3 =	sld [smem:$0x3FFC];
	_ =	sdelay $0x3  }
0x12: {  	_ =	strace s3  }
0x13: {  	s3 =	sld [smem:$0x3FFD];
	_ =	sdelay $0x3  }
0x14: {  	_ =	strace s3  }
0x15: {  	_ =	strace $0x8FFFFFFF  }
0x16: {  	s19 =	sld [smem:$0x3FDB];
	_ =	sdelay $0x1  }
0x17: {  	s20 =	simm.s32 $_scs_section_size  }
0x18: {  	s5 =	simm.s32 $_size__tile_overlayer_lowered;
	s6 =	simm.s32 $_tile_overlayer_lowered  }
0x19: {  	s23 =	simm.s32 $0x1BFF;
	s22 =	sshll.u32 s6, $0x1;
	s3 =	sadd.s32 s20, s19  }
0x1a: {  	s7 =	simm.s32 $0x0;
	s21 =	sshll.u32 s5, $0x1;
	s5 =	sadd.s32 s22, s3  }
0x1b: {  	[timem:s7], [sflag:s23] =	dma.local [hbm:s5], s21  }
0x1c: {  	_ =	swait.ge [sflag:s23], s21  }
0x1d: {  	s4 =	ssub.s32 $0x0, s21;
	[sflag:s23] =	ssyncset.done $0x0  }
0x1e: {  	[sflag:s23] =	ssyncadd.s32 s4;
	_ =	sdelay $0x1  }
0x1f: {  	s24 =	simm.s32 $0x1B8B  }
0x20: {  	_ =	swait.ge [sflag:s24], $0x1  }
0x21: {  	[sflag:s24] =	ssyncset.done $0x0  }
0x22: {  	s26 =	simm.s32 $0x1B8E;
	s25 =	sld [smem:$0x3FFE];
	[sflag:s24] =	ssyncadd.s32 $0xFFFFFFFF  }
0x23: {  	s27 =	simm.s32 $execute0_lowered;
	[smem:$0x3FD2] =	sst s26  }
0x24: {  	s5 =	sshll.u32 s27, $0x1;
	_ =	strace $0x80000046;
	[dreg:$0x1] =	wrdreg $0xFFFFFFFF  }
0x25: {  	s28 =	simm.s32 $_size_execute0_lowered;
	s3 =	sadd.s32 s3, s5;
	[dreg:$0x0] =	wrdreg $0x0  }
0x26: {  	s5 =	sshll.u32 s28, $0x1;
	[dreg:$0x2] =	wrdreg s3  }
0x27: {  	[dreg:$0x3] =	wrdreg s5  }
0x28: {  	[dreg:$0x4] =	wrdreg $0xC0  }
0x29: {  	_ =	task [dreg:s7], $0x5FFFF  }
0x2a: {  	[dreg:$0x1] =	wrdreg $0xFFFFFFFF  }
0x2b: {  	[dreg:$0x0] =	wrdreg $0x60  }
0x2c: {  	[dreg:$0x2] =	wrdreg s25  }
0x2d: {  	[dreg:$0x3] =	wrdreg s17  }
0x2e: {  	[dreg:$0x4] =	wrdreg $0x9  }
0x2f: {  	_ =	task.clear_ibuf [dreg:s7], $0x5FFFF;
	_ =	strace $0x90000046  }
0x30: {  	s29 =	simm.s32 $0x9;
	_ =	strace $0x80000048  }
0x31: {  	_ =	swait.ge [sflag:s29], $0x1  }
0x32: {  	[sflag:s29] =	ssyncadd.s32 $0xFFFFFFFF  }
0x33: {  	_ =	strace $0x90000048  }
0x34: {  	_ =	sfence  }
0x35: {  	s30 =	sld [smem:$0x0];
	_ =	sdelay $0x2  }
0x36: {  	s31 =	sshll.u32 s1, $0xD;
	s1 =	sshrl.u32 s1, $0x2  }
0x37: {  	s3 =	sand.u32 $0x4000, s31;
	s1 =	sadd.s32 s1, s30  }
0x38: {  	s0 =	sor.u32 s3, s0;
	s1 =	sshll.u32 s1, $0x11  }
0x39: {  	s0 =	sor.u32 s1, s0  }
0x3a: {  	s0 =	sadd.s32 $0x8F2B, s0  }
0x3b: {  	[sflag:s0] =	ssyncadd.remote.s32 $0x1  }
0x3c: {  	_ =	sfence.sel $0xFFFF  }
0x3d: {  	[dreg:$0x0] =	wrdreg $0xFFFFFFFF;
	(pc) =	sbr.abs _section_cstart, $3  }
0x3e: {  	[dreg:$0x1] =	wrdreg $0xFFFFFFFF  }
0x3f: {  	_ =	task.clear_ibuf [dreg:s7], $0x2FFFF;
	_ =	strace $0x9FFFFFFF  }
0x40: {  	(tm) =	ssettm $0x7FFFFFFF  }
0x41: {  	_ =	shalt  }
tec
execute0_lowered:
.L_overlay_start_1:
0x0: {  	(tag) =	ssettag $0x1  }
0x1: {  	s0 =	stileid.u32;
	s1 =	srdreg.scid  }
0x2: {  	s5 =	rddreg [dreg:$0x0];
	s2 =	sshll.u32 s0, $0x2;
	s1 =	sshll.u32 s1, $0x6  }
0x3: {  	s3 =	rddreg [dreg:$0x1];
	s6 =	simm.s32 $0x1;
	s1 =	sor.u32 s2, s1  }
0x4: {  	s8 =	simm.s32 $0x2;
	s14 =	simm.s32 $0x0;
	s2 =	sand.u32 $0x70, s1  }
0x5: {  	s9 =	simm.s32 $0x800;
	s10 =	simm.s32 $0x4000;
	s4 =	ssub.s32 $0x80, s2  }
0x6: {  	s11 =	simm.s32 $0x0;
	s15 =	simm.s32 $0x0;
	s31 =	sand.u32 $0x70, s4  }
0x7: {  	s13 =	simm.s32 $0x0;
	s1 =	rddreg [dreg:$0x2];
	p0 =	sne.s32 s31, $0x0  }
.Ltmp0:
0x8: {  	s4 =	sshrl.u32 s4, $0x7;
	s6 =	simm.s32 @!p0 $0x0;
	(pc) =	sbr.rel .LBB1_1-.Ltmp0, $4  }
0x9: {  	_ =	strace $0x80000047;
	s7 =	sshll.u32 s2, $0x7;
	s6 =	sadd.s32 s6, s4  }
0xa: {  	s7 =	sadd.s32 s7, s5;
	s4 =	simm.s32 $0x1;
	s5 =	smul.u32 $0x14, s6  }
0xb: {  	s7 =	sadd.s32 $0x7000, s7;
	s6 =	sand.u32 $0x3, s0;
	[sflag:s4] =	ssyncpa.u1 $0x0  }
0xc: {  	[sflag:s8] =	ssyncpa.u1 $0x0;
	s12 =	smov.u32 s6;
	s8 =	sor.u32 $0x1, s5  }
.LBB1_7:
0xd: {  	s16 =	sadd.s32 $0x4, s12  }
0xe: {  	p1 =	sgt.s32 s16, $0x4F  }
0xf: {  	s16 =	smov.u32 @p1 s6;
	p1 =	sne.s32 s13, s8  }
.Ltmp1:
0x10: {  	p0 =	slt.u32 s13, $0x2;
	(pc) =	sbr.rel @!p1 .LBB1_8-.Ltmp1, $4  }
0x11: {  	s14 =	simm.s32 @!p0 $0x2  }
0x12: {  	s17 =	sadd.s32 $0x1, s13;
	s15 =	smov.u32 s12;
	_ =	swait.ge @!p0 [sflag:s14], $0x4000  }
0x13: {  	s11 =	sadd.s32 $0x4000, s11;
	s13 =	smov.u32 s17;
	[sflag:s14] =	ssyncset.done @!p0 $0x0  }
0x14: {  	s12 =	smov.u32 s16;
	[sflag:s14] =	ssyncadd.s32 @!p0 $0xFFFFC000;
	s14 =	smov.u32 s2  }
.LBB1_1:
0x15: {  	p0 =	sge.u32 s13, s5  }
0x16: {  	s16 =	sxor.u32 @!p0 $0xFFFFFFFF, s13  }
0x17: {  	s31 =	sadd.s32 $0xFFFFFFFF, s13;
	s17 =	sshll.u32 @!p0 s12, $0xE;
	s16 =	sshll.u32 @!p0 s16, $0xE  }
0x18: {  	s18 =	simm.s32 @!p0 $0x0;
	s17 =	sadd.s32 @!p0 s17, s7;
	s16 =	sand.u32 @!p0 $0x4000, s16  }
0x19: {  	[tilespmem:s16], [sflag:$0x1] =	stream.linear.gather @!p0 [hbm4b:s17+s18], $0x4000, $0x38;
	[tilespmem:$0x10000] =	vst v63  }
0x1a: {  	p0 =	sge.u32 s31, s5  }
.Ltmp2:
0x1b: {  	_ = 	snop;
	(pc) =	sbr.rel @p0 .LBB1_7-.Ltmp2, $1  }
0x1c: {  	_ =	sdelay $0x3  }
0x1d: {  	s17 =	sand.u32 $0x4000, s11  }
0x1e: {  	_ =	swait.ge [sflag:s4], $0x4000;
	s19 =	sshll.u32 s13, $0xE;
	s16 =	sor.u32 $0x8040, s17  }
0x1f: {  	s18 =	sor.u32 $0x40, s17;
	[sflag:s4] =	ssyncset.done $0x0;
	s31 =	sand.u32 $0x4000, s19  }
0x20: {  	s19 =	simm.s32 $0x0;
	[sflag:s4] =	ssyncadd.s32 $0xFFFFC000;
	s17 =	sor.u32 $0x8000, s31  }
.LBB1_3:
0x21: {  	v0 =	vmov s18;
	_ =	sdelay $0x3  }
0x22: {  	s21 =	simm.s32 $0x0  }
0x23: {  	v6 =	vld.idx.msk [tilespmem:v0+s21+$0x30 ss:$0x1], $0xffff  }
0x24: {  	v7 =	vld.idx.msk [tilespmem:v0+s21+$0xFFFFFFC0 ss:$0x1], $0xffff  }
0x25: {  	v5 =	vld.idx.msk [tilespmem:v0+s21+$0xFFFFFFD0 ss:$0x1], $0xffff  }
0x26: {  	v4 =	vld.idx.msk [tilespmem:v0+s21+$0xFFFFFFE0 ss:$0x1], $0xffff  }
0x27: {  	v3 =	vld.idx.msk [tilespmem:v0+s21+$0xFFFFFFF0 ss:$0x1], $0xffff  }
0x28: {  	v1 =	vld.idx.msk [tilespmem:v0+s21+$0x0 ss:$0x1], $0xffff  }
0x29: {  	v2 =	vld.idx.msk [tilespmem:v0+s21+$0x10 ss:$0x1], $0xffff;
	[tilespmem:s16+$0x30] =	vst v6  }
0x2a: {  	s20 =	simm.s32 $0x80;
	s22 =	simm.s32 $0x400;
	[tilespmem:s16+$0xFFFFFFC0] =	vst v7;
	v6 =	vld.idx.msk [tilespmem:v0+s21+$0x20 ss:$0x1], $0xffff;
	s21 =	smov.u32 s16  }
.LBB1_4:
0x2b: {  	p0 =	sne.s32 s22, $0xE00;
	v7 =	vld.idx.msk [tilespmem:v0+s20+$0x30 ss:$0x1], $0xffff;
	[tilespmem:s21+$0xFFFFFFD0] =	vst v5  }
0x2c: {  	v8 =	vld.idx.msk [tilespmem:v0+s20+$0xFFFFFFC0 ss:$0x1], $0xffff;
	[tilespmem:s21+$0xFFFFFFE0] =	vst v4  }
0x2d: {  	v5 =	vld.idx.msk [tilespmem:v0+s20+$0xFFFFFFD0 ss:$0x1], $0xffff;
	[tilespmem:s21+$0xFFFFFFF0] =	vst v3  }
.Ltmp3:
0x2e: {  	v4 =	vld.idx.msk [tilespmem:v0+s20+$0xFFFFFFE0 ss:$0x1], $0xffff;
	[tilespmem:s21+$0x0] =	vst v1;
	(pc) =	sbr.rel @p0 .LBB1_4-.Ltmp3, $4  }
0x2f: {  	v3 =	vld.idx.msk [tilespmem:v0+s20+$0xFFFFFFF0 ss:$0x1], $0xffff;
	[tilespmem:s21+$0x10] =	vst v2  }
0x30: {  	v1 =	vld.idx.msk [tilespmem:v0+s20+$0x0 ss:$0x1], $0xffff;
	[tilespmem:s21+$0x20] =	vst v6;
	s21 =	sadd.s32 $0x800, s21  }
0x31: {  	v2 =	vld.idx.msk [tilespmem:v0+s20+$0x10 ss:$0x1], $0xffff;
	[tilespmem:s21+$0x30] =	vst v7  }
0x32: {  	[tilespmem:s21+$0xFFFFFFC0] =	vst v8;
	v6 =	vld.idx.msk [tilespmem:v0+s20+$0x20 ss:$0x1], $0xffff;
	s20 =	sshra.s32 s22, $0x2;
	s22 =	sadd.s32 $0x200, s22  }
0x33: {  	_ =	sdelay $0x2  }
0x34: {  	[tilespmem:s21+$0xFFFFFFD0] =	vst v5  }
0x35: {  	v56 =	vld.idx.msk [tilespmem:v0+s20+$0x30 ss:$0x1], $0xffff;
	[tilespmem:s21+$0xFFFFFFE0] =	vst v4  }
0x36: {  	v57 =	vld.idx.msk [tilespmem:v0+s20+$0xFFFFFFC0 ss:$0x1], $0xffff;
	[tilespmem:s21+$0xFFFFFFF0] =	vst v3  }
0x37: {  	v58 =	vld.idx.msk [tilespmem:v0+s20+$0xFFFFFFD0 ss:$0x1], $0xffff;
	[tilespmem:s21+$0x0] =	vst v1  }
0x38: {  	v59 =	vld.idx.msk [tilespmem:v0+s20+$0xFFFFFFE0 ss:$0x1], $0xffff;
	[tilespmem:s21+$0x10] =	vst v2  }
0x39: {  	v60 =	vld.idx.msk [tilespmem:v0+s20+$0xFFFFFFF0 ss:$0x1], $0xffff;
	s31 =	sadd.s32 $0x800, s21;
	[tilespmem:s21+$0x20] =	vst v6  }
0x3a: {  	v61 =	vld.idx.msk [tilespmem:v0+s20+$0x0 ss:$0x1], $0xffff;
	[tilespmem:s31+$0x30] =	vst v56  }
0x3b: {  	v62 =	vld.idx.msk [tilespmem:v0+s20+$0x10 ss:$0x1], $0xffff;
	s19 =	sadd.s32 $0x1, s19;
	[tilespmem:s31+$0xFFFFFFC0] =	vst v57  }
0x3c: {  	v63 =	vld.idx.msk [tilespmem:v0+s20+$0x20 ss:$0x1], $0xffff;
	p0 =	sne.s32 s19, $0x10;
	[tilespmem:s31+$0xFFFFFFD0] =	vst v58  }
.Ltmp4:
0x3d: {  	[tilespmem:s31+$0xFFFFFFE0] =	vst v59;
	(pc) =	sbr.rel @p0 .LBB1_3-.Ltmp4, $4  }
0x3e: {  	[tilespmem:s31+$0xFFFFFFF0] =	vst v60  }
0x3f: {  	[tilespmem:s31+$0x0] =	vst v61  }
0x40: {  	[tilespmem:s31+$0x10] =	vst v62  }
0x41: {  	s16 =	sadd.s32 $0x80, s16;
	s18 =	sadd.s32 $0x400, s18;
	[tilespmem:s31+$0x20] =	vst v63  }
.Ltmp5:
0x42: {  	(pc) =	sbr.rel .LBB1_7-.Ltmp5, $4  }
0x43: {  	s15 =	sshll.u32 s15, $0xE  }
0x44: {  	s14 =	sshll.u32 s14, $0x4;
	s15 =	sadd.s32 s3, s15  }
0x45: {  	s14 =	sadd.s32 s14, s15  }
0x46: {  	[hbm4b:s14+s9] =	stream.strided.scatter [tilespmem:s17], [sflag:$0x2], $0x4000, s10, s9, $0x38;
	[tilespmem:$0x10000] =	vst v63  }
.LBB1_8:
0x47: {  	_ =	sfence.sel $0x180000  }
0x48: {  	s2 =	simm.s32 $0x1;
	[bflag:$0x0] =	sbarrier.arrive $0xFFFF  }
0x49: {  	s31 =	simm.s32 $0x2;
	[sflag:s2] =	ssyncpa.u1 $0x1  }
0x4a: {  	[sflag:s31] =	ssyncpa.u1 $0x1  }
0x4b: {  	p0 =	sne.s32 s0, $0x0;
	_ =	strace $0x90000047  }
0x4c: {  	s0 =	sadd.s32 @!p0 $0x100000, s1;
	[bflag:$0x2] =	sbarrier.arrive $0xFFFF  }
0x4d: {  	[sflag:s0] =	ssyncadd.tile.s32 @!p0 $0x1;
	_ =	shalt  }
.Lfunc_end1:
_tile_overlayer_lowered:
.L_overlay_start_2:
0x4e: {  	(tag) =	ssettag $0x2  }
0x4f: {  	s0 =	rddreg [dreg:$0x0];
	s2 =	stileid.u32  }
0x50: {  	s1 =	rddreg [dreg:$0x1];
	p0 =	sne.s32 s2, $0x0  }
0x51: {  	s3 =	rddreg [dreg:$0x2];
	[bflag:$0x3] =	sbarrier.arrive $0xFFFF;
	s2 =	simm.s32 @!p0 $0x1C01  }
0x52: {  	[timem:s3], [sflag:s2] =	dma.local @!p0 [hbm:s0], s1  }
0x53: {  	s0 =	simm.s32 @!p0 $0x1  }
0x54: {  	_ =	swait.ge @!p0 [sflag:s0], s1  }
0x55: {  	s1 =	ssub.s32 @!p0 $0x0, s1;
	[sflag:s0] =	ssyncset.done @!p0 $0x0  }
0x56: {  	[sflag:s0] =	ssyncadd.s32 @!p0 s1  }
0x57: {  	[bflag:$0x3] =	sbarrier.arrive $0xFFFF  }
0x58: {  	_ =	shalt  }

</sc_bundles>
